<compile_context>
chip_gen: v7x
topology: tpu7x:2x2x1
jax: 0.10.2.dev20260603
libtpu: 0.0.44.dev20260713+nightly
codegen_flags: <defaults>
</compile_context>

<pallas_src>
import jax
import jax.numpy as jnp
from jax import lax
from jax.experimental import pallas as pl
from jax.experimental.pallas import tpu as pltpu
from jax.experimental.pallas import tpu_sc as plsc

_B, _S, _D, _V = 2, 2048, 1024, 8192
_N = _B * _S
_MASK = 8191
_THR = 0.15
_IGN = -100

_RT = 1024
_CT = 1024
_NRT = _N // _RT
_NCT = _V // _CT


def _sc_gather(table, idx):
    n = idx.shape[0]
    d = table.shape[1]
    info = plsc.get_sparse_core_info()
    nw = info.num_cores * info.num_subcores
    bpw = n // nw
    ch = 32
    nch = bpw // ch
    mesh = plsc.VectorSubcoreMesh(core_axis_name="c", subcore_axis_name="s")

    def body(table_hbm, idx_hbm, out_hbm, idx_v, rows0, rows1, sem0, sem1):
        wid = lax.axis_index("s") * info.num_cores + lax.axis_index("c")
        base = wid * bpw
        pltpu.sync_copy(idx_hbm.at[pl.ds(base, bpw)], idx_v)
        bufs = (rows0, rows1)
        sems = (sem0, sem1)
        cps = [None, None]
        cps[0] = pltpu.async_copy(
            table_hbm.at[idx_v.at[pl.ds(0, ch)]], rows0, sem0)
        for c in range(nch):
            cps[c % 2].wait()
            if c + 1 < nch:
                cps[(c + 1) % 2] = pltpu.async_copy(
                    table_hbm.at[idx_v.at[pl.ds((c + 1) * ch, ch)]],
                    bufs[(c + 1) % 2], sems[(c + 1) % 2])
            pltpu.sync_copy(bufs[c % 2], out_hbm.at[pl.ds(base + c * ch, ch)])

    f = pl.kernel(
        body,
        out_type=jax.ShapeDtypeStruct((n, d), jnp.float32),
        mesh=mesh,
        scratch_types=[
            pltpu.VMEM((bpw,), jnp.int32),
            pltpu.VMEM((ch, d), jnp.float32),
            pltpu.VMEM((ch, d), jnp.float32),
            pltpu.SemaphoreType.DMA,
            pltpu.SemaphoreType.DMA,
        ],
    )
    return f(table, idx)


def _prep0_body(g_ref, ht_ref, attn_ref, h_o):
    h_o[...] = ((g_ref[...] + ht_ref[...]) * attn_ref[:, 0:1]
                ).astype(jnp.bfloat16)


def _prep1_body(g1_ref, g0_ref, ht_ref, attn_ref, h_o):
    a = attn_ref[:, 0:1]
    h_o[...] = ((g1_ref[...] + (g0_ref[...] + ht_ref[...]) * a) * a
                ).astype(jnp.bfloat16)


def _prep_row_spec():
    return pl.BlockSpec((_RT, _D), lambda i: (i, 0))


def _prep0(g0, ht, attn_col):
    return pl.pallas_call(
        _prep0_body,
        grid=(_NRT,),
        in_specs=[_prep_row_spec(), _prep_row_spec(),
                  pl.BlockSpec((_RT, 128), lambda i: (i, 0))],
        out_specs=_prep_row_spec(),
        out_shape=jax.ShapeDtypeStruct((_N, _D), jnp.bfloat16),
    )(g0, ht, attn_col)


def _prep1(g1, g0, ht, attn_col):
    return pl.pallas_call(
        _prep1_body,
        grid=(_NRT,),
        in_specs=[_prep_row_spec(), _prep_row_spec(), _prep_row_spec(),
                  pl.BlockSpec((_RT, 128), lambda i: (i, 0))],
        out_specs=_prep_row_spec(),
        out_shape=jax.ShapeDtypeStruct((_N, _D), jnp.bfloat16),
    )(g1, g0, ht, attn_col)


def _init_stats(m1_s, m2_s, se_s, ll_s):
    m1_s[...] = jnp.full_like(m1_s[...], -jnp.inf)
    m2_s[...] = jnp.full_like(m2_s[...], -jnp.inf)
    se_s[...] = jnp.zeros_like(se_s[...])
    ll_s[...] = jnp.zeros_like(ll_s[...])


def _sweep(L_s, logits_o, j, lab_ref, m1_s, m2_s, se_s, ll_s):
    lab = lab_ref[:, 0:1]
    xs = []
    for cc in range(_CT // 128):
        sl = pl.ds(cc * 128, 128)
        x = L_s[:, sl]
        if logits_o is not None:
            logits_o[:, sl] = x
        xs.append(x)
    es = None
    for x in xs:
        e = jnp.exp(x)
        es = e if es is None else es + e
    se_s[...] = se_s[...] + es
    pairs = [(jnp.maximum(a, b), jnp.minimum(a, b))
             for a, b in zip(xs[0::2], xs[1::2])]
    while len(pairs) > 1:
        nxt = []
        for (a1, a2), (b1, b2) in zip(pairs[0::2], pairs[1::2]):
            nxt.append((jnp.maximum(a1, b1),
                        jnp.maximum(jnp.minimum(a1, b1),
                                    jnp.maximum(a2, b2))))
        pairs = nxt
    t1, t2 = pairs[0]
    m1o = m1_s[...]
    m2o = m2_s[...]
    m1_s[...] = jnp.maximum(m1o, t1)
    m2_s[...] = jnp.maximum(jnp.minimum(m1o, t1), jnp.maximum(m2o, t2))
    lls = None
    for cc, x in enumerate(xs):
        col = lax.broadcasted_iota(jnp.int32, (_RT, 128), 1) \
            + (j * _CT + cc * 128)
        t = jnp.where(col == lab, x, 0.0)
        lls = t if lls is None else lls + t
    ll_s[...] = ll_s[...] + lls


def _step0_body(h_ref, w_ref, lab_ref, m1_o, m2_o, se_o, ll_o, L_s):
    j = pl.program_id(1)

    @pl.when(j == 0)
    def _():
        _init_stats(m1_o, m2_o, se_o, ll_o)

    L_s[...] = jnp.dot(h_ref[...], w_ref[...],
                       preferred_element_type=jnp.float32)
    _sweep(L_s, None, j, lab_ref, m1_o, m2_o, se_o, ll_o)


def _step1_body(h_ref, w_ref, lab_ref, logits_o, m1_o, m2_o, se_o, ll_o, L_s):
    j = pl.program_id(1)

    @pl.when(j == 0)
    def _():
        _init_stats(m1_o, m2_o, se_o, ll_o)

    L_s[...] = jnp.dot(h_ref[...], w_ref[...],
                       preferred_element_type=jnp.float32)
    _sweep(L_s, logits_o, j, lab_ref, m1_o, m2_o, se_o, ll_o)


def _h_spec():
    return pl.BlockSpec((_RT, _D), lambda i, j: (i, 0))


def _col128_spec():
    return pl.BlockSpec((_RT, 128), lambda i, j: (i, 0))


def _acc_shapes():
    return [jax.ShapeDtypeStruct((_N, 128), jnp.float32)] * 4


def _stats0(h_bf, w, lab_col):
    return pl.pallas_call(
        _step0_body,
        grid=(_NRT, _NCT),
        in_specs=[_h_spec(),
                  pl.BlockSpec((_D, _CT), lambda i, j: (0, j)),
                  _col128_spec()],
        out_specs=[_col128_spec()] * 4,
        out_shape=_acc_shapes(),
        scratch_shapes=[pltpu.VMEM((_RT, _CT), jnp.float32)],
        compiler_params=pltpu.CompilerParams(
            dimension_semantics=("arbitrary", "arbitrary")),
    )(h_bf, w, lab_col)


def _stats1(h_bf, w, lab_col):
    return pl.pallas_call(
        _step1_body,
        grid=(_NRT, _NCT),
        in_specs=[_h_spec(),
                  pl.BlockSpec((_D, _CT), lambda i, j: (0, j)),
                  _col128_spec()],
        out_specs=[pl.BlockSpec((_RT, _CT), lambda i, j: (i, j))]
        + [_col128_spec()] * 4,
        out_shape=[jax.ShapeDtypeStruct((_N, _V), jnp.float32)]
        + _acc_shapes(),
        scratch_shapes=[pltpu.VMEM((_RT, _CT), jnp.float32)],
        compiler_params=pltpu.CompilerParams(
            dimension_semantics=("arbitrary", "arbitrary")),
    )(h_bf, w, lab_col)


def _conf_nll(m1l, m2l, sel, lll):
    t1 = jnp.max(m1l, axis=1, keepdims=True)
    eq = m1l == t1
    cnt = jnp.sum(eq.astype(jnp.float32), axis=1, keepdims=True)
    s2a = jnp.max(jnp.where(eq, m2l, m1l), axis=1, keepdims=True)
    m2 = jnp.where(cnt > 1.5, t1, s2a)
    z = jnp.sum(sel, axis=1, keepdims=True)
    ll = jnp.sum(lll, axis=1, keepdims=True)
    p1 = jnp.exp(t1) / z
    p2 = jnp.exp(m2) / z
    conf = p1 - p2
    nll = jnp.log(z) - ll
    return conf, nll


def _finalize0_body(m1_c, m2_c, se_c, ll_c, conf_o, nll_o):
    conf, nll = _conf_nll(m1_c[...], m2_c[...], se_c[...], ll_c[...])
    conf_o[...] = jnp.broadcast_to(conf, (_N, 128))
    nll_o[...] = jnp.broadcast_to(nll, (_N, 128))


def _finalize0(m1, m2, se, ll):
    return pl.pallas_call(
        _finalize0_body,
        out_shape=[jax.ShapeDtypeStruct((_N, 128), jnp.float32)] * 2,
    )(m1, m2, se, ll)


def _unmask_body(conf_c, nll_c, ids_c, lab_c, conf_r, ids_r, lab_r,
                 out_ids, out_nd):
    confv = conf_c[:, 0:1]
    nllv = nll_c[:, 0:1]
    m_all = (ids_c[:, 0:1] == _MASK) & (lab_c[:, 0:1] != _IGN)
    mf = m_all.astype(jnp.float32)
    num0 = jnp.sum(nllv * (1.0 + confv) * mf)
    den0 = jnp.sum(mf)
    out_nd[0:1, 0:1] = jnp.reshape(num0, (1, 1))
    out_nd[1:2, 0:1] = jnp.reshape(den0, (1, 1))

    ch = 256
    for r in range(_B):
        u_r = 1.0 - conf_r[r:r + 1, :]
        m_r = (ids_r[r:r + 1, :] == _MASK) & (lab_r[r:r + 1, :] != _IGN)
        for c in range(_S // ch):
            base = r * _S + c * ch
            u_i = 1.0 - conf_c[base:base + ch, 0:1]
            j_idx = lax.broadcasted_iota(jnp.int32, (ch, _S), 1)
            i_idx = lax.broadcasted_iota(jnp.int32, (ch, _S), 0) + c * ch
            less = (u_r < u_i) | ((u_r == u_i) & (j_idx < i_idx))
            lessm = less & m_r
            g = jnp.sum(jnp.where(lessm, u_r, 0.0), axis=1, keepdims=True)
            cnt = jnp.sum(lessm.astype(jnp.int32), axis=1, keepdims=True)
            m_i = (ids_c[base:base + ch, 0:1] == _MASK) \
                & (lab_c[base:base + ch, 0:1] != _IGN)
            unm = m_i & ((g + u_i < _THR) | (cnt == 0))
            out_ids[base:base + ch, :] = jnp.where(
                unm, lab_c[base:base + ch, :], ids_c[base:base + ch, :])


def _unmask(conf_col, nll_col, ids_col, lab_col, conf_row, ids_row, lab_row):
    return pl.pallas_call(
        _unmask_body,
        out_shape=[jax.ShapeDtypeStruct((_N, 128), jnp.int32),
                   jax.ShapeDtypeStruct((8, 128), jnp.float32)],
    )(conf_col, nll_col, ids_col, lab_col, conf_row, ids_row, lab_row)


def _loss_body(m1_c, m2_c, se_c, ll_c, ids_c, lab_c, nd0, out):
    conf, nll = _conf_nll(m1_c[...], m2_c[...], se_c[...], ll_c[...])
    m_all = (ids_c[:, 0:1] == _MASK) & (lab_c[:, 0:1] != _IGN)
    mf = m_all.astype(jnp.float32)
    num1 = jnp.sum(nll * (1.0 + conf) * mf)
    den1 = jnp.sum(mf)
    num0 = nd0[0, 0]
    den0 = nd0[1, 0]
    total = num0 / jnp.maximum(den0, 1.0) + num1 / jnp.maximum(den1, 1.0)
    out[0:1, 0:1] = jnp.reshape(total, (1, 1))


def _loss(acc1, ids1_col, lab_col, nd0):
    return pl.pallas_call(
        _loss_body,
        out_shape=jax.ShapeDtypeStruct((8, 128), jnp.float32),
    )(*acc1, ids1_col, lab_col, nd0)


def kernel(input_ids, labels, attention_mask, embed, W_out, h_t):
    ids0 = input_ids.astype(jnp.int32)
    lab = labels.astype(jnp.int32)
    attn = attention_mask.astype(jnp.float32)

    lab_col = jnp.broadcast_to(lab.reshape(_N, 1), (_N, 128))
    ids0_col = jnp.broadcast_to(ids0.reshape(_N, 1), (_N, 128))
    attn_col = jnp.broadcast_to(attn.reshape(_N, 1), (_N, 128))
    ht = h_t.reshape(_N, _D)
    w_bf = W_out.astype(jnp.bfloat16)

    g0 = _sc_gather(embed, ids0.reshape(_N))
    h0_bf = _prep0(g0, ht, attn_col)
    acc0 = _stats0(h0_bf, w_bf, lab_col)
    conf0_col, nll0_col = _finalize0(*acc0)
    conf0_row = conf0_col[:, 0].reshape(_B, _S)
    ids1_col, nd0 = _unmask(conf0_col, nll0_col, ids0_col, lab_col,
                            conf0_row, ids0, lab)
    g1 = _sc_gather(embed, ids1_col[:, 0])
    h1_bf = _prep1(g1, g0, ht, attn_col)
    logits_flat, acc1 = None, None
    outs1 = _stats1(h1_bf, w_bf, lab_col)
    logits_flat, acc1 = outs1[0], outs1[1:]
    out_nd = _loss(acc1, ids1_col, lab_col, nd0)
    total = out_nd[0, 0]
    logits = logits_flat.reshape(_B, _S, _V)
    return (total, logits)

# --- scband reference (transcript-rebuilt; emitter-appended) ---
"""Pipeline reference for scband-loopholing-bpttpuma-loss-44641890074835 (READ-ONLY COPY).

The authoritative reference and input builder live on the scoring server;
editing this copy changes nothing except your own understanding.
"""

import jax, jax.numpy as jnp
import numpy as np

B, S, D, V = 2, 2048, 1024, 8192
MASK_ID = 8191
THRESHOLD = 0.15
NUM_STEPS = 2

def setup_inputs(seed: int = 0) -> dict:
    key = jax.random.key(seed)
    k1, k2, k3, k4, k5, k6 = jax.random.split(key, 6)
    base_ids = jax.random.randint(k1, (B, S), 0, V - 1)
    mask_pos = jax.random.uniform(k2, (B, S)) < 0.5
    input_ids = jnp.where(mask_pos, MASK_ID, base_ids).astype(jnp.int64)
    tgt = jax.random.randint(k3, (B, S), 0, V - 1)
    labels = jnp.where(mask_pos, tgt, -100).astype(jnp.int64)
    attention_mask = jnp.ones((B, S), jnp.float32)
    embed = jax.random.normal(k4, (V, D), jnp.float32) * 0.02
    W_out = jax.random.normal(k5, (D, V), jnp.float32) * 0.02
    h_t = jax.random.normal(k6, (B, S, D), jnp.float32) * 0.02
    return {"input_ids": input_ids, "labels": labels, "attention_mask": attention_mask,
            "embed": embed, "W_out": W_out, "h_t": h_t}

def _cross_entropy(logits, labels):
    valid = labels != -100
    safe = jnp.where(valid, labels, 0)
    logp = jax.nn.log_softmax(logits, axis=-1)
    nll = -jnp.take_along_axis(logp, safe[..., None], axis=-1)[..., 0]
    return jnp.where(valid, nll, 0.0)

def reference(input_ids, labels, attention_mask, embed, W_out, h_t):
    maskable = labels != -100
    ids = input_ids
    ht = h_t
    total_loss = jnp.float32(0.0)
    logits = None
    for t in range(NUM_STEPS):
        masked = (ids == MASK_ID) & maskable
        # surrogate model: embedding lookup + recurrent hidden + tied LM head
        h_s = (embed[ids] + ht) * attention_mask[..., None]
        logits = h_s @ W_out
        loss_t = _cross_entropy(logits, labels)
        # confidence (no-grad): prob_diff via top-2 over vocab
        probs = jax.nn.softmax(jax.lax.stop_gradient(logits), axis=-1)
        top2, _ = jax.lax.top_k(probs, 2)
        conf = top2[..., 0] - top2[..., 1]
        weights = 1.0 + conf  # weighted_ce
        loss_t = loss_t * weights
        mf = masked.astype(jnp.float32)
        loss_t = (loss_t * mf).sum() / jnp.maximum(mf.sum(), 1.0)
        total_loss = total_loss + loss_t
        if t < NUM_STEPS - 1:
            u = 1.0 - conf
            u_m = jnp.where(masked, u, jnp.inf)
            order = jnp.argsort(u_m, axis=-1)
            v = jnp.take_along_axis(u_m, order, axis=-1)
            finite = jnp.isfinite(v)
            csum = jnp.cumsum(jnp.where(finite, v, 0.0), axis=-1)
            unmask_sorted = (csum < THRESHOLD) & finite
            row_has = masked.any(axis=-1)
            fallback = row_has & (~unmask_sorted.any(axis=-1))
            unmask_sorted = unmask_sorted.at[:, 0].set(unmask_sorted[:, 0] | fallback)
            unmask = jax.vmap(lambda o, s: jnp.zeros((S,), bool).at[o].set(s))(order, unmask_sorted)
            ids = jnp.where(unmask, labels, ids)
            ht = h_s
    return (total_loss, logits)

if __name__ == "__main__":
    import jax
    _d = setup_inputs()
    print(jax.jit(kernel)(*tuple(_d.values())))

</pallas_src>

<mosaic_0001>
#map = affine_map<(d0, d1) -> (0, 0)>
#map1 = affine_map<(d0, d1) -> (0)>
module attributes {stable_mosaic.version = 14 : i64} {
  func.func @body(%arg0: i32, %arg1: i32, %arg2: memref<8192x1024xf32, #tpu.memory_space<hbm>>, %arg3: memref<4096xi32, #tpu.memory_space<hbm>>, %arg4: memref<4096x1024xf32, #tpu.memory_space<hbm>>, %arg5: memref<128xi32, #tpu.memory_space<vmem>>, %arg6: memref<32x1024xf32, #tpu.memory_space<vmem>>, %arg7: memref<32x1024xf32, #tpu.memory_space<vmem>>, %arg8: memref<!tpu.dma_semaphore, #tpu.memory_space<semaphore_mem>>, %arg9: memref<!tpu.dma_semaphore, #tpu.memory_space<semaphore_mem>>) attributes {dimension_semantics = [#tpu.dimension_semantics<core_parallel>, #tpu.dimension_semantics<subcore_parallel>], iteration_bounds = array<i64: 2, 16>, scalar_prefetch = 0 : i64, scratch_operands = 5 : i64, tpu.core_type = #tpu.core_type<sc_vector_subcore>, window_params = [{transform_indices = #map}, {transform_indices = #map1}, {transform_indices = #map}]} {
    %mul3A = arith.constant 2 : i32
    %mul3A_0 = arith.muli %arg1, %mul3A : i32
    %add3A = arith.addi %mul3A_0, %arg0 : i32
    %mul3A_1 = arith.constant 128 : i32
    %mul3A_2 = arith.muli %add3A, %mul3A_1 : i32
    "tpu.region"() ({
      %run_scoped3A = tpu.sem_alloc : memref<!tpu.dma_semaphore, #tpu.memory_space<semaphore_mem>>
      %dma_start3A_49 = tpu.memref_slice %arg3[%mul3A_2] : memref<4096xi32, #tpu.memory_space<hbm>> -> memref<128xi32, #tpu.memory_space<hbm>>
      %dma_start3A_50 = tpu.memref_slice %arg3[%mul3A_2] : memref<4096xi32, #tpu.memory_space<hbm>> -> memref<128xi32, #tpu.memory_space<hbm>>
      tpu.enqueue_dma source(%dma_start3A_50 : memref<128xi32, #tpu.memory_space<hbm>>) target(%arg5 : memref<128xi32, #tpu.memory_space<vmem>>) target_semaphore(%run_scoped3A : memref<!tpu.dma_semaphore, #tpu.memory_space<semaphore_mem>>)
      %dma_wait3A_51 = tpu.memref_slice %arg3[%mul3A_2] : memref<4096xi32, #tpu.memory_space<hbm>> -> memref<128xi32, #tpu.memory_space<hbm>>
      %dma_wait3A_52 = tpu.memref_slice %arg3[%mul3A_2] : memref<4096xi32, #tpu.memory_space<hbm>> -> memref<128xi32, #tpu.memory_space<hbm>>
      tpu.wait_dma2 semaphore(%run_scoped3A : memref<!tpu.dma_semaphore, #tpu.memory_space<semaphore_mem>>) src(%dma_wait3A_52 : memref<128xi32, #tpu.memory_space<hbm>>) dst(%arg5 : memref<128xi32, #tpu.memory_space<vmem>>)
      tpu.yield
    }) : () -> ()
    %dma_start3A = arith.constant 0 : i32
    %dma_start3A_3 = tpu.memref_slice %arg5[%dma_start3A] : memref<128xi32, #tpu.memory_space<vmem>> -> memref<32xi32, #tpu.memory_space<vmem>>
    %dma_start3A_4 = arith.constant 0 : i32
    %dma_start3A_5 = arith.constant 0 : i32
    %dma_start3A_6 = tpu.memref_slice %arg2[%dma_start3A_4, %dma_start3A_5] : memref<8192x1024xf32, #tpu.memory_space<hbm>> -> memref<8192x1024xf32, #tpu.memory_space<hbm>>
    tpu.enqueue_indirect_dma source(%dma_start3A_6 : memref<8192x1024xf32, #tpu.memory_space<hbm>>) target(%arg6 : memref<32x1024xf32, #tpu.memory_space<vmem>>) offsets(%dma_start3A_3 : memref<32xi32, #tpu.memory_space<vmem>>) semaphore(%arg8 : memref<!tpu.dma_semaphore, #tpu.memory_space<semaphore_mem>>)
    %dma_wait3A = arith.constant 0 : i32
    %dma_wait3A_7 = tpu.memref_slice %arg5[%dma_wait3A] : memref<128xi32, #tpu.memory_space<vmem>> -> memref<32xi32, #tpu.memory_space<vmem>>
    %dma_wait3A_8 = arith.constant 0 : i32
    %dma_wait3A_9 = arith.constant 0 : i32
    %dma_wait3A_10 = tpu.memref_slice %arg2[%dma_wait3A_8, %dma_wait3A_9] : memref<8192x1024xf32, #tpu.memory_space<hbm>> -> memref<8192x1024xf32, #tpu.memory_space<hbm>>
    tpu.wait_indirect_dma semaphore(%arg8 : memref<!tpu.dma_semaphore, #tpu.memory_space<semaphore_mem>>) src(%dma_wait3A_10 : memref<8192x1024xf32, #tpu.memory_space<hbm>>) dst(%arg6 : memref<32x1024xf32, #tpu.memory_space<vmem>>)
    %dma_start3A_11 = arith.constant 32 : i32
    %dma_start3A_12 = tpu.memref_slice %arg5[%dma_start3A_11] : memref<128xi32, #tpu.memory_space<vmem>> -> memref<32xi32, #tpu.memory_space<vmem>>
    %dma_start3A_13 = arith.constant 0 : i32
    %dma_start3A_14 = arith.constant 0 : i32
    %dma_start3A_15 = tpu.memref_slice %arg2[%dma_start3A_13, %dma_start3A_14] : memref<8192x1024xf32, #tpu.memory_space<hbm>> -> memref<8192x1024xf32, #tpu.memory_space<hbm>>
    tpu.enqueue_indirect_dma source(%dma_start3A_15 : memref<8192x1024xf32, #tpu.memory_space<hbm>>) target(%arg7 : memref<32x1024xf32, #tpu.memory_space<vmem>>) offsets(%dma_start3A_12 : memref<32xi32, #tpu.memory_space<vmem>>) semaphore(%arg9 : memref<!tpu.dma_semaphore, #tpu.memory_space<semaphore_mem>>)
    %add3A_16 = arith.constant 0 : i32
    %add3A_17 = arith.addi %mul3A_2, %add3A_16 : i32
    "tpu.region"() ({
      %run_scoped3A = tpu.sem_alloc : memref<!tpu.dma_semaphore, #tpu.memory_space<semaphore_mem>>
      %dma_start3A_49 = arith.constant 0 : i32
      %dma_start3A_50 = tpu.memref_slice %arg4[%add3A_17, %dma_start3A_49] : memref<4096x1024xf32, #tpu.memory_space<hbm>> -> memref<32x1024xf32, #tpu.memory_space<hbm>>
      %dma_start3A_51 = arith.constant 0 : i32
      %dma_start3A_52 = tpu.memref_slice %arg4[%add3A_17, %dma_start3A_51] : memref<4096x1024xf32, #tpu.memory_space<hbm>> -> memref<32x1024xf32, #tpu.memory_space<hbm>>
      tpu.enqueue_dma source(%arg6 : memref<32x1024xf32, #tpu.memory_space<vmem>>) target(%dma_start3A_52 : memref<32x1024xf32, #tpu.memory_space<hbm>>) target_semaphore(%run_scoped3A : memref<!tpu.dma_semaphore, #tpu.memory_space<semaphore_mem>>)
      %dma_wait3A_53 = arith.constant 0 : i32
      %dma_wait3A_54 = tpu.memref_slice %arg4[%add3A_17, %dma_wait3A_53] : memref<4096x1024xf32, #tpu.memory_space<hbm>> -> memref<32x1024xf32, #tpu.memory_space<hbm>>
      %dma_wait3A_55 = arith.constant 0 : i32
      %dma_wait3A_56 = tpu.memref_slice %arg4[%add3A_17, %dma_wait3A_55] : memref<4096x1024xf32, #tpu.memory_space<hbm>> -> memref<32x1024xf32, #tpu.memory_space<hbm>>
      tpu.wait_dma2 semaphore(%run_scoped3A : memref<!tpu.dma_semaphore, #tpu.memory_space<semaphore_mem>>) src(%arg6 : memref<32x1024xf32, #tpu.memory_space<vmem>>) dst(%dma_wait3A_56 : memref<32x1024xf32, #tpu.memory_space<hbm>>)
      tpu.yield
    }) : () -> ()
    %dma_wait3A_18 = arith.constant 32 : i32
    %dma_wait3A_19 = tpu.memref_slice %arg5[%dma_wait3A_18] : memref<128xi32, #tpu.memory_space<vmem>> -> memref<32xi32, #tpu.memory_space<vmem>>
    %dma_wait3A_20 = arith.constant 0 : i32
    %dma_wait3A_21 = arith.constant 0 : i32
    %dma_wait3A_22 = tpu.memref_slice %arg2[%dma_wait3A_20, %dma_wait3A_21] : memref<8192x1024xf32, #tpu.memory_space<hbm>> -> memref<8192x1024xf32, #tpu.memory_space<hbm>>
    tpu.wait_indirect_dma semaphore(%arg9 : memref<!tpu.dma_semaphore, #tpu.memory_space<semaphore_mem>>) src(%dma_wait3A_22 : memref<8192x1024xf32, #tpu.memory_space<hbm>>) dst(%arg7 : memref<32x1024xf32, #tpu.memory_space<vmem>>)
    %dma_start3A_23 = arith.constant 64 : i32
    %dma_start3A_24 = tpu.memref_slice %arg5[%dma_start3A_23] : memref<128xi32, #tpu.memory_space<vmem>> -> memref<32xi32, #tpu.memory_space<vmem>>
    %dma_start3A_25 = arith.constant 0 : i32
    %dma_start3A_26 = arith.constant 0 : i32
    %dma_start3A_27 = tpu.memref_slice %arg2[%dma_start3A_25, %dma_start3A_26] : memref<8192x1024xf32, #tpu.memory_space<hbm>> -> memref<8192x1024xf32, #tpu.memory_space<hbm>>
    tpu.enqueue_indirect_dma source(%dma_start3A_27 : memref<8192x1024xf32, #tpu.memory_space<hbm>>) target(%arg6 : memref<32x1024xf32, #tpu.memory_space<vmem>>) offsets(%dma_start3A_24 : memref<32xi32, #tpu.memory_space<vmem>>) semaphore(%arg8 : memref<!tpu.dma_semaphore, #tpu.memory_space<semaphore_mem>>)
    %add3A_28 = arith.constant 32 : i32
    %add3A_29 = arith.addi %mul3A_2, %add3A_28 : i32
    "tpu.region"() ({
      %run_scoped3A = tpu.sem_alloc : memref<!tpu.dma_semaphore, #tpu.memory_space<semaphore_mem>>
      %dma_start3A_49 = arith.constant 0 : i32
      %dma_start3A_50 = tpu.memref_slice %arg4[%add3A_29, %dma_start3A_49] : memref<4096x1024xf32, #tpu.memory_space<hbm>> -> memref<32x1024xf32, #tpu.memory_space<hbm>>
      %dma_start3A_51 = arith.constant 0 : i32
      %dma_start3A_52 = tpu.memref_slice %arg4[%add3A_29, %dma_start3A_51] : memref<4096x1024xf32, #tpu.memory_space<hbm>> -> memref<32x1024xf32, #tpu.memory_space<hbm>>
      tpu.enqueue_dma source(%arg7 : memref<32x1024xf32, #tpu.memory_space<vmem>>) target(%dma_start3A_52 : memref<32x1024xf32, #tpu.memory_space<hbm>>) target_semaphore(%run_scoped3A : memref<!tpu.dma_semaphore, #tpu.memory_space<semaphore_mem>>)
      %dma_wait3A_53 = arith.constant 0 : i32
      %dma_wait3A_54 = tpu.memref_slice %arg4[%add3A_29, %dma_wait3A_53] : memref<4096x1024xf32, #tpu.memory_space<hbm>> -> memref<32x1024xf32, #tpu.memory_space<hbm>>
      %dma_wait3A_55 = arith.constant 0 : i32
      %dma_wait3A_56 = tpu.memref_slice %arg4[%add3A_29, %dma_wait3A_55] : memref<4096x1024xf32, #tpu.memory_space<hbm>> -> memref<32x1024xf32, #tpu.memory_space<hbm>>
      tpu.wait_dma2 semaphore(%run_scoped3A : memref<!tpu.dma_semaphore, #tpu.memory_space<semaphore_mem>>) src(%arg7 : memref<32x1024xf32, #tpu.memory_space<vmem>>) dst(%dma_wait3A_56 : memref<32x1024xf32, #tpu.memory_space<hbm>>)
      tpu.yield
    }) : () -> ()
    %dma_wait3A_30 = arith.constant 64 : i32
    %dma_wait3A_31 = tpu.memref_slice %arg5[%dma_wait3A_30] : memref<128xi32, #tpu.memory_space<vmem>> -> memref<32xi32, #tpu.memory_space<vmem>>
    %dma_wait3A_32 = arith.constant 0 : i32
    %dma_wait3A_33 = arith.constant 0 : i32
    %dma_wait3A_34 = tpu.memref_slice %arg2[%dma_wait3A_32, %dma_wait3A_33] : memref<8192x1024xf32, #tpu.memory_space<hbm>> -> memref<8192x1024xf32, #tpu.memory_space<hbm>>
    tpu.wait_indirect_dma semaphore(%arg8 : memref<!tpu.dma_semaphore, #tpu.memory_space<semaphore_mem>>) src(%dma_wait3A_34 : memref<8192x1024xf32, #tpu.memory_space<hbm>>) dst(%arg6 : memref<32x1024xf32, #tpu.memory_space<vmem>>)
    %dma_start3A_35 = arith.constant 96 : i32
    %dma_start3A_36 = tpu.memref_slice %arg5[%dma_start3A_35] : memref<128xi32, #tpu.memory_space<vmem>> -> memref<32xi32, #tpu.memory_space<vmem>>
    %dma_start3A_37 = arith.constant 0 : i32
    %dma_start3A_38 = arith.constant 0 : i32
    %dma_start3A_39 = tpu.memref_slice %arg2[%dma_start3A_37, %dma_start3A_38] : memref<8192x1024xf32, #tpu.memory_space<hbm>> -> memref<8192x1024xf32, #tpu.memory_space<hbm>>
    tpu.enqueue_indirect_dma source(%dma_start3A_39 : memref<8192x1024xf32, #tpu.memory_space<hbm>>) target(%arg7 : memref<32x1024xf32, #tpu.memory_space<vmem>>) offsets(%dma_start3A_36 : memref<32xi32, #tpu.memory_space<vmem>>) semaphore(%arg9 : memref<!tpu.dma_semaphore, #tpu.memory_space<semaphore_mem>>)
    %add3A_40 = arith.constant 64 : i32
    %add3A_41 = arith.addi %mul3A_2, %add3A_40 : i32
    "tpu.region"() ({
      %run_scoped3A = tpu.sem_alloc : memref<!tpu.dma_semaphore, #tpu.memory_space<semaphore_mem>>
      %dma_start3A_49 = arith.constant 0 : i32
      %dma_start3A_50 = tpu.memref_slice %arg4[%add3A_41, %dma_start3A_49] : memref<4096x1024xf32, #tpu.memory_space<hbm>> -> memref<32x1024xf32, #tpu.memory_space<hbm>>
      %dma_start3A_51 = arith.constant 0 : i32
      %dma_start3A_52 = tpu.memref_slice %arg4[%add3A_41, %dma_start3A_51] : memref<4096x1024xf32, #tpu.memory_space<hbm>> -> memref<32x1024xf32, #tpu.memory_space<hbm>>
      tpu.enqueue_dma source(%arg6 : memref<32x1024xf32, #tpu.memory_space<vmem>>) target(%dma_start3A_52 : memref<32x1024xf32, #tpu.memory_space<hbm>>) target_semaphore(%run_scoped3A : memref<!tpu.dma_semaphore, #tpu.memory_space<semaphore_mem>>)
      %dma_wait3A_53 = arith.constant 0 : i32
      %dma_wait3A_54 = tpu.memref_slice %arg4[%add3A_41, %dma_wait3A_53] : memref<4096x1024xf32, #tpu.memory_space<hbm>> -> memref<32x1024xf32, #tpu.memory_space<hbm>>
      %dma_wait3A_55 = arith.constant 0 : i32
      %dma_wait3A_56 = tpu.memref_slice %arg4[%add3A_41, %dma_wait3A_55] : memref<4096x1024xf32, #tpu.memory_space<hbm>> -> memref<32x1024xf32, #tpu.memory_space<hbm>>
      tpu.wait_dma2 semaphore(%run_scoped3A : memref<!tpu.dma_semaphore, #tpu.memory_space<semaphore_mem>>) src(%arg6 : memref<32x1024xf32, #tpu.memory_space<vmem>>) dst(%dma_wait3A_56 : memref<32x1024xf32, #tpu.memory_space<hbm>>)
      tpu.yield
    }) : () -> ()
    %dma_wait3A_42 = arith.constant 96 : i32
    %dma_wait3A_43 = tpu.memref_slice %arg5[%dma_wait3A_42] : memref<128xi32, #tpu.memory_space<vmem>> -> memref<32xi32, #tpu.memory_space<vmem>>
    %dma_wait3A_44 = arith.constant 0 : i32
    %dma_wait3A_45 = arith.constant 0 : i32
    %dma_wait3A_46 = tpu.memref_slice %arg2[%dma_wait3A_44, %dma_wait3A_45] : memref<8192x1024xf32, #tpu.memory_space<hbm>> -> memref<8192x1024xf32, #tpu.memory_space<hbm>>
    tpu.wait_indirect_dma semaphore(%arg9 : memref<!tpu.dma_semaphore, #tpu.memory_space<semaphore_mem>>) src(%dma_wait3A_46 : memref<8192x1024xf32, #tpu.memory_space<hbm>>) dst(%arg7 : memref<32x1024xf32, #tpu.memory_space<vmem>>)
    %add3A_47 = arith.constant 96 : i32
    %add3A_48 = arith.addi %mul3A_2, %add3A_47 : i32
    "tpu.region"() ({
      %run_scoped3A = tpu.sem_alloc : memref<!tpu.dma_semaphore, #tpu.memory_space<semaphore_mem>>
      %dma_start3A_49 = arith.constant 0 : i32
      %dma_start3A_50 = tpu.memref_slice %arg4[%add3A_48, %dma_start3A_49] : memref<4096x1024xf32, #tpu.memory_space<hbm>> -> memref<32x1024xf32, #tpu.memory_space<hbm>>
      %dma_start3A_51 = arith.constant 0 : i32
      %dma_start3A_52 = tpu.memref_slice %arg4[%add3A_48, %dma_start3A_51] : memref<4096x1024xf32, #tpu.memory_space<hbm>> -> memref<32x1024xf32, #tpu.memory_space<hbm>>
      tpu.enqueue_dma source(%arg7 : memref<32x1024xf32, #tpu.memory_space<vmem>>) target(%dma_start3A_52 : memref<32x1024xf32, #tpu.memory_space<hbm>>) target_semaphore(%run_scoped3A : memref<!tpu.dma_semaphore, #tpu.memory_space<semaphore_mem>>)
      %dma_wait3A_53 = arith.constant 0 : i32
      %dma_wait3A_54 = tpu.memref_slice %arg4[%add3A_48, %dma_wait3A_53] : memref<4096x1024xf32, #tpu.memory_space<hbm>> -> memref<32x1024xf32, #tpu.memory_space<hbm>>
      %dma_wait3A_55 = arith.constant 0 : i32
      %dma_wait3A_56 = tpu.memref_slice %arg4[%add3A_48, %dma_wait3A_55] : memref<4096x1024xf32, #tpu.memory_space<hbm>> -> memref<32x1024xf32, #tpu.memory_space<hbm>>
      tpu.wait_dma2 semaphore(%run_scoped3A : memref<!tpu.dma_semaphore, #tpu.memory_space<semaphore_mem>>) src(%arg7 : memref<32x1024xf32, #tpu.memory_space<vmem>>) dst(%dma_wait3A_56 : memref<32x1024xf32, #tpu.memory_space<hbm>>)
      tpu.yield
    }) : () -> ()
    return
  }
}

#map = affine_map<(d0, d1) -> (0, 0)>
#map1 = affine_map<(d0, d1) -> (0)>
module attributes {stable_mosaic.version = 14 : i64} {
  func.func @body(%arg0: i32, %arg1: i32, %arg2: memref<8192x1024xf32, #tpu.memory_space<hbm>>, %arg3: memref<4096xi32, #tpu.memory_space<hbm>>, %arg4: memref<4096x1024xf32, #tpu.memory_space<hbm>>, %arg5: memref<128xi32, #tpu.memory_space<vmem>>, %arg6: memref<32x1024xf32, #tpu.memory_space<vmem>>, %arg7: memref<32x1024xf32, #tpu.memory_space<vmem>>, %arg8: memref<!tpu.dma_semaphore, #tpu.memory_space<semaphore_mem>>, %arg9: memref<!tpu.dma_semaphore, #tpu.memory_space<semaphore_mem>>) attributes {dimension_semantics = [#tpu.dimension_semantics<core_parallel>, #tpu.dimension_semantics<subcore_parallel>], iteration_bounds = array<i64: 2, 16>, scalar_prefetch = 0 : i64, scratch_operands = 5 : i64, tpu.core_type = #tpu.core_type<sc_vector_subcore>, window_params = [{transform_indices = #map}, {transform_indices = #map1}, {transform_indices = #map}]} {
    %mul3A = arith.constant 2 : i32
    %mul3A_0 = arith.muli %arg1, %mul3A : i32
    %add3A = arith.addi %mul3A_0, %arg0 : i32
    %mul3A_1 = arith.constant 128 : i32
    %mul3A_2 = arith.muli %add3A, %mul3A_1 : i32
    "tpu.region"() ({
      %run_scoped3A = tpu.sem_alloc : memref<!tpu.dma_semaphore, #tpu.memory_space<semaphore_mem>>
      %dma_start3A_49 = tpu.memref_slice %arg3[%mul3A_2] : memref<4096xi32, #tpu.memory_space<hbm>> -> memref<128xi32, #tpu.memory_space<hbm>>
      %dma_start3A_50 = tpu.memref_slice %arg3[%mul3A_2] : memref<4096xi32, #tpu.memory_space<hbm>> -> memref<128xi32, #tpu.memory_space<hbm>>
      tpu.enqueue_dma source(%dma_start3A_50 : memref<128xi32, #tpu.memory_space<hbm>>) target(%arg5 : memref<128xi32, #tpu.memory_space<vmem>>) target_semaphore(%run_scoped3A : memref<!tpu.dma_semaphore, #tpu.memory_space<semaphore_mem>>)
      %dma_wait3A_51 = tpu.memref_slice %arg3[%mul3A_2] : memref<4096xi32, #tpu.memory_space<hbm>> -> memref<128xi32, #tpu.memory_space<hbm>>
      %dma_wait3A_52 = tpu.memref_slice %arg3[%mul3A_2] : memref<4096xi32, #tpu.memory_space<hbm>> -> memref<128xi32, #tpu.memory_space<hbm>>
      tpu.wait_dma2 semaphore(%run_scoped3A : memref<!tpu.dma_semaphore, #tpu.memory_space<semaphore_mem>>) src(%dma_wait3A_52 : memref<128xi32, #tpu.memory_space<hbm>>) dst(%arg5 : memref<128xi32, #tpu.memory_space<vmem>>)
      tpu.yield
    }) : () -> ()
    %dma_start3A = arith.constant 0 : i32
    %dma_start3A_3 = tpu.memref_slice %arg5[%dma_start3A] : memref<128xi32, #tpu.memory_space<vmem>> -> memref<32xi32, #tpu.memory_space<vmem>>
    %dma_start3A_4 = arith.constant 0 : i32
    %dma_start3A_5 = arith.constant 0 : i32
    %dma_start3A_6 = tpu.memref_slice %arg2[%dma_start3A_4, %dma_start3A_5] : memref<8192x1024xf32, #tpu.memory_space<hbm>> -> memref<8192x1024xf32, #tpu.memory_space<hbm>>
    tpu.enqueue_indirect_dma source(%dma_start3A_6 : memref<8192x1024xf32, #tpu.memory_space<hbm>>) target(%arg6 : memref<32x1024xf32, #tpu.memory_space<vmem>>) offsets(%dma_start3A_3 : memref<32xi32, #tpu.memory_space<vmem>>) semaphore(%arg8 : memref<!tpu.dma_semaphore, #tpu.memory_space<semaphore_mem>>)
    %dma_wait3A = arith.constant 0 : i32
    %dma_wait3A_7 = tpu.memref_slice %arg5[%dma_wait3A] : memref<128xi32, #tpu.memory_space<vmem>> -> memref<32xi32, #tpu.memory_space<vmem>>
    %dma_wait3A_8 = arith.constant 0 : i32
    %dma_wait3A_9 = arith.constant 0 : i32
    %dma_wait3A_10 = tpu.memref_slice %arg2[%dma_wait3A_8, %dma_wait3A_9] : memref<8192x1024xf32, #tpu.memory_space<hbm>> -> memref<8192x1024xf32, #tpu.memory_space<hbm>>
    tpu.wait_indirect_dma semaphore(%arg8 : memref<!tpu.dma_semaphore, #tpu.memory_space<semaphore_mem>>) src(%dma_wait3A_10 : memref<8192x1024xf32, #tpu.memory_space<hbm>>) dst(%arg6 : memref<32x1024xf32, #tpu.memory_space<vmem>>)
    %dma_start3A_11 = arith.constant 32 : i32
    %dma_start3A_12 = tpu.memref_slice %arg5[%dma_start3A_11] : memref<128xi32, #tpu.memory_space<vmem>> -> memref<32xi32, #tpu.memory_space<vmem>>
    %dma_start3A_13 = arith.constant 0 : i32
    %dma_start3A_14 = arith.constant 0 : i32
    %dma_start3A_15 = tpu.memref_slice %arg2[%dma_start3A_13, %dma_start3A_14] : memref<8192x1024xf32, #tpu.memory_space<hbm>> -> memref<8192x1024xf32, #tpu.memory_space<hbm>>
    tpu.enqueue_indirect_dma source(%dma_start3A_15 : memref<8192x1024xf32, #tpu.memory_space<hbm>>) target(%arg7 : memref<32x1024xf32, #tpu.memory_space<vmem>>) offsets(%dma_start3A_12 : memref<32xi32, #tpu.memory_space<vmem>>) semaphore(%arg9 : memref<!tpu.dma_semaphore, #tpu.memory_space<semaphore_mem>>)
    %add3A_16 = arith.constant 0 : i32
    %add3A_17 = arith.addi %mul3A_2, %add3A_16 : i32
    "tpu.region"() ({
      %run_scoped3A = tpu.sem_alloc : memref<!tpu.dma_semaphore, #tpu.memory_space<semaphore_mem>>
      %dma_start3A_49 = arith.constant 0 : i32
      %dma_start3A_50 = tpu.memref_slice %arg4[%add3A_17, %dma_start3A_49] : memref<4096x1024xf32, #tpu.memory_space<hbm>> -> memref<32x1024xf32, #tpu.memory_space<hbm>>
      %dma_start3A_51 = arith.constant 0 : i32
      %dma_start3A_52 = tpu.memref_slice %arg4[%add3A_17, %dma_start3A_51] : memref<4096x1024xf32, #tpu.memory_space<hbm>> -> memref<32x1024xf32, #tpu.memory_space<hbm>>
      tpu.enqueue_dma source(%arg6 : memref<32x1024xf32, #tpu.memory_space<vmem>>) target(%dma_start3A_52 : memref<32x1024xf32, #tpu.memory_space<hbm>>) target_semaphore(%run_scoped3A : memref<!tpu.dma_semaphore, #tpu.memory_space<semaphore_mem>>)
      %dma_wait3A_53 = arith.constant 0 : i32
      %dma_wait3A_54 = tpu.memref_slice %arg4[%add3A_17, %dma_wait3A_53] : memref<4096x1024xf32, #tpu.memory_space<hbm>> -> memref<32x1024xf32, #tpu.memory_space<hbm>>
      %dma_wait3A_55 = arith.constant 0 : i32
      %dma_wait3A_56 = tpu.memref_slice %arg4[%add3A_17, %dma_wait3A_55] : memref<4096x1024xf32, #tpu.memory_space<hbm>> -> memref<32x1024xf32, #tpu.memory_space<hbm>>
      tpu.wait_dma2 semaphore(%run_scoped3A : memref<!tpu.dma_semaphore, #tpu.memory_space<semaphore_mem>>) src(%arg6 : memref<32x1024xf32, #tpu.memory_space<vmem>>) dst(%dma_wait3A_56 : memref<32x1024xf32, #tpu.memory_space<hbm>>)
      tpu.yield
    }) : () -> ()
    %dma_wait3A_18 = arith.constant 32 : i32
    %dma_wait3A_19 = tpu.memref_slice %arg5[%dma_wait3A_18] : memref<128xi32, #tpu.memory_space<vmem>> -> memref<32xi32, #tpu.memory_space<vmem>>
    %dma_wait3A_20 = arith.constant 0 : i32
    %dma_wait3A_21 = arith.constant 0 : i32
    %dma_wait3A_22 = tpu.memref_slice %arg2[%dma_wait3A_20, %dma_wait3A_21] : memref<8192x1024xf32, #tpu.memory_space<hbm>> -> memref<8192x1024xf32, #tpu.memory_space<hbm>>
    tpu.wait_indirect_dma semaphore(%arg9 : memref<!tpu.dma_semaphore, #tpu.memory_space<semaphore_mem>>) src(%dma_wait3A_22 : memref<8192x1024xf32, #tpu.memory_space<hbm>>) dst(%arg7 : memref<32x1024xf32, #tpu.memory_space<vmem>>)
    %dma_start3A_23 = arith.constant 64 : i32
    %dma_start3A_24 = tpu.memref_slice %arg5[%dma_start3A_23] : memref<128xi32, #tpu.memory_space<vmem>> -> memref<32xi32, #tpu.memory_space<vmem>>
    %dma_start3A_25 = arith.constant 0 : i32
    %dma_start3A_26 = arith.constant 0 : i32
    %dma_start3A_27 = tpu.memref_slice %arg2[%dma_start3A_25, %dma_start3A_26] : memref<8192x1024xf32, #tpu.memory_space<hbm>> -> memref<8192x1024xf32, #tpu.memory_space<hbm>>
    tpu.enqueue_indirect_dma source(%dma_start3A_27 : memref<8192x1024xf32, #tpu.memory_space<hbm>>) target(%arg6 : memref<32x1024xf32, #tpu.memory_space<vmem>>) offsets(%dma_start3A_24 : memref<32xi32, #tpu.memory_space<vmem>>) semaphore(%arg8 : memref<!tpu.dma_semaphore, #tpu.memory_space<semaphore_mem>>)
    %add3A_28 = arith.constant 32 : i32
    %add3A_29 = arith.addi %mul3A_2, %add3A_28 : i32
    "tpu.region"() ({
      %run_scoped3A = tpu.sem_alloc : memref<!tpu.dma_semaphore, #tpu.memory_space<semaphore_mem>>
      %dma_start3A_49 = arith.constant 0 : i32
      %dma_start3A_50 = tpu.memref_slice %arg4[%add3A_29, %dma_start3A_49] : memref<4096x1024xf32, #tpu.memory_space<hbm>> -> memref<32x1024xf32, #tpu.memory_space<hbm>>
      %dma_start3A_51 = arith.constant 0 : i32
      %dma_start3A_52 = tpu.memref_slice %arg4[%add3A_29, %dma_start3A_51] : memref<4096x1024xf32, #tpu.memory_space<hbm>> -> memref<32x1024xf32, #tpu.memory_space<hbm>>
      tpu.enqueue_dma source(%arg7 : memref<32x1024xf32, #tpu.memory_space<vmem>>) target(%dma_start3A_52 : memref<32x1024xf32, #tpu.memory_space<hbm>>) target_semaphore(%run_scoped3A : memref<!tpu.dma_semaphore, #tpu.memory_space<semaphore_mem>>)
      %dma_wait3A_53 = arith.constant 0 : i32
      %dma_wait3A_54 = tpu.memref_slice %arg4[%add3A_29, %dma_wait3A_53] : memref<4096x1024xf32, #tpu.memory_space<hbm>> -> memref<32x1024xf32, #tpu.memory_space<hbm>>
      %dma_wait3A_55 = arith.constant 0 : i32
      %dma_wait3A_56 = tpu.memref_slice %arg4[%add3A_29, %dma_wait3A_55] : memref<4096x1024xf32, #tpu.memory_space<hbm>> -> memref<32x1024xf32, #tpu.memory_space<hbm>>
      tpu.wait_dma2 semaphore(%run_scoped3A : memref<!tpu.dma_semaphore, #tpu.memory_space<semaphore_mem>>) src(%arg7 : memref<32x1024xf32, #tpu.memory_space<vmem>>) dst(%dma_wait3A_56 : memref<32x1024xf32, #tpu.memory_space<hbm>>)
      tpu.yield
    }) : () -> ()
    %dma_wait3A_30 = arith.constant 64 : i32
    %dma_wait3A_31 = tpu.memref_slice %arg5[%dma_wait3A_30] : memref<128xi32, #tpu.memory_space<vmem>> -> memref<32xi32, #tpu.memory_space<vmem>>
    %dma_wait3A_32 = arith.constant 0 : i32
    %dma_wait3A_33 = arith.constant 0 : i32
    %dma_wait3A_34 = tpu.memref_slice %arg2[%dma_wait3A_32, %dma_wait3A_33] : memref<8192x1024xf32, #tpu.memory_space<hbm>> -> memref<8192x1024xf32, #tpu.memory_space<hbm>>
    tpu.wait_indirect_dma semaphore(%arg8 : memref<!tpu.dma_semaphore, #tpu.memory_space<semaphore_mem>>) src(%dma_wait3A_34 : memref<8192x1024xf32, #tpu.memory_space<hbm>>) dst(%arg6 : memref<32x1024xf32, #tpu.memory_space<vmem>>)
    %dma_start3A_35 = arith.constant 96 : i32
    %dma_start3A_36 = tpu.memref_slice %arg5[%dma_start3A_35] : memref<128xi32, #tpu.memory_space<vmem>> -> memref<32xi32, #tpu.memory_space<vmem>>
    %dma_start3A_37 = arith.constant 0 : i32
    %dma_start3A_38 = arith.constant 0 : i32
    %dma_start3A_39 = tpu.memref_slice %arg2[%dma_start3A_37, %dma_start3A_38] : memref<8192x1024xf32, #tpu.memory_space<hbm>> -> memref<8192x1024xf32, #tpu.memory_space<hbm>>
    tpu.enqueue_indirect_dma source(%dma_start3A_39 : memref<8192x1024xf32, #tpu.memory_space<hbm>>) target(%arg7 : memref<32x1024xf32, #tpu.memory_space<vmem>>) offsets(%dma_start3A_36 : memref<32xi32, #tpu.memory_space<vmem>>) semaphore(%arg9 : memref<!tpu.dma_semaphore, #tpu.memory_space<semaphore_mem>>)
    %add3A_40 = arith.constant 64 : i32
    %add3A_41 = arith.addi %mul3A_2, %add3A_40 : i32
    "tpu.region"() ({
      %run_scoped3A = tpu.sem_alloc : memref<!tpu.dma_semaphore, #tpu.memory_space<semaphore_mem>>
      %dma_start3A_49 = arith.constant 0 : i32
      %dma_start3A_50 = tpu.memref_slice %arg4[%add3A_41, %dma_start3A_49] : memref<4096x1024xf32, #tpu.memory_space<hbm>> -> memref<32x1024xf32, #tpu.memory_space<hbm>>
      %dma_start3A_51 = arith.constant 0 : i32
      %dma_start3A_52 = tpu.memref_slice %arg4[%add3A_41, %dma_start3A_51] : memref<4096x1024xf32, #tpu.memory_space<hbm>> -> memref<32x1024xf32, #tpu.memory_space<hbm>>
      tpu.enqueue_dma source(%arg6 : memref<32x1024xf32, #tpu.memory_space<vmem>>) target(%dma_start3A_52 : memref<32x1024xf32, #tpu.memory_space<hbm>>) target_semaphore(%run_scoped3A : memref<!tpu.dma_semaphore, #tpu.memory_space<semaphore_mem>>)
      %dma_wait3A_53 = arith.constant 0 : i32
      %dma_wait3A_54 = tpu.memref_slice %arg4[%add3A_41, %dma_wait3A_53] : memref<4096x1024xf32, #tpu.memory_space<hbm>> -> memref<32x1024xf32, #tpu.memory_space<hbm>>
      %dma_wait3A_55 = arith.constant 0 : i32
      %dma_wait3A_56 = tpu.memref_slice %arg4[%add3A_41, %dma_wait3A_55] : memref<4096x1024xf32, #tpu.memory_space<hbm>> -> memref<32x1024xf32, #tpu.memory_space<hbm>>
      tpu.wait_dma2 semaphore(%run_scoped3A : memref<!tpu.dma_semaphore, #tpu.memory_space<semaphore_mem>>) src(%arg6 : memref<32x1024xf32, #tpu.memory_space<vmem>>) dst(%dma_wait3A_56 : memref<32x1024xf32, #tpu.memory_space<hbm>>)
      tpu.yield
    }) : () -> ()
    %dma_wait3A_42 = arith.constant 96 : i32
    %dma_wait3A_43 = tpu.memref_slice %arg5[%dma_wait3A_42] : memref<128xi32, #tpu.memory_space<vmem>> -> memref<32xi32, #tpu.memory_space<vmem>>
    %dma_wait3A_44 = arith.constant 0 : i32
    %dma_wait3A_45 = arith.constant 0 : i32
    %dma_wait3A_46 = tpu.memref_slice %arg2[%dma_wait3A_44, %dma_wait3A_45] : memref<8192x1024xf32, #tpu.memory_space<hbm>> -> memref<8192x1024xf32, #tpu.memory_space<hbm>>
    tpu.wait_indirect_dma semaphore(%arg9 : memref<!tpu.dma_semaphore, #tpu.memory_space<semaphore_mem>>) src(%dma_wait3A_46 : memref<8192x1024xf32, #tpu.memory_space<hbm>>) dst(%arg7 : memref<32x1024xf32, #tpu.memory_space<vmem>>)
    %add3A_47 = arith.constant 96 : i32
    %add3A_48 = arith.addi %mul3A_2, %add3A_47 : i32
    "tpu.region"() ({
      %run_scoped3A = tpu.sem_alloc : memref<!tpu.dma_semaphore, #tpu.memory_space<semaphore_mem>>
      %dma_start3A_49 = arith.constant 0 : i32
      %dma_start3A_50 = tpu.memref_slice %arg4[%add3A_48, %dma_start3A_49] : memref<4096x1024xf32, #tpu.memory_space<hbm>> -> memref<32x1024xf32, #tpu.memory_space<hbm>>
      %dma_start3A_51 = arith.constant 0 : i32
      %dma_start3A_52 = tpu.memref_slice %arg4[%add3A_48, %dma_start3A_51] : memref<4096x1024xf32, #tpu.memory_space<hbm>> -> memref<32x1024xf32, #tpu.memory_space<hbm>>
      tpu.enqueue_dma source(%arg7 : memref<32x1024xf32, #tpu.memory_space<vmem>>) target(%dma_start3A_52 : memref<32x1024xf32, #tpu.memory_space<hbm>>) target_semaphore(%run_scoped3A : memref<!tpu.dma_semaphore, #tpu.memory_space<semaphore_mem>>)
      %dma_wait3A_53 = arith.constant 0 : i32
      %dma_wait3A_54 = tpu.memref_slice %arg4[%add3A_48, %dma_wait3A_53] : memref<4096x1024xf32, #tpu.memory_space<hbm>> -> memref<32x1024xf32, #tpu.memory_space<hbm>>
      %dma_wait3A_55 = arith.constant 0 : i32
      %dma_wait3A_56 = tpu.memref_slice %arg4[%add3A_48, %dma_wait3A_55] : memref<4096x1024xf32, #tpu.memory_space<hbm>> -> memref<32x1024xf32, #tpu.memory_space<hbm>>
      tpu.wait_dma2 semaphore(%run_scoped3A : memref<!tpu.dma_semaphore, #tpu.memory_space<semaphore_mem>>) src(%arg7 : memref<32x1024xf32, #tpu.memory_space<vmem>>) dst(%dma_wait3A_56 : memref<32x1024xf32, #tpu.memory_space<hbm>>)
      tpu.yield
    }) : () -> ()
    return
  }
}

module attributes {stable_mosaic.version = 14 : i64} {
  func.func @_prep0_body(%arg0: i32, %arg1: memref<1024x1024xf32, #tpu.memory_space<vmem>>, %arg2: memref<1024x1024xf32, #tpu.memory_space<vmem>>, %arg3: memref<1024x128xf32, #tpu.memory_space<vmem>>, %arg4: memref<1024x1024xbf16, #tpu.memory_space<vmem>>) attributes {dimension_semantics = [#tpu.dimension_semantics<arbitrary>], iteration_bounds = array<i64: 4>, scalar_prefetch = 0 : i64, scratch_operands = 0 : i64, tpu.core_type = #tpu.core_type<tc>, window_params = [{transform_indices = @transform_0, window_bounds = array<i64: 1024, 1024>}, {transform_indices = @transform_1, window_bounds = array<i64: 1024, 1024>}, {transform_indices = @transform_2, window_bounds = array<i64: 1024, 128>}, {transform_indices = @transform_3, window_bounds = array<i64: 1024, 1024>}]} {
    %get3A = arith.constant 0 : index
    %get3A_0 = arith.constant 0 : index
    %get3A_1 = vector.load %arg1[%get3A, %get3A_0] : memref<1024x1024xf32, #tpu.memory_space<vmem>>, vector<1024x1024xf32>
    %get3A_2 = arith.constant 0 : index
    %get3A_3 = arith.constant 0 : index
    %get3A_4 = vector.load %arg2[%get3A_2, %get3A_3] : memref<1024x1024xf32, #tpu.memory_space<vmem>>, vector<1024x1024xf32>
    %add3A = arith.addf %get3A_1, %get3A_4 : vector<1024x1024xf32>
    %get3A_5 = arith.constant 0 : index
    %get3A_6 = arith.constant 0 : index
    %get3A_7 = vector.load %arg3[%get3A_5, %get3A_6] : memref<1024x128xf32, #tpu.memory_space<vmem>>, vector<1024x1xf32>
    %mul3A = vector.broadcast %get3A_7 : vector<1024x1xf32> to vector<1024x1024xf32>
    %mul3A_8 = arith.mulf %add3A, %mul3A : vector<1024x1024xf32>
    %convert_element_type3A = arith.truncf %mul3A_8 : vector<1024x1024xf32> to vector<1024x1024xbf16>
    %swap3A = arith.constant 0 : index
    %swap3A_9 = arith.constant 0 : index
    %swap3A_10 = vector.load %arg4[%swap3A, %swap3A_9] : memref<1024x1024xbf16, #tpu.memory_space<vmem>>, vector<1024x1024xbf16>
    tpu.vector_store %arg4[%swap3A, %swap3A_9], %convert_element_type3A {strides = array<i32>} : memref<1024x1024xbf16, #tpu.memory_space<vmem>>, vector<1024x1024xbf16>,
    return
  }
  func.func @transform_0(%arg0: i32) -> (i32, i32) {
    %c0_i32 = arith.constant 0 : i32
    %c0_i32_0 = arith.constant 0 : i32
    return %arg0, %c0_i32 : i32, i32
  }
  func.func @transform_1(%arg0: i32) -> (i32, i32) {
    %c0_i32 = arith.constant 0 : i32
    %c0_i32_0 = arith.constant 0 : i32
    return %arg0, %c0_i32 : i32, i32
  }
  func.func @transform_2(%arg0: i32) -> (i32, i32) {
    %c0_i32 = arith.constant 0 : i32
    %c0_i32_0 = arith.constant 0 : i32
    return %arg0, %c0_i32 : i32, i32
  }
  func.func @transform_3(%arg0: i32) -> (i32, i32) {
    %c0_i32 = arith.constant 0 : i32
    %c0_i32_0 = arith.constant 0 : i32
    return %arg0, %c0_i32 : i32, i32
  }
}

module attributes {stable_mosaic.version = 14 : i64} {
  func.func @_step0_body(%arg0: i32, %arg1: i32, %arg2: memref<1024x1024xbf16, #tpu.memory_space<vmem>>, %arg3: memref<1024x1024xbf16, #tpu.memory_space<vmem>>, %arg4: memref<1024x128xi32, #tpu.memory_space<vmem>>, %arg5: memref<1024x128xf32, #tpu.memory_space<vmem>>, %arg6: memref<1024x128xf32, #tpu.memory_space<vmem>>, %arg7: memref<1024x128xf32, #tpu.memory_space<vmem>>, %arg8: memref<1024x128xf32, #tpu.memory_space<vmem>>, %arg9: memref<1024x1024xf32, #tpu.memory_space<vmem>>) attributes {dimension_semantics = [#tpu.dimension_semantics<arbitrary>, #tpu.dimension_semantics<arbitrary>], iteration_bounds = array<i64: 4, 8>, scalar_prefetch = 0 : i64, scratch_operands = 1 : i64, tpu.core_type = #tpu.core_type<tc>, window_params = [{transform_indices = @transform_0, window_bounds = array<i64: 1024, 1024>}, {transform_indices = @transform_1, window_bounds = array<i64: 1024, 1024>}, {transform_indices = @transform_2, window_bounds = array<i64: 1024, 128>}, {transform_indices = @transform_3, window_bounds = array<i64: 1024, 128>}, {transform_indices = @transform_4, window_bounds = array<i64: 1024, 128>}, {transform_indices = @transform_5, window_bounds = array<i64: 1024, 128>}, {transform_indices = @transform_6, window_bounds = array<i64: 1024, 128>}]} {
    %eq3A = arith.constant 0 : i32
    %eq3A_0 = arith.cmpi eq, %arg1, %eq3A : i32
    %convert_element_type3A = arith.extui %eq3A_0 : i1 to i32
    %cond3A = arith.constant 0 : i32
    %cond3A_1 = arith.cmpi ne, %convert_element_type3A, %cond3A : i32
    scf.if %cond3A_1 {
      %broadcast_in_dim3A_196 = arith.constant 0xFF800000 : f32
      %broadcast_in_dim3A_197 = vector.broadcast %broadcast_in_dim3A_196 : f32 to vector<1024x128xf32>
      %swap3A_198 = arith.constant 0 : index
      %swap3A_199 = arith.constant 0 : index
      %swap3A_200 = vector.load %arg5[%swap3A_198, %swap3A_199] : memref<1024x128xf32, #tpu.memory_space<vmem>>, vector<1024x128xf32>
      tpu.vector_store %arg5[%swap3A_198, %swap3A_199], %broadcast_in_dim3A_197 {strides = array<i32>} : memref<1024x128xf32, #tpu.memory_space<vmem>>, vector<1024x128xf32>,
      %broadcast_in_dim3A_201 = arith.constant 0xFF800000 : f32
      %broadcast_in_dim3A_202 = vector.broadcast %broadcast_in_dim3A_201 : f32 to vector<1024x128xf32>
      %swap3A_203 = arith.constant 0 : index
      %swap3A_204 = arith.constant 0 : index
      %swap3A_205 = vector.load %arg6[%swap3A_203, %swap3A_204] : memref<1024x128xf32, #tpu.memory_space<vmem>>, vector<1024x128xf32>
      tpu.vector_store %arg6[%swap3A_203, %swap3A_204], %broadcast_in_dim3A_202 {strides = array<i32>} : memref<1024x128xf32, #tpu.memory_space<vmem>>, vector<1024x128xf32>,
      %broadcast_in_dim3A_206 = arith.constant 0.000000e+00 : f32
      %broadcast_in_dim3A_207 = vector.broadcast %broadcast_in_dim3A_206 : f32 to vector<1024x128xf32>
      %swap3A_208 = arith.constant 0 : index
      %swap3A_209 = arith.constant 0 : index
      %swap3A_210 = vector.load %arg7[%swap3A_208, %swap3A_209] : memref<1024x128xf32, #tpu.memory_space<vmem>>, vector<1024x128xf32>
      tpu.vector_store %arg7[%swap3A_208, %swap3A_209], %broadcast_in_dim3A_207 {strides = array<i32>} : memref<1024x128xf32, #tpu.memory_space<vmem>>, vector<1024x128xf32>,
      %broadcast_in_dim3A_211 = arith.constant 0.000000e+00 : f32
      %broadcast_in_dim3A_212 = vector.broadcast %broadcast_in_dim3A_211 : f32 to vector<1024x128xf32>
      %swap3A_213 = arith.constant 0 : index
      %swap3A_214 = arith.constant 0 : index
      %swap3A_215 = vector.load %arg8[%swap3A_213, %swap3A_214] : memref<1024x128xf32, #tpu.memory_space<vmem>>, vector<1024x128xf32>
      tpu.vector_store %arg8[%swap3A_213, %swap3A_214], %broadcast_in_dim3A_212 {strides = array<i32>} : memref<1024x128xf32, #tpu.memory_space<vmem>>, vector<1024x128xf32>,
    } else {
    }
    %get3A = arith.constant 0 : index
    %get3A_2 = arith.constant 0 : index
    %get3A_3 = vector.load %arg2[%get3A, %get3A_2] : memref<1024x1024xbf16, #tpu.memory_space<vmem>>, vector<1024x1024xbf16>
    %get3A_4 = arith.constant 0 : index
    %get3A_5 = arith.constant 0 : index
    %get3A_6 = vector.load %arg3[%get3A_4, %get3A_5] : memref<1024x1024xbf16, #tpu.memory_space<vmem>>, vector<1024x1024xbf16>
    %dot_general3A = arith.constant dense<0.000000e+00> : vector<1024x1024xf32>
    %dot_general3A_7 = tpu.matmul %get3A_3, %get3A_6, %dot_general3A {dimension_numbers = #tpu.dot_dimension_numbers<[1], [0], [0], [1], [0, 0, 1, 1], [], []>, transpose_lhs_hint = false} : vector<1024x1024xbf16>, vector<1024x1024xbf16>, vector<1024x1024xf32> -> vector<1024x1024xf32>
    %swap3A = arith.constant 0 : index
    %swap3A_8 = arith.constant 0 : index
    %swap3A_9 = vector.load %arg9[%swap3A, %swap3A_8] : memref<1024x1024xf32, #tpu.memory_space<vmem>>, vector<1024x1024xf32>
    tpu.vector_store %arg9[%swap3A, %swap3A_8], %dot_general3A_7 {strides = array<i32>} : memref<1024x1024xf32, #tpu.memory_space<vmem>>, vector<1024x1024xf32>,
    %get3A_10 = arith.constant 0 : index
    %get3A_11 = arith.constant 0 : index
    %get3A_12 = vector.load %arg4[%get3A_10, %get3A_11] : memref<1024x128xi32, #tpu.memory_space<vmem>>, vector<1024x1xi32>
    %get3A_13 = arith.constant 0 : index
    %get3A_14 = arith.constant 0 : index
    %get3A_15 = vector.load %arg9[%get3A_13, %get3A_14] : memref<1024x1024xf32, #tpu.memory_space<vmem>>, vector<1024x128xf32>
    %get3A_16 = arith.constant 0 : index
    %get3A_17 = arith.constant 128 : index
    %get3A_18 = vector.load %arg9[%get3A_16, %get3A_17] : memref<1024x1024xf32, #tpu.memory_space<vmem>>, vector<1024x128xf32>
    %get3A_19 = arith.constant 0 : index
    %get3A_20 = arith.constant 256 : index
    %get3A_21 = vector.load %arg9[%get3A_19, %get3A_20] : memref<1024x1024xf32, #tpu.memory_space<vmem>>, vector<1024x128xf32>
    %get3A_22 = arith.constant 0 : index
    %get3A_23 = arith.constant 384 : index
    %get3A_24 = vector.load %arg9[%get3A_22, %get3A_23] : memref<1024x1024xf32, #tpu.memory_space<vmem>>, vector<1024x128xf32>
    %get3A_25 = arith.constant 0 : index
    %get3A_26 = arith.constant 512 : index
    %get3A_27 = vector.load %arg9[%get3A_25, %get3A_26] : memref<1024x1024xf32, #tpu.memory_space<vmem>>, vector<1024x128xf32>
    %get3A_28 = arith.constant 0 : index
    %get3A_29 = arith.constant 640 : index
    %get3A_30 = vector.load %arg9[%get3A_28, %get3A_29] : memref<1024x1024xf32, #tpu.memory_space<vmem>>, vector<1024x128xf32>
    %get3A_31 = arith.constant 0 : index
    %get3A_32 = arith.constant 768 : index
    %get3A_33 = vector.load %arg9[%get3A_31, %get3A_32] : memref<1024x1024xf32, #tpu.memory_space<vmem>>, vector<1024x128xf32>
    %get3A_34 = arith.constant 0 : index
    %get3A_35 = arith.constant 896 : index
    %get3A_36 = vector.load %arg9[%get3A_34, %get3A_35] : memref<1024x1024xf32, #tpu.memory_space<vmem>>, vector<1024x128xf32>
    %exp3A = math.exp %get3A_15 : vector<1024x128xf32>
    %exp3A_37 = math.exp %get3A_18 : vector<1024x128xf32>
    %add3A = arith.addf %exp3A, %exp3A_37 : vector<1024x128xf32>
    %exp3A_38 = math.exp %get3A_21 : vector<1024x128xf32>
    %add3A_39 = arith.addf %add3A, %exp3A_38 : vector<1024x128xf32>
    %exp3A_40 = math.exp %get3A_24 : vector<1024x128xf32>
    %add3A_41 = arith.addf %add3A_39, %exp3A_40 : vector<1024x128xf32>
    %exp3A_42 = math.exp %get3A_27 : vector<1024x128xf32>
    %add3A_43 = arith.addf %add3A_41, %exp3A_42 : vector<1024x128xf32>
    %exp3A_44 = math.exp %get3A_30 : vector<1024x128xf32>
    %add3A_45 = arith.addf %add3A_43, %exp3A_44 : vector<1024x128xf32>
    %exp3A_46 = math.exp %get3A_33 : vector<1024x128xf32>
    %add3A_47 = arith.addf %add3A_45, %exp3A_46 : vector<1024x128xf32>
    %exp3A_48 = math.exp %get3A_36 : vector<1024x128xf32>
    %add3A_49 = arith.addf %add3A_47, %exp3A_48 : vector<1024x128xf32>
    %get3A_50 = arith.constant 0 : index
    %get3A_51 = arith.constant 0 : index
    %get3A_52 = vector.load %arg7[%get3A_50, %get3A_51] : memref<1024x128xf32, #tpu.memory_space<vmem>>, vector<1024x128xf32>
    %add3A_53 = arith.addf %get3A_52, %add3A_49 : vector<1024x128xf32>
    %swap3A_54 = arith.constant 0 : index
    %swap3A_55 = arith.constant 0 : index
    %swap3A_56 = vector.load %arg7[%swap3A_54, %swap3A_55] : memref<1024x128xf32, #tpu.memory_space<vmem>>, vector<1024x128xf32>
    tpu.vector_store %arg7[%swap3A_54, %swap3A_55], %add3A_53 {strides = array<i32>} : memref<1024x128xf32, #tpu.memory_space<vmem>>, vector<1024x128xf32>,
    %max3A = arith.maximumf %get3A_15, %get3A_18 : vector<1024x128xf32>
    %min3A = arith.minimumf %get3A_15, %get3A_18 : vector<1024x128xf32>
    %max3A_57 = arith.maximumf %get3A_21, %get3A_24 : vector<1024x128xf32>
    %min3A_58 = arith.minimumf %get3A_21, %get3A_24 : vector<1024x128xf32>
    %max3A_59 = arith.maximumf %get3A_27, %get3A_30 : vector<1024x128xf32>
    %min3A_60 = arith.minimumf %get3A_27, %get3A_30 : vector<1024x128xf32>
    %max3A_61 = arith.maximumf %get3A_33, %get3A_36 : vector<1024x128xf32>
    %min3A_62 = arith.minimumf %get3A_33, %get3A_36 : vector<1024x128xf32>
    %max3A_63 = arith.maximumf %max3A, %max3A_57 : vector<1024x128xf32>
    %min3A_64 = arith.minimumf %max3A, %max3A_57 : vector<1024x128xf32>
    %max3A_65 = arith.maximumf %min3A, %min3A_58 : vector<1024x128xf32>
    %max3A_66 = arith.maximumf %min3A_64, %max3A_65 : vector<1024x128xf32>
    %max3A_67 = arith.maximumf %max3A_59, %max3A_61 : vector<1024x128xf32>
    %min3A_68 = arith.minimumf %max3A_59, %max3A_61 : vector<1024x128xf32>
    %max3A_69 = arith.maximumf %min3A_60, %min3A_62 : vector<1024x128xf32>
    %max3A_70 = arith.maximumf %min3A_68, %max3A_69 : vector<1024x128xf32>
    %max3A_71 = arith.maximumf %max3A_63, %max3A_67 : vector<1024x128xf32>
    %min3A_72 = arith.minimumf %max3A_63, %max3A_67 : vector<1024x128xf32>
    %max3A_73 = arith.maximumf %max3A_66, %max3A_70 : vector<1024x128xf32>
    %max3A_74 = arith.maximumf %min3A_72, %max3A_73 : vector<1024x128xf32>
    %get3A_75 = arith.constant 0 : index
    %get3A_76 = arith.constant 0 : index
    %get3A_77 = vector.load %arg5[%get3A_75, %get3A_76] : memref<1024x128xf32, #tpu.memory_space<vmem>>, vector<1024x128xf32>
    %get3A_78 = arith.constant 0 : index
    %get3A_79 = arith.constant 0 : index
    %get3A_80 = vector.load %arg6[%get3A_78, %get3A_79] : memref<1024x128xf32, #tpu.memory_space<vmem>>, vector<1024x128xf32>
    %max3A_81 = arith.maximumf %get3A_77, %max3A_71 : vector<1024x128xf32>
    %swap3A_82 = arith.constant 0 : index
    %swap3A_83 = arith.constant 0 : index
    %swap3A_84 = vector.load %arg5[%swap3A_82, %swap3A_83] : memref<1024x128xf32, #tpu.memory_space<vmem>>, vector<1024x128xf32>
    tpu.vector_store %arg5[%swap3A_82, %swap3A_83], %max3A_81 {strides = array<i32>} : memref<1024x128xf32, #tpu.memory_space<vmem>>, vector<1024x128xf32>,
    %min3A_85 = arith.minimumf %get3A_77, %max3A_71 : vector<1024x128xf32>
    %max3A_86 = arith.maximumf %get3A_80, %max3A_74 : vector<1024x128xf32>
    %max3A_87 = arith.maximumf %min3A_85, %max3A_86 : vector<1024x128xf32>
    %swap3A_88 = arith.constant 0 : index
    %swap3A_89 = arith.constant 0 : index
    %swap3A_90 = vector.load %arg6[%swap3A_88, %swap3A_89] : memref<1024x128xf32, #tpu.memory_space<vmem>>, vector<1024x128xf32>
    tpu.vector_store %arg6[%swap3A_88, %swap3A_89], %max3A_87 {strides = array<i32>} : memref<1024x128xf32, #tpu.memory_space<vmem>>, vector<1024x128xf32>,
    %iota3A = tpu.iota {dimensions = array<i32: 1>} : vector<1024x128xi32>
    %mul3A = arith.constant 1024 : i32
    %mul3A_91 = arith.muli %arg1, %mul3A : i32
    %add3A_92 = arith.constant 0 : i32
    %add3A_93 = arith.addi %mul3A_91, %add3A_92 : i32
    %add3A_94 = vector.broadcast %add3A_93 : i32 to vector<1024x128xi32>
    %add3A_95 = arith.addi %iota3A, %add3A_94 : vector<1024x128xi32>
    %eq3A_96 = vector.broadcast %get3A_12 : vector<1024x1xi32> to vector<1024x128xi32>
    %eq3A_97 = arith.cmpi eq, %add3A_95, %eq3A_96 : vector<1024x128xi32>
    %jit3A = arith.constant 0.000000e+00 : f32
    %broadcast_in_dim3A = vector.broadcast %jit3A : f32 to vector<1024x128xf32>
    %select_n3A = arith.select %eq3A_97, %get3A_15, %broadcast_in_dim3A : vector<1024x128xi1>, vector<1024x128xf32>
    %iota3A_98 = tpu.iota {dimensions = array<i32: 1>} : vector<1024x128xi32>
    %mul3A_99 = arith.constant 1024 : i32
    %mul3A_100 = arith.muli %arg1, %mul3A_99 : i32
    %add3A_101 = arith.constant 128 : i32
    %add3A_102 = arith.addi %mul3A_100, %add3A_101 : i32
    %add3A_103 = vector.broadcast %add3A_102 : i32 to vector<1024x128xi32>
    %add3A_104 = arith.addi %iota3A_98, %add3A_103 : vector<1024x128xi32>
    %eq3A_105 = vector.broadcast %get3A_12 : vector<1024x1xi32> to vector<1024x128xi32>
    %eq3A_106 = arith.cmpi eq, %add3A_104, %eq3A_105 : vector<1024x128xi32>
    %jit3A_107 = arith.constant 0.000000e+00 : f32
    %broadcast_in_dim3A_108 = vector.broadcast %jit3A_107 : f32 to vector<1024x128xf32>
    %select_n3A_109 = arith.select %eq3A_106, %get3A_18, %broadcast_in_dim3A_108 : vector<1024x128xi1>, vector<1024x128xf32>
    %add3A_110 = arith.addf %select_n3A, %select_n3A_109 : vector<1024x128xf32>
    %iota3A_111 = tpu.iota {dimensions = array<i32: 1>} : vector<1024x128xi32>
    %mul3A_112 = arith.constant 1024 : i32
    %mul3A_113 = arith.muli %arg1, %mul3A_112 : i32
    %add3A_114 = arith.constant 256 : i32
    %add3A_115 = arith.addi %mul3A_113, %add3A_114 : i32
    %add3A_116 = vector.broadcast %add3A_115 : i32 to vector<1024x128xi32>
    %add3A_117 = arith.addi %iota3A_111, %add3A_116 : vector<1024x128xi32>
    %eq3A_118 = vector.broadcast %get3A_12 : vector<1024x1xi32> to vector<1024x128xi32>
    %eq3A_119 = arith.cmpi eq, %add3A_117, %eq3A_118 : vector<1024x128xi32>
    %jit3A_120 = arith.constant 0.000000e+00 : f32
    %broadcast_in_dim3A_121 = vector.broadcast %jit3A_120 : f32 to vector<1024x128xf32>
    %select_n3A_122 = arith.select %eq3A_119, %get3A_21, %broadcast_in_dim3A_121 : vector<1024x128xi1>, vector<1024x128xf32>
    %add3A_123 = arith.addf %add3A_110, %select_n3A_122 : vector<1024x128xf32>
    %iota3A_124 = tpu.iota {dimensions = array<i32: 1>} : vector<1024x128xi32>
    %mul3A_125 = arith.constant 1024 : i32
    %mul3A_126 = arith.muli %arg1, %mul3A_125 : i32
    %add3A_127 = arith.constant 384 : i32
    %add3A_128 = arith.addi %mul3A_126, %add3A_127 : i32
    %add3A_129 = vector.broadcast %add3A_128 : i32 to vector<1024x128xi32>
    %add3A_130 = arith.addi %iota3A_124, %add3A_129 : vector<1024x128xi32>
    %eq3A_131 = vector.broadcast %get3A_12 : vector<1024x1xi32> to vector<1024x128xi32>
    %eq3A_132 = arith.cmpi eq, %add3A_130, %eq3A_131 : vector<1024x128xi32>
    %jit3A_133 = arith.constant 0.000000e+00 : f32
    %broadcast_in_dim3A_134 = vector.broadcast %jit3A_133 : f32 to vector<1024x128xf32>
    %select_n3A_135 = arith.select %eq3A_132, %get3A_24, %broadcast_in_dim3A_134 : vector<1024x128xi1>, vector<1024x128xf32>
    %add3A_136 = arith.addf %add3A_123, %select_n3A_135 : vector<1024x128xf32>
    %iota3A_137 = tpu.iota {dimensions = array<i32: 1>} : vector<1024x128xi32>
    %mul3A_138 = arith.constant 1024 : i32
    %mul3A_139 = arith.muli %arg1, %mul3A_138 : i32
    %add3A_140 = arith.constant 512 : i32
    %add3A_141 = arith.addi %mul3A_139, %add3A_140 : i32
    %add3A_142 = vector.broadcast %add3A_141 : i32 to vector<1024x128xi32>
    %add3A_143 = arith.addi %iota3A_137, %add3A_142 : vector<1024x128xi32>
    %eq3A_144 = vector.broadcast %get3A_12 : vector<1024x1xi32> to vector<1024x128xi32>
    %eq3A_145 = arith.cmpi eq, %add3A_143, %eq3A_144 : vector<1024x128xi32>
    %jit3A_146 = arith.constant 0.000000e+00 : f32
    %broadcast_in_dim3A_147 = vector.broadcast %jit3A_146 : f32 to vector<1024x128xf32>
    %select_n3A_148 = arith.select %eq3A_145, %get3A_27, %broadcast_in_dim3A_147 : vector<1024x128xi1>, vector<1024x128xf32>
    %add3A_149 = arith.addf %add3A_136, %select_n3A_148 : vector<1024x128xf32>
    %iota3A_150 = tpu.iota {dimensions = array<i32: 1>} : vector<1024x128xi32>
    %mul3A_151 = arith.constant 1024 : i32
    %mul3A_152 = arith.muli %arg1, %mul3A_151 : i32
    %add3A_153 = arith.constant 640 : i32
    %add3A_154 = arith.addi %mul3A_152, %add3A_153 : i32
    %add3A_155 = vector.broadcast %add3A_154 : i32 to vector<1024x128xi32>
    %add3A_156 = arith.addi %iota3A_150, %add3A_155 : vector<1024x128xi32>
    %eq3A_157 = vector.broadcast %get3A_12 : vector<1024x1xi32> to vector<1024x128xi32>
    %eq3A_158 = arith.cmpi eq, %add3A_156, %eq3A_157 : vector<1024x128xi32>
    %jit3A_159 = arith.constant 0.000000e+00 : f32
    %broadcast_in_dim3A_160 = vector.broadcast %jit3A_159 : f32 to vector<1024x128xf32>
    %select_n3A_161 = arith.select %eq3A_158, %get3A_30, %broadcast_in_dim3A_160 : vector<1024x128xi1>, vector<1024x128xf32>
    %add3A_162 = arith.addf %add3A_149, %select_n3A_161 : vector<1024x128xf32>
    %iota3A_163 = tpu.iota {dimensions = array<i32: 1>} : vector<1024x128xi32>
    %mul3A_164 = arith.constant 1024 : i32
    %mul3A_165 = arith.muli %arg1, %mul3A_164 : i32
    %add3A_166 = arith.constant 768 : i32
    %add3A_167 = arith.addi %mul3A_165, %add3A_166 : i32
    %add3A_168 = vector.broadcast %add3A_167 : i32 to vector<1024x128xi32>
    %add3A_169 = arith.addi %iota3A_163, %add3A_168 : vector<1024x128xi32>
    %eq3A_170 = vector.broadcast %get3A_12 : vector<1024x1xi32> to vector<1024x128xi32>
    %eq3A_171 = arith.cmpi eq, %add3A_169, %eq3A_170 : vector<1024x128xi32>
    %jit3A_172 = arith.constant 0.000000e+00 : f32
    %broadcast_in_dim3A_173 = vector.broadcast %jit3A_172 : f32 to vector<1024x128xf32>
    %select_n3A_174 = arith.select %eq3A_171, %get3A_33, %broadcast_in_dim3A_173 : vector<1024x128xi1>, vector<1024x128xf32>
    %add3A_175 = arith.addf %add3A_162, %select_n3A_174 : vector<1024x128xf32>
    %iota3A_176 = tpu.iota {dimensions = array<i32: 1>} : vector<1024x128xi32>
    %mul3A_177 = arith.constant 1024 : i32
    %mul3A_178 = arith.muli %arg1, %mul3A_177 : i32
    %add3A_179 = arith.constant 896 : i32
    %add3A_180 = arith.addi %mul3A_178, %add3A_179 : i32
    %add3A_181 = vector.broadcast %add3A_180 : i32 to vector<1024x128xi32>
    %add3A_182 = arith.addi %iota3A_176, %add3A_181 : vector<1024x128xi32>
    %eq3A_183 = vector.broadcast %get3A_12 : vector<1024x1xi32> to vector<1024x128xi32>
    %eq3A_184 = arith.cmpi eq, %add3A_182, %eq3A_183 : vector<1024x128xi32>
    %jit3A_185 = arith.constant 0.000000e+00 : f32
    %broadcast_in_dim3A_186 = vector.broadcast %jit3A_185 : f32 to vector<1024x128xf32>
    %select_n3A_187 = arith.select %eq3A_184, %get3A_36, %broadcast_in_dim3A_186 : vector<1024x128xi1>, vector<1024x128xf32>
    %add3A_188 = arith.addf %add3A_175, %select_n3A_187 : vector<1024x128xf32>
    %get3A_189 = arith.constant 0 : index
    %get3A_190 = arith.constant 0 : index
    %get3A_191 = vector.load %arg8[%get3A_189, %get3A_190] : memref<1024x128xf32, #tpu.memory_space<vmem>>, vector<1024x128xf32>
    %add3A_192 = arith.addf %get3A_191, %add3A_188 : vector<1024x128xf32>
    %swap3A_193 = arith.constant 0 : index
    %swap3A_194 = arith.constant 0 : index
    %swap3A_195 = vector.load %arg8[%swap3A_193, %swap3A_194] : memref<1024x128xf32, #tpu.memory_space<vmem>>, vector<1024x128xf32>
    tpu.vector_store %arg8[%swap3A_193, %swap3A_194], %add3A_192 {strides = array<i32>} : memref<1024x128xf32, #tpu.memory_space<vmem>>, vector<1024x128xf32>,
    return
  }
  func.func @transform_0(%arg0: i32, %arg1: i32) -> (i32, i32) {
    %c0_i32 = arith.constant 0 : i32
    %c0_i32_0 = arith.constant 0 : i32
    return %arg0, %c0_i32 : i32, i32
  }
  func.func @transform_1(%arg0: i32, %arg1: i32) -> (i32, i32) {
    %c0_i32 = arith.constant 0 : i32
    %c0_i32_0 = arith.constant 0 : i32
    return %c0_i32, %arg1 : i32, i32
  }
  func.func @transform_2(%arg0: i32, %arg1: i32) -> (i32, i32) {
    %c0_i32 = arith.constant 0 : i32
    %c0_i32_0 = arith.constant 0 : i32
    return %arg0, %c0_i32 : i32, i32
  }
  func.func @transform_3(%arg0: i32, %arg1: i32) -> (i32, i32) {
    %c0_i32 = arith.constant 0 : i32
    %c0_i32_0 = arith.constant 0 : i32
    return %arg0, %c0_i32 : i32, i32
  }
  func.func @transform_4(%arg0: i32, %arg1: i32) -> (i32, i32) {
    %c0_i32 = arith.constant 0 : i32
    %c0_i32_0 = arith.constant 0 : i32
    return %arg0, %c0_i32 : i32, i32
  }
  func.func @transform_5(%arg0: i32, %arg1: i32) -> (i32, i32) {
    %c0_i32 = arith.constant 0 : i32
    %c0_i32_0 = arith.constant 0 : i32
    return %arg0, %c0_i32 : i32, i32
  }
  func.func @transform_6(%arg0: i32, %arg1: i32) -> (i32, i32) {
    %c0_i32 = arith.constant 0 : i32
    %c0_i32_0 = arith.constant 0 : i32
    return %arg0, %c0_i32 : i32, i32
  }
}

module attributes {stable_mosaic.version = 14 : i64} {
  func.func @_finalize0_body(%arg0: memref<4096x128xf32, #tpu.memory_space<vmem>>, %arg1: memref<4096x128xf32, #tpu.memory_space<vmem>>, %arg2: memref<4096x128xf32, #tpu.memory_space<vmem>>, %arg3: memref<4096x128xf32, #tpu.memory_space<vmem>>, %arg4: memref<4096x128xf32, #tpu.memory_space<vmem>>, %arg5: memref<4096x128xf32, #tpu.memory_space<vmem>>) attributes {dimension_semantics = [], scalar_prefetch = 0 : i64, scratch_operands = 0 : i64, tpu.core_type = #tpu.core_type<tc>} {
    %get3A = arith.constant 0 : index
    %get3A_0 = arith.constant 0 : index
    %get3A_1 = vector.load %arg0[%get3A, %get3A_0] : memref<4096x128xf32, #tpu.memory_space<vmem>>, vector<4096x128xf32>
    %get3A_2 = arith.constant 0 : index
    %get3A_3 = arith.constant 0 : index
    %get3A_4 = vector.load %arg1[%get3A_2, %get3A_3] : memref<4096x128xf32, #tpu.memory_space<vmem>>, vector<4096x128xf32>
    %get3A_5 = arith.constant 0 : index
    %get3A_6 = arith.constant 0 : index
    %get3A_7 = vector.load %arg2[%get3A_5, %get3A_6] : memref<4096x128xf32, #tpu.memory_space<vmem>>, vector<4096x128xf32>
    %get3A_8 = arith.constant 0 : index
    %get3A_9 = arith.constant 0 : index
    %get3A_10 = vector.load %arg3[%get3A_8, %get3A_9] : memref<4096x128xf32, #tpu.memory_space<vmem>>, vector<4096x128xf32>
    %reduce_max3A = arith.constant dense<0xFF800000> : vector<4096xf32>
    %reduce_max3A_11 = vector.multi_reduction <maximumf>, %get3A_1, %reduce_max3A [1] : vector<4096x128xf32> to vector<4096xf32>
    %broadcast_in_dim3A = vector.shape_cast %reduce_max3A_11 : vector<4096xf32> to vector<4096x1xf32>
    %eq3A = vector.broadcast %broadcast_in_dim3A : vector<4096x1xf32> to vector<4096x128xf32>
    %eq3A_12 = arith.cmpf oeq, %get3A_1, %eq3A : vector<4096x128xf32>
    %convert_element_type3A = arith.extui %eq3A_12 : vector<4096x128xi1> to vector<4096x128xi32>
    %convert_element_type3A_13 = arith.sitofp %convert_element_type3A : vector<4096x128xi32> to vector<4096x128xf32>
    %reduce_sum3A = arith.constant dense<0.000000e+00> : vector<4096xf32>
    %reduce_sum3A_14 = vector.multi_reduction <add>, %convert_element_type3A_13, %reduce_sum3A [1] : vector<4096x128xf32> to vector<4096xf32>
    %broadcast_in_dim3A_15 = vector.shape_cast %reduce_sum3A_14 : vector<4096xf32> to vector<4096x1xf32>
    %select_n3A = arith.select %eq3A_12, %get3A_4, %get3A_1 : vector<4096x128xi1>, vector<4096x128xf32>
    %reduce_max3A_16 = arith.constant dense<0xFF800000> : vector<4096xf32>
    %reduce_max3A_17 = vector.multi_reduction <maximumf>, %select_n3A, %reduce_max3A_16 [1] : vector<4096x128xf32> to vector<4096xf32>
    %broadcast_in_dim3A_18 = vector.shape_cast %reduce_max3A_17 : vector<4096xf32> to vector<4096x1xf32>
    %gt3A = arith.constant 1.500000e+00 : f32
    %gt3A_19 = vector.broadcast %gt3A : f32 to vector<4096x1xf32>
    %gt3A_20 = arith.cmpf ogt, %broadcast_in_dim3A_15, %gt3A_19 : vector<4096x1xf32>
    %select_n3A_21 = arith.select %gt3A_20, %broadcast_in_dim3A, %broadcast_in_dim3A_18 : vector<4096x1xi1>, vector<4096x1xf32>
    %reduce_sum3A_22 = arith.constant dense<0.000000e+00> : vector<4096xf32>
    %reduce_sum3A_23 = vector.multi_reduction <add>, %get3A_7, %reduce_sum3A_22 [1] : vector<4096x128xf32> to vector<4096xf32>
    %broadcast_in_dim3A_24 = vector.shape_cast %reduce_sum3A_23 : vector<4096xf32> to vector<4096x1xf32>
    %reduce_sum3A_25 = arith.constant dense<0.000000e+00> : vector<4096xf32>
    %reduce_sum3A_26 = vector.multi_reduction <add>, %get3A_10, %reduce_sum3A_25 [1] : vector<4096x128xf32> to vector<4096xf32>
    %broadcast_in_dim3A_27 = vector.shape_cast %reduce_sum3A_26 : vector<4096xf32> to vector<4096x1xf32>
    %exp3A = math.exp %broadcast_in_dim3A : vector<4096x1xf32>
    %div3A = arith.divf %exp3A, %broadcast_in_dim3A_24 : vector<4096x1xf32>
    %exp3A_28 = math.exp %select_n3A_21 : vector<4096x1xf32>
    %div3A_29 = arith.divf %exp3A_28, %broadcast_in_dim3A_24 : vector<4096x1xf32>
    %sub3A = arith.subf %div3A, %div3A_29 : vector<4096x1xf32>
    %log3A = math.log %broadcast_in_dim3A_24 : vector<4096x1xf32>
    %sub3A_30 = arith.subf %log3A, %broadcast_in_dim3A_27 : vector<4096x1xf32>
    %broadcast_in_dim3A_31 = vector.shape_cast %sub3A : vector<4096x1xf32> to vector<4096x1xf32>
    %broadcast_in_dim3A_32 = vector.broadcast %broadcast_in_dim3A_31 : vector<4096x1xf32> to vector<4096x128xf32>
    %swap3A = arith.constant 0 : index
    %swap3A_33 = arith.constant 0 : index
    %swap3A_34 = vector.load %arg4[%swap3A, %swap3A_33] : memref<4096x128xf32, #tpu.memory_space<vmem>>, vector<4096x128xf32>
    tpu.vector_store %arg4[%swap3A, %swap3A_33], %broadcast_in_dim3A_32 {strides = array<i32>} : memref<4096x128xf32, #tpu.memory_space<vmem>>, vector<4096x128xf32>,
    %broadcast_in_dim3A_35 = vector.shape_cast %sub3A_30 : vector<4096x1xf32> to vector<4096x1xf32>
    %broadcast_in_dim3A_36 = vector.broadcast %broadcast_in_dim3A_35 : vector<4096x1xf32> to vector<4096x128xf32>
    %swap3A_37 = arith.constant 0 : index
    %swap3A_38 = arith.constant 0 : index
    %swap3A_39 = vector.load %arg5[%swap3A_37, %swap3A_38] : memref<4096x128xf32, #tpu.memory_space<vmem>>, vector<4096x128xf32>
    tpu.vector_store %arg5[%swap3A_37, %swap3A_38], %broadcast_in_dim3A_36 {strides = array<i32>} : memref<4096x128xf32, #tpu.memory_space<vmem>>, vector<4096x128xf32>,
    return
  }
}

module attributes {stable_mosaic.version = 14 : i64} {
  func.func @_unmask_body(%arg0: memref<4096x128xf32, #tpu.memory_space<vmem>>, %arg1: memref<4096x128xf32, #tpu.memory_space<vmem>>, %arg2: memref<4096x128xi32, #tpu.memory_space<vmem>>, %arg3: memref<4096x128xi32, #tpu.memory_space<vmem>>, %arg4: memref<2x2048xf32, #tpu.memory_space<vmem>>, %arg5: memref<2x2048xi32, #tpu.memory_space<vmem>>, %arg6: memref<2x2048xi32, #tpu.memory_space<vmem>>, %arg7: memref<4096x128xi32, #tpu.memory_space<vmem>>, %arg8: memref<8x128xf32, #tpu.memory_space<vmem>>) attributes {dimension_semantics = [], scalar_prefetch = 0 : i64, scratch_operands = 0 : i64, tpu.core_type = #tpu.core_type<tc>} {
    %get3A = arith.constant 0 : index
    %get3A_0 = arith.constant 0 : index
    %get3A_1 = vector.load %arg0[%get3A, %get3A_0] : memref<4096x128xf32, #tpu.memory_space<vmem>>, vector<4096x1xf32>
    %get3A_2 = arith.constant 0 : index
    %get3A_3 = arith.constant 0 : index
    %get3A_4 = vector.load %arg1[%get3A_2, %get3A_3] : memref<4096x128xf32, #tpu.memory_space<vmem>>, vector<4096x1xf32>
    %get3A_5 = arith.constant 0 : index
    %get3A_6 = arith.constant 0 : index
    %get3A_7 = vector.load %arg2[%get3A_5, %get3A_6] : memref<4096x128xi32, #tpu.memory_space<vmem>>, vector<4096x1xi32>
    %eq3A = arith.constant 8191 : i32
    %eq3A_8 = vector.broadcast %eq3A : i32 to vector<4096x1xi32>
    %eq3A_9 = arith.cmpi eq, %get3A_7, %eq3A_8 : vector<4096x1xi32>
    %get3A_10 = arith.constant 0 : index
    %get3A_11 = arith.constant 0 : index
    %get3A_12 = vector.load %arg3[%get3A_10, %get3A_11] : memref<4096x128xi32, #tpu.memory_space<vmem>>, vector<4096x1xi32>
    %ne3A = arith.constant -100 : i32
    %ne3A_13 = vector.broadcast %ne3A : i32 to vector<4096x1xi32>
    %ne3A_14 = arith.cmpi ne, %get3A_12, %ne3A_13 : vector<4096x1xi32>
    %and3A = arith.andi %eq3A_9, %ne3A_14 : vector<4096x1xi1>
    %convert_element_type3A = arith.extui %and3A : vector<4096x1xi1> to vector<4096x1xi32>
    %convert_element_type3A_15 = arith.sitofp %convert_element_type3A : vector<4096x1xi32> to vector<4096x1xf32>
    %add3A = arith.constant 1.000000e+00 : f32
    %add3A_16 = vector.broadcast %add3A : f32 to vector<4096x1xf32>
    %add3A_17 = arith.addf %add3A_16, %get3A_1 : vector<4096x1xf32>
    %mul3A = arith.mulf %get3A_4, %add3A_17 : vector<4096x1xf32>
    %mul3A_18 = arith.mulf %mul3A, %convert_element_type3A_15 : vector<4096x1xf32>
    %reduce_sum3A = vector.shape_cast %mul3A_18 : vector<4096x1xf32> to vector<1x4096x1xf32>
    %reduce_sum3A_19 = arith.constant dense<0.000000e+00> : vector<1xf32>
    %reduce_sum3A_20 = vector.multi_reduction <add>, %reduce_sum3A, %reduce_sum3A_19 [1, 2] : vector<1x4096x1xf32> to vector<1xf32>
    %reduce_sum3A_21 = vector.shape_cast %reduce_sum3A_20 : vector<1xf32> to vector<1x1x1xf32>
    %reduce_sum3A_22 = vector.extract %reduce_sum3A_21[0, 0, 0] : f32 from vector<1x1x1xf32>
    %reduce_sum3A_23 = vector.shape_cast %convert_element_type3A_15 : vector<4096x1xf32> to vector<1x4096x1xf32>
    %reduce_sum3A_24 = arith.constant dense<0.000000e+00> : vector<1xf32>
    %reduce_sum3A_25 = vector.multi_reduction <add>, %reduce_sum3A_23, %reduce_sum3A_24 [1, 2] : vector<1x4096x1xf32> to vector<1xf32>
    %reduce_sum3A_26 = vector.shape_cast %reduce_sum3A_25 : vector<1xf32> to vector<1x1x1xf32>
    %reduce_sum3A_27 = vector.extract %reduce_sum3A_26[0, 0, 0] : f32 from vector<1x1x1xf32>
    %reshape3A = vector.broadcast %reduce_sum3A_22 : f32 to vector<1x1xf32>
    %swap3A = arith.constant 0 : index
    %swap3A_28 = arith.constant 0 : index
    %swap3A_29 = vector.load %arg8[%swap3A, %swap3A_28] : memref<8x128xf32, #tpu.memory_space<vmem>>, vector<1x1xf32>
    tpu.vector_store %arg8[%swap3A, %swap3A_28], %reshape3A {strides = array<i32>} : memref<8x128xf32, #tpu.memory_space<vmem>>, vector<1x1xf32>,
    %reshape3A_30 = vector.broadcast %reduce_sum3A_27 : f32 to vector<1x1xf32>
    %swap3A_31 = arith.constant 1 : index
    %swap3A_32 = arith.constant 0 : index
    %swap3A_33 = vector.load %arg8[%swap3A_31, %swap3A_32] : memref<8x128xf32, #tpu.memory_space<vmem>>, vector<1x1xf32>
    tpu.vector_store %arg8[%swap3A_31, %swap3A_32], %reshape3A_30 {strides = array<i32>} : memref<8x128xf32, #tpu.memory_space<vmem>>, vector<1x1xf32>,
    %get3A_34 = arith.constant 0 : index
    %get3A_35 = arith.constant 0 : index
    %get3A_36 = vector.load %arg4[%get3A_34, %get3A_35] : memref<2x2048xf32, #tpu.memory_space<vmem>>, vector<1x2048xf32>
    %sub3A = arith.constant 1.000000e+00 : f32
    %sub3A_37 = vector.broadcast %sub3A : f32 to vector<1x2048xf32>
    %sub3A_38 = arith.subf %sub3A_37, %get3A_36 : vector<1x2048xf32>
    %get3A_39 = arith.constant 0 : index
    %get3A_40 = arith.constant 0 : index
    %get3A_41 = vector.load %arg5[%get3A_39, %get3A_40] : memref<2x2048xi32, #tpu.memory_space<vmem>>, vector<1x2048xi32>
    %eq3A_42 = arith.constant 8191 : i32
    %eq3A_43 = vector.broadcast %eq3A_42 : i32 to vector<1x2048xi32>
    %eq3A_44 = arith.cmpi eq, %get3A_41, %eq3A_43 : vector<1x2048xi32>
    %get3A_45 = arith.constant 0 : index
    %get3A_46 = arith.constant 0 : index
    %get3A_47 = vector.load %arg6[%get3A_45, %get3A_46] : memref<2x2048xi32, #tpu.memory_space<vmem>>, vector<1x2048xi32>
    %ne3A_48 = arith.constant -100 : i32
    %ne3A_49 = vector.broadcast %ne3A_48 : i32 to vector<1x2048xi32>
    %ne3A_50 = arith.cmpi ne, %get3A_47, %ne3A_49 : vector<1x2048xi32>
    %and3A_51 = arith.andi %eq3A_44, %ne3A_50 : vector<1x2048xi1>
    %get3A_52 = arith.constant 0 : index
    %get3A_53 = arith.constant 0 : index
    %get3A_54 = vector.load %arg0[%get3A_52, %get3A_53] : memref<4096x128xf32, #tpu.memory_space<vmem>>, vector<256x1xf32>
    %sub3A_55 = arith.constant 1.000000e+00 : f32
    %sub3A_56 = vector.broadcast %sub3A_55 : f32 to vector<256x1xf32>
    %sub3A_57 = arith.subf %sub3A_56, %get3A_54 : vector<256x1xf32>
    %iota3A = tpu.iota {dimensions = array<i32: 1>} : vector<256x2048xi32>
    %iota3A_58 = tpu.iota {dimensions = array<i32: 0>} : vector<256x2048xi32>
    %add3A_59 = arith.constant 0 : i32
    %add3A_60 = vector.broadcast %add3A_59 : i32 to vector<256x2048xi32>
    %add3A_61 = arith.addi %iota3A_58, %add3A_60 : vector<256x2048xi32>
    %lt3A = vector.broadcast %sub3A_38 : vector<1x2048xf32> to vector<256x2048xf32>
    %lt3A_62 = vector.broadcast %sub3A_57 : vector<256x1xf32> to vector<256x2048xf32>
    %lt3A_63 = arith.cmpf olt, %lt3A, %lt3A_62 : vector<256x2048xf32>
    %eq3A_64 = vector.broadcast %sub3A_38 : vector<1x2048xf32> to vector<256x2048xf32>
    %eq3A_65 = vector.broadcast %sub3A_57 : vector<256x1xf32> to vector<256x2048xf32>
    %eq3A_66 = arith.cmpf oeq, %eq3A_64, %eq3A_65 : vector<256x2048xf32>
    %lt3A_67 = arith.cmpi slt, %iota3A, %add3A_61 : vector<256x2048xi32>
    %and3A_68 = arith.andi %eq3A_66, %lt3A_67 : vector<256x2048xi1>
    %or3A = arith.ori %lt3A_63, %and3A_68 : vector<256x2048xi1>
    %and3A_69 = vector.broadcast %and3A_51 : vector<1x2048xi1> to vector<256x2048xi1>
    %and3A_70 = arith.andi %or3A, %and3A_69 : vector<256x2048xi1>
    %jit3A = arith.constant 0.000000e+00 : f32
    %broadcast_in_dim3A = vector.shape_cast %sub3A_38 : vector<1x2048xf32> to vector<1x2048xf32>
    %broadcast_in_dim3A_71 = vector.broadcast %broadcast_in_dim3A : vector<1x2048xf32> to vector<256x2048xf32>
    %broadcast_in_dim3A_72 = vector.broadcast %jit3A : f32 to vector<256x2048xf32>
    %select_n3A = arith.select %and3A_70, %broadcast_in_dim3A_71, %broadcast_in_dim3A_72 : vector<256x2048xi1>, vector<256x2048xf32>
    %reduce_sum3A_73 = arith.constant dense<0.000000e+00> : vector<256xf32>
    %reduce_sum3A_74 = vector.multi_reduction <add>, %select_n3A, %reduce_sum3A_73 [1] : vector<256x2048xf32> to vector<256xf32>
    %broadcast_in_dim3A_75 = vector.shape_cast %reduce_sum3A_74 : vector<256xf32> to vector<256x1xf32>
    %convert_element_type3A_76 = arith.extui %and3A_70 : vector<256x2048xi1> to vector<256x2048xi32>
    %reduce_sum3A_77 = arith.constant dense<0> : vector<256xi32>
    %reduce_sum3A_78 = vector.multi_reduction <add>, %convert_element_type3A_76, %reduce_sum3A_77 [1] : vector<256x2048xi32> to vector<256xi32>
    %broadcast_in_dim3A_79 = vector.shape_cast %reduce_sum3A_78 : vector<256xi32> to vector<256x1xi32>
    %get3A_80 = arith.constant 0 : index
    %get3A_81 = arith.constant 0 : index
    %get3A_82 = vector.load %arg2[%get3A_80, %get3A_81] : memref<4096x128xi32, #tpu.memory_space<vmem>>, vector<256x1xi32>
    %eq3A_83 = arith.constant 8191 : i32
    %eq3A_84 = vector.broadcast %eq3A_83 : i32 to vector<256x1xi32>
    %eq3A_85 = arith.cmpi eq, %get3A_82, %eq3A_84 : vector<256x1xi32>
    %get3A_86 = arith.constant 0 : index
    %get3A_87 = arith.constant 0 : index
    %get3A_88 = vector.load %arg3[%get3A_86, %get3A_87] : memref<4096x128xi32, #tpu.memory_space<vmem>>, vector<256x1xi32>
    %ne3A_89 = arith.constant -100 : i32
    %ne3A_90 = vector.broadcast %ne3A_89 : i32 to vector<256x1xi32>
    %ne3A_91 = arith.cmpi ne, %get3A_88, %ne3A_90 : vector<256x1xi32>
    %and3A_92 = arith.andi %eq3A_85, %ne3A_91 : vector<256x1xi1>
    %add3A_93 = arith.addf %broadcast_in_dim3A_75, %sub3A_57 : vector<256x1xf32>
    %lt3A_94 = arith.constant 1.500000e-01 : f32
    %lt3A_95 = vector.broadcast %lt3A_94 : f32 to vector<256x1xf32>
    %lt3A_96 = arith.cmpf olt, %add3A_93, %lt3A_95 : vector<256x1xf32>
    %eq3A_97 = arith.constant 0 : i32
    %eq3A_98 = vector.broadcast %eq3A_97 : i32 to vector<256x1xi32>
    %eq3A_99 = arith.cmpi eq, %broadcast_in_dim3A_79, %eq3A_98 : vector<256x1xi32>
    %or3A_100 = arith.ori %lt3A_96, %eq3A_99 : vector<256x1xi1>
    %and3A_101 = arith.andi %and3A_92, %or3A_100 : vector<256x1xi1>
    %get3A_102 = arith.constant 0 : index
    %get3A_103 = arith.constant 0 : index
    %get3A_104 = vector.load %arg3[%get3A_102, %get3A_103] : memref<4096x128xi32, #tpu.memory_space<vmem>>, vector<256x128xi32>
    %get3A_105 = arith.constant 0 : index
    %get3A_106 = arith.constant 0 : index
    %get3A_107 = vector.load %arg2[%get3A_105, %get3A_106] : memref<4096x128xi32, #tpu.memory_space<vmem>>, vector<256x128xi32>
    %broadcast_in_dim3A_108 = vector.shape_cast %and3A_101 : vector<256x1xi1> to vector<256x1xi1>
    %broadcast_in_dim3A_109 = vector.broadcast %broadcast_in_dim3A_108 : vector<256x1xi1> to vector<256x128xi1>
    %select_n3A_110 = arith.select %broadcast_in_dim3A_109, %get3A_104, %get3A_107 : vector<256x128xi1>, vector<256x128xi32>
    %swap3A_111 = arith.constant 0 : index
    %swap3A_112 = arith.constant 0 : index
    %swap3A_113 = vector.load %arg7[%swap3A_111, %swap3A_112] : memref<4096x128xi32, #tpu.memory_space<vmem>>, vector<256x128xi32>
    tpu.vector_store %arg7[%swap3A_111, %swap3A_112], %select_n3A_110 {strides = array<i32>} : memref<4096x128xi32, #tpu.memory_space<vmem>>, vector<256x128xi32>,
    %get3A_114 = arith.constant 256 : index
    %get3A_115 = arith.constant 0 : index
    %get3A_116 = vector.load %arg0[%get3A_114, %get3A_115] : memref<4096x128xf32, #tpu.memory_space<vmem>>, vector<256x1xf32>
    %sub3A_117 = arith.constant 1.000000e+00 : f32
    %sub3A_118 = vector.broadcast %sub3A_117 : f32 to vector<256x1xf32>
    %sub3A_119 = arith.subf %sub3A_118, %get3A_116 : vector<256x1xf32>
    %iota3A_120 = tpu.iota {dimensions = array<i32: 1>} : vector<256x2048xi32>
    %iota3A_121 = tpu.iota {dimensions = array<i32: 0>} : vector<256x2048xi32>
    %add3A_122 = arith.constant 256 : i32
    %add3A_123 = vector.broadcast %add3A_122 : i32 to vector<256x2048xi32>
    %add3A_124 = arith.addi %iota3A_121, %add3A_123 : vector<256x2048xi32>
    %lt3A_125 = vector.broadcast %sub3A_38 : vector<1x2048xf32> to vector<256x2048xf32>
    %lt3A_126 = vector.broadcast %sub3A_119 : vector<256x1xf32> to vector<256x2048xf32>
    %lt3A_127 = arith.cmpf olt, %lt3A_125, %lt3A_126 : vector<256x2048xf32>
    %eq3A_128 = vector.broadcast %sub3A_38 : vector<1x2048xf32> to vector<256x2048xf32>
    %eq3A_129 = vector.broadcast %sub3A_119 : vector<256x1xf32> to vector<256x2048xf32>
    %eq3A_130 = arith.cmpf oeq, %eq3A_128, %eq3A_129 : vector<256x2048xf32>
    %lt3A_131 = arith.cmpi slt, %iota3A_120, %add3A_124 : vector<256x2048xi32>
    %and3A_132 = arith.andi %eq3A_130, %lt3A_131 : vector<256x2048xi1>
    %or3A_133 = arith.ori %lt3A_127, %and3A_132 : vector<256x2048xi1>
    %and3A_134 = vector.broadcast %and3A_51 : vector<1x2048xi1> to vector<256x2048xi1>
    %and3A_135 = arith.andi %or3A_133, %and3A_134 : vector<256x2048xi1>
    %jit3A_136 = arith.constant 0.000000e+00 : f32
    %broadcast_in_dim3A_137 = vector.shape_cast %sub3A_38 : vector<1x2048xf32> to vector<1x2048xf32>
    %broadcast_in_dim3A_138 = vector.broadcast %broadcast_in_dim3A_137 : vector<1x2048xf32> to vector<256x2048xf32>
    %broadcast_in_dim3A_139 = vector.broadcast %jit3A_136 : f32 to vector<256x2048xf32>
    %select_n3A_140 = arith.select %and3A_135, %broadcast_in_dim3A_138, %broadcast_in_dim3A_139 : vector<256x2048xi1>, vector<256x2048xf32>
    %reduce_sum3A_141 = arith.constant dense<0.000000e+00> : vector<256xf32>
    %reduce_sum3A_142 = vector.multi_reduction <add>, %select_n3A_140, %reduce_sum3A_141 [1] : vector<256x2048xf32> to vector<256xf32>
    %broadcast_in_dim3A_143 = vector.shape_cast %reduce_sum3A_142 : vector<256xf32> to vector<256x1xf32>
    %convert_element_type3A_144 = arith.extui %and3A_135 : vector<256x2048xi1> to vector<256x2048xi32>
    %reduce_sum3A_145 = arith.constant dense<0> : vector<256xi32>
    %reduce_sum3A_146 = vector.multi_reduction <add>, %convert_element_type3A_144, %reduce_sum3A_145 [1] : vector<256x2048xi32> to vector<256xi32>
    %broadcast_in_dim3A_147 = vector.shape_cast %reduce_sum3A_146 : vector<256xi32> to vector<256x1xi32>
    %get3A_148 = arith.constant 256 : index
    %get3A_149 = arith.constant 0 : index
    %get3A_150 = vector.load %arg2[%get3A_148, %get3A_149] : memref<4096x128xi32, #tpu.memory_space<vmem>>, vector<256x1xi32>
    %eq3A_151 = arith.constant 8191 : i32
    %eq3A_152 = vector.broadcast %eq3A_151 : i32 to vector<256x1xi32>
    %eq3A_153 = arith.cmpi eq, %get3A_150, %eq3A_152 : vector<256x1xi32>
    %get3A_154 = arith.constant 256 : index
    %get3A_155 = arith.constant 0 : index
    %get3A_156 = vector.load %arg3[%get3A_154, %get3A_155] : memref<4096x128xi32, #tpu.memory_space<vmem>>, vector<256x1xi32>
    %ne3A_157 = arith.constant -100 : i32
    %ne3A_158 = vector.broadcast %ne3A_157 : i32 to vector<256x1xi32>
    %ne3A_159 = arith.cmpi ne, %get3A_156, %ne3A_158 : vector<256x1xi32>
    %and3A_160 = arith.andi %eq3A_153, %ne3A_159 : vector<256x1xi1>
    %add3A_161 = arith.addf %broadcast_in_dim3A_143, %sub3A_119 : vector<256x1xf32>
    %lt3A_162 = arith.constant 1.500000e-01 : f32
    %lt3A_163 = vector.broadcast %lt3A_162 : f32 to vector<256x1xf32>
    %lt3A_164 = arith.cmpf olt, %add3A_161, %lt3A_163 : vector<256x1xf32>
    %eq3A_165 = arith.constant 0 : i32
    %eq3A_166 = vector.broadcast %eq3A_165 : i32 to vector<256x1xi32>
    %eq3A_167 = arith.cmpi eq, %broadcast_in_dim3A_147, %eq3A_166 : vector<256x1xi32>
    %or3A_168 = arith.ori %lt3A_164, %eq3A_167 : vector<256x1xi1>
    %and3A_169 = arith.andi %and3A_160, %or3A_168 : vector<256x1xi1>
    %get3A_170 = arith.constant 256 : index
    %get3A_171 = arith.constant 0 : index
    %get3A_172 = vector.load %arg3[%get3A_170, %get3A_171] : memref<4096x128xi32, #tpu.memory_space<vmem>>, vector<256x128xi32>
    %get3A_173 = arith.constant 256 : index
    %get3A_174 = arith.constant 0 : index
    %get3A_175 = vector.load %arg2[%get3A_173, %get3A_174] : memref<4096x128xi32, #tpu.memory_space<vmem>>, vector<256x128xi32>
    %broadcast_in_dim3A_176 = vector.shape_cast %and3A_169 : vector<256x1xi1> to vector<256x1xi1>
    %broadcast_in_dim3A_177 = vector.broadcast %broadcast_in_dim3A_176 : vector<256x1xi1> to vector<256x128xi1>
    %select_n3A_178 = arith.select %broadcast_in_dim3A_177, %get3A_172, %get3A_175 : vector<256x128xi1>, vector<256x128xi32>
    %swap3A_179 = arith.constant 256 : index
    %swap3A_180 = arith.constant 0 : index
    %swap3A_181 = vector.load %arg7[%swap3A_179, %swap3A_180] : memref<4096x128xi32, #tpu.memory_space<vmem>>, vector<256x128xi32>
    tpu.vector_store %arg7[%swap3A_179, %swap3A_180], %select_n3A_178 {strides = array<i32>} : memref<4096x128xi32, #tpu.memory_space<vmem>>, vector<256x128xi32>,
    %get3A_182 = arith.constant 512 : index
    %get3A_183 = arith.constant 0 : index
    %get3A_184 = vector.load %arg0[%get3A_182, %get3A_183] : memref<4096x128xf32, #tpu.memory_space<vmem>>, vector<256x1xf32>
    %sub3A_185 = arith.constant 1.000000e+00 : f32
    %sub3A_186 = vector.broadcast %sub3A_185 : f32 to vector<256x1xf32>
    %sub3A_187 = arith.subf %sub3A_186, %get3A_184 : vector<256x1xf32>
    %iota3A_188 = tpu.iota {dimensions = array<i32: 1>} : vector<256x2048xi32>
    %iota3A_189 = tpu.iota {dimensions = array<i32: 0>} : vector<256x2048xi32>
    %add3A_190 = arith.constant 512 : i32
    %add3A_191 = vector.broadcast %add3A_190 : i32 to vector<256x2048xi32>
    %add3A_192 = arith.addi %iota3A_189, %add3A_191 : vector<256x2048xi32>
    %lt3A_193 = vector.broadcast %sub3A_38 : vector<1x2048xf32> to vector<256x2048xf32>
    %lt3A_194 = vector.broadcast %sub3A_187 : vector<256x1xf32> to vector<256x2048xf32>
    %lt3A_195 = arith.cmpf olt, %lt3A_193, %lt3A_194 : vector<256x2048xf32>
    %eq3A_196 = vector.broadcast %sub3A_38 : vector<1x2048xf32> to vector<256x2048xf32>
    %eq3A_197 = vector.broadcast %sub3A_187 : vector<256x1xf32> to vector<256x2048xf32>
    %eq3A_198 = arith.cmpf oeq, %eq3A_196, %eq3A_197 : vector<256x2048xf32>
    %lt3A_199 = arith.cmpi slt, %iota3A_188, %add3A_192 : vector<256x2048xi32>
    %and3A_200 = arith.andi %eq3A_198, %lt3A_199 : vector<256x2048xi1>
    %or3A_201 = arith.ori %lt3A_195, %and3A_200 : vector<256x2048xi1>
    %and3A_202 = vector.broadcast %and3A_51 : vector<1x2048xi1> to vector<256x2048xi1>
    %and3A_203 = arith.andi %or3A_201, %and3A_202 : vector<256x2048xi1>
    %jit3A_204 = arith.constant 0.000000e+00 : f32
    %broadcast_in_dim3A_205 = vector.shape_cast %sub3A_38 : vector<1x2048xf32> to vector<1x2048xf32>
    %broadcast_in_dim3A_206 = vector.broadcast %broadcast_in_dim3A_205 : vector<1x2048xf32> to vector<256x2048xf32>
    %broadcast_in_dim3A_207 = vector.broadcast %jit3A_204 : f32 to vector<256x2048xf32>
    %select_n3A_208 = arith.select %and3A_203, %broadcast_in_dim3A_206, %broadcast_in_dim3A_207 : vector<256x2048xi1>, vector<256x2048xf32>
    %reduce_sum3A_209 = arith.constant dense<0.000000e+00> : vector<256xf32>
    %reduce_sum3A_210 = vector.multi_reduction <add>, %select_n3A_208, %reduce_sum3A_209 [1] : vector<256x2048xf32> to vector<256xf32>
    %broadcast_in_dim3A_211 = vector.shape_cast %reduce_sum3A_210 : vector<256xf32> to vector<256x1xf32>
    %convert_element_type3A_212 = arith.extui %and3A_203 : vector<256x2048xi1> to vector<256x2048xi32>
    %reduce_sum3A_213 = arith.constant dense<0> : vector<256xi32>
    %reduce_sum3A_214 = vector.multi_reduction <add>, %convert_element_type3A_212, %reduce_sum3A_213 [1] : vector<256x2048xi32> to vector<256xi32>
    %broadcast_in_dim3A_215 = vector.shape_cast %reduce_sum3A_214 : vector<256xi32> to vector<256x1xi32>
    %get3A_216 = arith.constant 512 : index
    %get3A_217 = arith.constant 0 : index
    %get3A_218 = vector.load %arg2[%get3A_216, %get3A_217] : memref<4096x128xi32, #tpu.memory_space<vmem>>, vector<256x1xi32>
    %eq3A_219 = arith.constant 8191 : i32
    %eq3A_220 = vector.broadcast %eq3A_219 : i32 to vector<256x1xi32>
    %eq3A_221 = arith.cmpi eq, %get3A_218, %eq3A_220 : vector<256x1xi32>
    %get3A_222 = arith.constant 512 : index
    %get3A_223 = arith.constant 0 : index
    %get3A_224 = vector.load %arg3[%get3A_222, %get3A_223] : memref<4096x128xi32, #tpu.memory_space<vmem>>, vector<256x1xi32>
    %ne3A_225 = arith.constant -100 : i32
    %ne3A_226 = vector.broadcast %ne3A_225 : i32 to vector<256x1xi32>
    %ne3A_227 = arith.cmpi ne, %get3A_224, %ne3A_226 : vector<256x1xi32>
    %and3A_228 = arith.andi %eq3A_221, %ne3A_227 : vector<256x1xi1>
    %add3A_229 = arith.addf %broadcast_in_dim3A_211, %sub3A_187 : vector<256x1xf32>
    %lt3A_230 = arith.constant 1.500000e-01 : f32
    %lt3A_231 = vector.broadcast %lt3A_230 : f32 to vector<256x1xf32>
    %lt3A_232 = arith.cmpf olt, %add3A_229, %lt3A_231 : vector<256x1xf32>
    %eq3A_233 = arith.constant 0 : i32
    %eq3A_234 = vector.broadcast %eq3A_233 : i32 to vector<256x1xi32>
    %eq3A_235 = arith.cmpi eq, %broadcast_in_dim3A_215, %eq3A_234 : vector<256x1xi32>
    %or3A_236 = arith.ori %lt3A_232, %eq3A_235 : vector<256x1xi1>
    %and3A_237 = arith.andi %and3A_228, %or3A_236 : vector<256x1xi1>
    %get3A_238 = arith.constant 512 : index
    %get3A_239 = arith.constant 0 : index
    %get3A_240 = vector.load %arg3[%get3A_238, %get3A_239] : memref<4096x128xi32, #tpu.memory_space<vmem>>, vector<256x128xi32>
    %get3A_241 = arith.constant 512 : index
    %get3A_242 = arith.constant 0 : index
    %get3A_243 = vector.load %arg2[%get3A_241, %get3A_242] : memref<4096x128xi32, #tpu.memory_space<vmem>>, vector<256x128xi32>
    %broadcast_in_dim3A_244 = vector.shape_cast %and3A_237 : vector<256x1xi1> to vector<256x1xi1>
    %broadcast_in_dim3A_245 = vector.broadcast %broadcast_in_dim3A_244 : vector<256x1xi1> to vector<256x128xi1>
    %select_n3A_246 = arith.select %broadcast_in_dim3A_245, %get3A_240, %get3A_243 : vector<256x128xi1>, vector<256x128xi32>
    %swap3A_247 = arith.constant 512 : index
    %swap3A_248 = arith.constant 0 : index
    %swap3A_249 = vector.load %arg7[%swap3A_247, %swap3A_248] : memref<4096x128xi32, #tpu.memory_space<vmem>>, vector<256x128xi32>
    tpu.vector_store %arg7[%swap3A_247, %swap3A_248], %select_n3A_246 {strides = array<i32>} : memref<4096x128xi32, #tpu.memory_space<vmem>>, vector<256x128xi32>,
    %get3A_250 = arith.constant 768 : index
    %get3A_251 = arith.constant 0 : index
    %get3A_252 = vector.load %arg0[%get3A_250, %get3A_251] : memref<4096x128xf32, #tpu.memory_space<vmem>>, vector<256x1xf32>
    %sub3A_253 = arith.constant 1.000000e+00 : f32
    %sub3A_254 = vector.broadcast %sub3A_253 : f32 to vector<256x1xf32>
    %sub3A_255 = arith.subf %sub3A_254, %get3A_252 : vector<256x1xf32>
    %iota3A_256 = tpu.iota {dimensions = array<i32: 1>} : vector<256x2048xi32>
    %iota3A_257 = tpu.iota {dimensions = array<i32: 0>} : vector<256x2048xi32>
    %add3A_258 = arith.constant 768 : i32
    %add3A_259 = vector.broadcast %add3A_258 : i32 to vector<256x2048xi32>
    %add3A_260 = arith.addi %iota3A_257, %add3A_259 : vector<256x2048xi32>
    %lt3A_261 = vector.broadcast %sub3A_38 : vector<1x2048xf32> to vector<256x2048xf32>
    %lt3A_262 = vector.broadcast %sub3A_255 : vector<256x1xf32> to vector<256x2048xf32>
    %lt3A_263 = arith.cmpf olt, %lt3A_261, %lt3A_262 : vector<256x2048xf32>
    %eq3A_264 = vector.broadcast %sub3A_38 : vector<1x2048xf32> to vector<256x2048xf32>
    %eq3A_265 = vector.broadcast %sub3A_255 : vector<256x1xf32> to vector<256x2048xf32>
    %eq3A_266 = arith.cmpf oeq, %eq3A_264, %eq3A_265 : vector<256x2048xf32>
    %lt3A_267 = arith.cmpi slt, %iota3A_256, %add3A_260 : vector<256x2048xi32>
    %and3A_268 = arith.andi %eq3A_266, %lt3A_267 : vector<256x2048xi1>
    %or3A_269 = arith.ori %lt3A_263, %and3A_268 : vector<256x2048xi1>
    %and3A_270 = vector.broadcast %and3A_51 : vector<1x2048xi1> to vector<256x2048xi1>
    %and3A_271 = arith.andi %or3A_269, %and3A_270 : vector<256x2048xi1>
    %jit3A_272 = arith.constant 0.000000e+00 : f32
    %broadcast_in_dim3A_273 = vector.shape_cast %sub3A_38 : vector<1x2048xf32> to vector<1x2048xf32>
    %broadcast_in_dim3A_274 = vector.broadcast %broadcast_in_dim3A_273 : vector<1x2048xf32> to vector<256x2048xf32>
    %broadcast_in_dim3A_275 = vector.broadcast %jit3A_272 : f32 to vector<256x2048xf32>
    %select_n3A_276 = arith.select %and3A_271, %broadcast_in_dim3A_274, %broadcast_in_dim3A_275 : vector<256x2048xi1>, vector<256x2048xf32>
    %reduce_sum3A_277 = arith.constant dense<0.000000e+00> : vector<256xf32>
    %reduce_sum3A_278 = vector.multi_reduction <add>, %select_n3A_276, %reduce_sum3A_277 [1] : vector<256x2048xf32> to vector<256xf32>
    %broadcast_in_dim3A_279 = vector.shape_cast %reduce_sum3A_278 : vector<256xf32> to vector<256x1xf32>
    %convert_element_type3A_280 = arith.extui %and3A_271 : vector<256x2048xi1> to vector<256x2048xi32>
    %reduce_sum3A_281 = arith.constant dense<0> : vector<256xi32>
    %reduce_sum3A_282 = vector.multi_reduction <add>, %convert_element_type3A_280, %reduce_sum3A_281 [1] : vector<256x2048xi32> to vector<256xi32>
    %broadcast_in_dim3A_283 = vector.shape_cast %reduce_sum3A_282 : vector<256xi32> to vector<256x1xi32>
    %get3A_284 = arith.constant 768 : index
    %get3A_285 = arith.constant 0 : index
    %get3A_286 = vector.load %arg2[%get3A_284, %get3A_285] : memref<4096x128xi32, #tpu.memory_space<vmem>>, vector<256x1xi32>
    %eq3A_287 = arith.constant 8191 : i32
    %eq3A_288 = vector.broadcast %eq3A_287 : i32 to vector<256x1xi32>
    %eq3A_289 = arith.cmpi eq, %get3A_286, %eq3A_288 : vector<256x1xi32>
    %get3A_290 = arith.constant 768 : index
    %get3A_291 = arith.constant 0 : index
    %get3A_292 = vector.load %arg3[%get3A_290, %get3A_291] : memref<4096x128xi32, #tpu.memory_space<vmem>>, vector<256x1xi32>
    %ne3A_293 = arith.constant -100 : i32
    %ne3A_294 = vector.broadcast %ne3A_293 : i32 to vector<256x1xi32>
    %ne3A_295 = arith.cmpi ne, %get3A_292, %ne3A_294 : vector<256x1xi32>
    %and3A_296 = arith.andi %eq3A_289, %ne3A_295 : vector<256x1xi1>
    %add3A_297 = arith.addf %broadcast_in_dim3A_279, %sub3A_255 : vector<256x1xf32>
    %lt3A_298 = arith.constant 1.500000e-01 : f32
    %lt3A_299 = vector.broadcast %lt3A_298 : f32 to vector<256x1xf32>
    %lt3A_300 = arith.cmpf olt, %add3A_297, %lt3A_299 : vector<256x1xf32>
    %eq3A_301 = arith.constant 0 : i32
    %eq3A_302 = vector.broadcast %eq3A_301 : i32 to vector<256x1xi32>
    %eq3A_303 = arith.cmpi eq, %broadcast_in_dim3A_283, %eq3A_302 : vector<256x1xi32>
    %or3A_304 = arith.ori %lt3A_300, %eq3A_303 : vector<256x1xi1>
    %and3A_305 = arith.andi %and3A_296, %or3A_304 : vector<256x1xi1>
    %get3A_306 = arith.constant 768 : index
    %get3A_307 = arith.constant 0 : index
    %get3A_308 = vector.load %arg3[%get3A_306, %get3A_307] : memref<4096x128xi32, #tpu.memory_space<vmem>>, vector<256x128xi32>
    %get3A_309 = arith.constant 768 : index
    %get3A_310 = arith.constant 0 : index
    %get3A_311 = vector.load %arg2[%get3A_309, %get3A_310] : memref<4096x128xi32, #tpu.memory_space<vmem>>, vector<256x128xi32>
    %broadcast_in_dim3A_312 = vector.shape_cast %and3A_305 : vector<256x1xi1> to vector<256x1xi1>
    %broadcast_in_dim3A_313 = vector.broadcast %broadcast_in_dim3A_312 : vector<256x1xi1> to vector<256x128xi1>
    %select_n3A_314 = arith.select %broadcast_in_dim3A_313, %get3A_308, %get3A_311 : vector<256x128xi1>, vector<256x128xi32>
    %swap3A_315 = arith.constant 768 : index
    %swap3A_316 = arith.constant 0 : index
    %swap3A_317 = vector.load %arg7[%swap3A_315, %swap3A_316] : memref<4096x128xi32, #tpu.memory_space<vmem>>, vector<256x128xi32>
    tpu.vector_store %arg7[%swap3A_315, %swap3A_316], %select_n3A_314 {strides = array<i32>} : memref<4096x128xi32, #tpu.memory_space<vmem>>, vector<256x128xi32>,
    %get3A_318 = arith.constant 1024 : index
    %get3A_319 = arith.constant 0 : index
    %get3A_320 = vector.load %arg0[%get3A_318, %get3A_319] : memref<4096x128xf32, #tpu.memory_space<vmem>>, vector<256x1xf32>
    %sub3A_321 = arith.constant 1.000000e+00 : f32
    %sub3A_322 = vector.broadcast %sub3A_321 : f32 to vector<256x1xf32>
    %sub3A_323 = arith.subf %sub3A_322, %get3A_320 : vector<256x1xf32>
    %iota3A_324 = tpu.iota {dimensions = array<i32: 1>} : vector<256x2048xi32>
    %iota3A_325 = tpu.iota {dimensions = array<i32: 0>} : vector<256x2048xi32>
    %add3A_326 = arith.constant 1024 : i32
    %add3A_327 = vector.broadcast %add3A_326 : i32 to vector<256x2048xi32>
    %add3A_328 = arith.addi %iota3A_325, %add3A_327 : vector<256x2048xi32>
    %lt3A_329 = vector.broadcast %sub3A_38 : vector<1x2048xf32> to vector<256x2048xf32>
    %lt3A_330 = vector.broadcast %sub3A_323 : vector<256x1xf32> to vector<256x2048xf32>
    %lt3A_331 = arith.cmpf olt, %lt3A_329, %lt3A_330 : vector<256x2048xf32>
    %eq3A_332 = vector.broadcast %sub3A_38 : vector<1x2048xf32> to vector<256x2048xf32>
    %eq3A_333 = vector.broadcast %sub3A_323 : vector<256x1xf32> to vector<256x2048xf32>
    %eq3A_334 = arith.cmpf oeq, %eq3A_332, %eq3A_333 : vector<256x2048xf32>
    %lt3A_335 = arith.cmpi slt, %iota3A_324, %add3A_328 : vector<256x2048xi32>
    %and3A_336 = arith.andi %eq3A_334, %lt3A_335 : vector<256x2048xi1>
    %or3A_337 = arith.ori %lt3A_331, %and3A_336 : vector<256x2048xi1>
    %and3A_338 = vector.broadcast %and3A_51 : vector<1x2048xi1> to vector<256x2048xi1>
    %and3A_339 = arith.andi %or3A_337, %and3A_338 : vector<256x2048xi1>
    %jit3A_340 = arith.constant 0.000000e+00 : f32
    %broadcast_in_dim3A_341 = vector.shape_cast %sub3A_38 : vector<1x2048xf32> to vector<1x2048xf32>
    %broadcast_in_dim3A_342 = vector.broadcast %broadcast_in_dim3A_341 : vector<1x2048xf32> to vector<256x2048xf32>
    %broadcast_in_dim3A_343 = vector.broadcast %jit3A_340 : f32 to vector<256x2048xf32>
    %select_n3A_344 = arith.select %and3A_339, %broadcast_in_dim3A_342, %broadcast_in_dim3A_343 : vector<256x2048xi1>, vector<256x2048xf32>
    %reduce_sum3A_345 = arith.constant dense<0.000000e+00> : vector<256xf32>
    %reduce_sum3A_346 = vector.multi_reduction <add>, %select_n3A_344, %reduce_sum3A_345 [1] : vector<256x2048xf32> to vector<256xf32>
    %broadcast_in_dim3A_347 = vector.shape_cast %reduce_sum3A_346 : vector<256xf32> to vector<256x1xf32>
    %convert_element_type3A_348 = arith.extui %and3A_339 : vector<256x2048xi1> to vector<256x2048xi32>
    %reduce_sum3A_349 = arith.constant dense<0> : vector<256xi32>
    %reduce_sum3A_350 = vector.multi_reduction <add>, %convert_element_type3A_348, %reduce_sum3A_349 [1] : vector<256x2048xi32> to vector<256xi32>
    %broadcast_in_dim3A_351 = vector.shape_cast %reduce_sum3A_350 : vector<256xi32> to vector<256x1xi32>
    %get3A_352 = arith.constant 1024 : index
    %get3A_353 = arith.constant 0 : index
    %get3A_354 = vector.load %arg2[%get3A_352, %get3A_353] : memref<4096x128xi32, #tpu.memory_space<vmem>>, vector<256x1xi32>
    %eq3A_355 = arith.constant 8191 : i32
    %eq3A_356 = vector.broadcast %eq3A_355 : i32 to vector<256x1xi32>
    %eq3A_357 = arith.cmpi eq, %get3A_354, %eq3A_356 : vector<256x1xi32>
    %get3A_358 = arith.constant 1024 : index
    %get3A_359 = arith.constant 0 : index
    %get3A_360 = vector.load %arg3[%get3A_358, %get3A_359] : memref<4096x128xi32, #tpu.memory_space<vmem>>, vector<256x1xi32>
    %ne3A_361 = arith.constant -100 : i32
    %ne3A_362 = vector.broadcast %ne3A_361 : i32 to vector<256x1xi32>
    %ne3A_363 = arith.cmpi ne, %get3A_360, %ne3A_362 : vector<256x1xi32>
    %and3A_364 = arith.andi %eq3A_357, %ne3A_363 : vector<256x1xi1>
    %add3A_365 = arith.addf %broadcast_in_dim3A_347, %sub3A_323 : vector<256x1xf32>
    %lt3A_366 = arith.constant 1.500000e-01 : f32
    %lt3A_367 = vector.broadcast %lt3A_366 : f32 to vector<256x1xf32>
    %lt3A_368 = arith.cmpf olt, %add3A_365, %lt3A_367 : vector<256x1xf32>
    %eq3A_369 = arith.constant 0 : i32
    %eq3A_370 = vector.broadcast %eq3A_369 : i32 to vector<256x1xi32>
    %eq3A_371 = arith.cmpi eq, %broadcast_in_dim3A_351, %eq3A_370 : vector<256x1xi32>
    %or3A_372 = arith.ori %lt3A_368, %eq3A_371 : vector<256x1xi1>
    %and3A_373 = arith.andi %and3A_364, %or3A_372 : vector<256x1xi1>
    %get3A_374 = arith.constant 1024 : index
    %get3A_375 = arith.constant 0 : index
    %get3A_376 = vector.load %arg3[%get3A_374, %get3A_375] : memref<4096x128xi32, #tpu.memory_space<vmem>>, vector<256x128xi32>
    %get3A_377 = arith.constant 1024 : index
    %get3A_378 = arith.constant 0 : index
    %get3A_379 = vector.load %arg2[%get3A_377, %get3A_378] : memref<4096x128xi32, #tpu.memory_space<vmem>>, vector<256x128xi32>
    %broadcast_in_dim3A_380 = vector.shape_cast %and3A_373 : vector<256x1xi1> to vector<256x1xi1>
    %broadcast_in_dim3A_381 = vector.broadcast %broadcast_in_dim3A_380 : vector<256x1xi1> to vector<256x128xi1>
    %select_n3A_382 = arith.select %broadcast_in_dim3A_381, %get3A_376, %get3A_379 : vector<256x128xi1>, vector<256x128xi32>
    %swap3A_383 = arith.constant 1024 : index
    %swap3A_384 = arith.constant 0 : index
    %swap3A_385 = vector.load %arg7[%swap3A_383, %swap3A_384] : memref<4096x128xi32, #tpu.memory_space<vmem>>, vector<256x128xi32>
    tpu.vector_store %arg7[%swap3A_383, %swap3A_384], %select_n3A_382 {strides = array<i32>} : memref<4096x128xi32, #tpu.memory_space<vmem>>, vector<256x128xi32>,
    %get3A_386 = arith.constant 1280 : index
    %get3A_387 = arith.constant 0 : index
    %get3A_388 = vector.load %arg0[%get3A_386, %get3A_387] : memref<4096x128xf32, #tpu.memory_space<vmem>>, vector<256x1xf32>
    %sub3A_389 = arith.constant 1.000000e+00 : f32
    %sub3A_390 = vector.broadcast %sub3A_389 : f32 to vector<256x1xf32>
    %sub3A_391 = arith.subf %sub3A_390, %get3A_388 : vector<256x1xf32>
    %iota3A_392 = tpu.iota {dimensions = array<i32: 1>} : vector<256x2048xi32>
    %iota3A_393 = tpu.iota {dimensions = array<i32: 0>} : vector<256x2048xi32>
    %add3A_394 = arith.constant 1280 : i32
    %add3A_395 = vector.broadcast %add3A_394 : i32 to vector<256x2048xi32>
    %add3A_396 = arith.addi %iota3A_393, %add3A_395 : vector<256x2048xi32>
    %lt3A_397 = vector.broadcast %sub3A_38 : vector<1x2048xf32> to vector<256x2048xf32>
    %lt3A_398 = vector.broadcast %sub3A_391 : vector<256x1xf32> to vector<256x2048xf32>
    %lt3A_399 = arith.cmpf olt, %lt3A_397, %lt3A_398 : vector<256x2048xf32>
    %eq3A_400 = vector.broadcast %sub3A_38 : vector<1x2048xf32> to vector<256x2048xf32>
    %eq3A_401 = vector.broadcast %sub3A_391 : vector<256x1xf32> to vector<256x2048xf32>
    %eq3A_402 = arith.cmpf oeq, %eq3A_400, %eq3A_401 : vector<256x2048xf32>
    %lt3A_403 = arith.cmpi slt, %iota3A_392, %add3A_396 : vector<256x2048xi32>
    %and3A_404 = arith.andi %eq3A_402, %lt3A_403 : vector<256x2048xi1>
    %or3A_405 = arith.ori %lt3A_399, %and3A_404 : vector<256x2048xi1>
    %and3A_406 = vector.broadcast %and3A_51 : vector<1x2048xi1> to vector<256x2048xi1>
    %and3A_407 = arith.andi %or3A_405, %and3A_406 : vector<256x2048xi1>
    %jit3A_408 = arith.constant 0.000000e+00 : f32
    %broadcast_in_dim3A_409 = vector.shape_cast %sub3A_38 : vector<1x2048xf32> to vector<1x2048xf32>
    %broadcast_in_dim3A_410 = vector.broadcast %broadcast_in_dim3A_409 : vector<1x2048xf32> to vector<256x2048xf32>
    %broadcast_in_dim3A_411 = vector.broadcast %jit3A_408 : f32 to vector<256x2048xf32>
    %select_n3A_412 = arith.select %and3A_407, %broadcast_in_dim3A_410, %broadcast_in_dim3A_411 : vector<256x2048xi1>, vector<256x2048xf32>
    %reduce_sum3A_413 = arith.constant dense<0.000000e+00> : vector<256xf32>
    %reduce_sum3A_414 = vector.multi_reduction <add>, %select_n3A_412, %reduce_sum3A_413 [1] : vector<256x2048xf32> to vector<256xf32>
    %broadcast_in_dim3A_415 = vector.shape_cast %reduce_sum3A_414 : vector<256xf32> to vector<256x1xf32>
    %convert_element_type3A_416 = arith.extui %and3A_407 : vector<256x2048xi1> to vector<256x2048xi32>
    %reduce_sum3A_417 = arith.constant dense<0> : vector<256xi32>
    %reduce_sum3A_418 = vector.multi_reduction <add>, %convert_element_type3A_416, %reduce_sum3A_417 [1] : vector<256x2048xi32> to vector<256xi32>
    %broadcast_in_dim3A_419 = vector.shape_cast %reduce_sum3A_418 : vector<256xi32> to vector<256x1xi32>
    %get3A_420 = arith.constant 1280 : index
    %get3A_421 = arith.constant 0 : index
    %get3A_422 = vector.load %arg2[%get3A_420, %get3A_421] : memref<4096x128xi32, #tpu.memory_space<vmem>>, vector<256x1xi32>
    %eq3A_423 = arith.constant 8191 : i32
    %eq3A_424 = vector.broadcast %eq3A_423 : i32 to vector<256x1xi32>
    %eq3A_425 = arith.cmpi eq, %get3A_422, %eq3A_424 : vector<256x1xi32>
    %get3A_426 = arith.constant 1280 : index
    %get3A_427 = arith.constant 0 : index
    %get3A_428 = vector.load %arg3[%get3A_426, %get3A_427] : memref<4096x128xi32, #tpu.memory_space<vmem>>, vector<256x1xi32>
    %ne3A_429 = arith.constant -100 : i32
    %ne3A_430 = vector.broadcast %ne3A_429 : i32 to vector<256x1xi32>
    %ne3A_431 = arith.cmpi ne, %get3A_428, %ne3A_430 : vector<256x1xi32>
    %and3A_432 = arith.andi %eq3A_425, %ne3A_431 : vector<256x1xi1>
    %add3A_433 = arith.addf %broadcast_in_dim3A_415, %sub3A_391 : vector<256x1xf32>
    %lt3A_434 = arith.constant 1.500000e-01 : f32
    %lt3A_435 = vector.broadcast %lt3A_434 : f32 to vector<256x1xf32>
    %lt3A_436 = arith.cmpf olt, %add3A_433, %lt3A_435 : vector<256x1xf32>
    %eq3A_437 = arith.constant 0 : i32
    %eq3A_438 = vector.broadcast %eq3A_437 : i32 to vector<256x1xi32>
    %eq3A_439 = arith.cmpi eq, %broadcast_in_dim3A_419, %eq3A_438 : vector<256x1xi32>
    %or3A_440 = arith.ori %lt3A_436, %eq3A_439 : vector<256x1xi1>
    %and3A_441 = arith.andi %and3A_432, %or3A_440 : vector<256x1xi1>
    %get3A_442 = arith.constant 1280 : index
    %get3A_443 = arith.constant 0 : index
    %get3A_444 = vector.load %arg3[%get3A_442, %get3A_443] : memref<4096x128xi32, #tpu.memory_space<vmem>>, vector<256x128xi32>
    %get3A_445 = arith.constant 1280 : index
    %get3A_446 = arith.constant 0 : index
    %get3A_447 = vector.load %arg2[%get3A_445, %get3A_446] : memref<4096x128xi32, #tpu.memory_space<vmem>>, vector<256x128xi32>
    %broadcast_in_dim3A_448 = vector.shape_cast %and3A_441 : vector<256x1xi1> to vector<256x1xi1>
    %broadcast_in_dim3A_449 = vector.broadcast %broadcast_in_dim3A_448 : vector<256x1xi1> to vector<256x128xi1>
    %select_n3A_450 = arith.select %broadcast_in_dim3A_449, %get3A_444, %get3A_447 : vector<256x128xi1>, vector<256x128xi32>
    %swap3A_451 = arith.constant 1280 : index
    %swap3A_452 = arith.constant 0 : index
    %swap3A_453 = vector.load %arg7[%swap3A_451, %swap3A_452] : memref<4096x128xi32, #tpu.memory_space<vmem>>, vector<256x128xi32>
    tpu.vector_store %arg7[%swap3A_451, %swap3A_452], %select_n3A_450 {strides = array<i32>} : memref<4096x128xi32, #tpu.memory_space<vmem>>, vector<256x128xi32>,
    %get3A_454 = arith.constant 1536 : index
    %get3A_455 = arith.constant 0 : index
    %get3A_456 = vector.load %arg0[%get3A_454, %get3A_455] : memref<4096x128xf32, #tpu.memory_space<vmem>>, vector<256x1xf32>
    %sub3A_457 = arith.constant 1.000000e+00 : f32
    %sub3A_458 = vector.broadcast %sub3A_457 : f32 to vector<256x1xf32>
    %sub3A_459 = arith.subf %sub3A_458, %get3A_456 : vector<256x1xf32>
    %iota3A_460 = tpu.iota {dimensions = array<i32: 1>} : vector<256x2048xi32>
    %iota3A_461 = tpu.iota {dimensions = array<i32: 0>} : vector<256x2048xi32>
    %add3A_462 = arith.constant 1536 : i32
    %add3A_463 = vector.broadcast %add3A_462 : i32 to vector<256x2048xi32>
    %add3A_464 = arith.addi %iota3A_461, %add3A_463 : vector<256x2048xi32>
    %lt3A_465 = vector.broadcast %sub3A_38 : vector<1x2048xf32> to vector<256x2048xf32>
    %lt3A_466 = vector.broadcast %sub3A_459 : vector<256x1xf32> to vector<256x2048xf32>
    %lt3A_467 = arith.cmpf olt, %lt3A_465, %lt3A_466 : vector<256x2048xf32>
    %eq3A_468 = vector.broadcast %sub3A_38 : vector<1x2048xf32> to vector<256x2048xf32>
    %eq3A_469 = vector.broadcast %sub3A_459 : vector<256x1xf32> to vector<256x2048xf32>
    %eq3A_470 = arith.cmpf oeq, %eq3A_468, %eq3A_469 : vector<256x2048xf32>
    %lt3A_471 = arith.cmpi slt, %iota3A_460, %add3A_464 : vector<256x2048xi32>
    %and3A_472 = arith.andi %eq3A_470, %lt3A_471 : vector<256x2048xi1>
    %or3A_473 = arith.ori %lt3A_467, %and3A_472 : vector<256x2048xi1>
    %and3A_474 = vector.broadcast %and3A_51 : vector<1x2048xi1> to vector<256x2048xi1>
    %and3A_475 = arith.andi %or3A_473, %and3A_474 : vector<256x2048xi1>
    %jit3A_476 = arith.constant 0.000000e+00 : f32
    %broadcast_in_dim3A_477 = vector.shape_cast %sub3A_38 : vector<1x2048xf32> to vector<1x2048xf32>
    %broadcast_in_dim3A_478 = vector.broadcast %broadcast_in_dim3A_477 : vector<1x2048xf32> to vector<256x2048xf32>
    %broadcast_in_dim3A_479 = vector.broadcast %jit3A_476 : f32 to vector<256x2048xf32>
    %select_n3A_480 = arith.select %and3A_475, %broadcast_in_dim3A_478, %broadcast_in_dim3A_479 : vector<256x2048xi1>, vector<256x2048xf32>
    %reduce_sum3A_481 = arith.constant dense<0.000000e+00> : vector<256xf32>
    %reduce_sum3A_482 = vector.multi_reduction <add>, %select_n3A_480, %reduce_sum3A_481 [1] : vector<256x2048xf32> to vector<256xf32>
    %broadcast_in_dim3A_483 = vector.shape_cast %reduce_sum3A_482 : vector<256xf32> to vector<256x1xf32>
    %convert_element_type3A_484 = arith.extui %and3A_475 : vector<256x2048xi1> to vector<256x2048xi32>
    %reduce_sum3A_485 = arith.constant dense<0> : vector<256xi32>
    %reduce_sum3A_486 = vector.multi_reduction <add>, %convert_element_type3A_484, %reduce_sum3A_485 [1] : vector<256x2048xi32> to vector<256xi32>
    %broadcast_in_dim3A_487 = vector.shape_cast %reduce_sum3A_486 : vector<256xi32> to vector<256x1xi32>
    %get3A_488 = arith.constant 1536 : index
    %get3A_489 = arith.constant 0 : index
    %get3A_490 = vector.load %arg2[%get3A_488, %get3A_489] : memref<4096x128xi32, #tpu.memory_space<vmem>>, vector<256x1xi32>
    %eq3A_491 = arith.constant 8191 : i32
    %eq3A_492 = vector.broadcast %eq3A_491 : i32 to vector<256x1xi32>
    %eq3A_493 = arith.cmpi eq, %get3A_490, %eq3A_492 : vector<256x1xi32>
    %get3A_494 = arith.constant 1536 : index
    %get3A_495 = arith.constant 0 : index
    %get3A_496 = vector.load %arg3[%get3A_494, %get3A_495] : memref<4096x128xi32, #tpu.memory_space<vmem>>, vector<256x1xi32>
    %ne3A_497 = arith.constant -100 : i32
    %ne3A_498 = vector.broadcast %ne3A_497 : i32 to vector<256x1xi32>
    %ne3A_499 = arith.cmpi ne, %get3A_496, %ne3A_498 : vector<256x1xi32>
    %and3A_500 = arith.andi %eq3A_493, %ne3A_499 : vector<256x1xi1>
    %add3A_501 = arith.addf %broadcast_in_dim3A_483, %sub3A_459 : vector<256x1xf32>
    %lt3A_502 = arith.constant 1.500000e-01 : f32
    %lt3A_503 = vector.broadcast %lt3A_502 : f32 to vector<256x1xf32>
    %lt3A_504 = arith.cmpf olt, %add3A_501, %lt3A_503 : vector<256x1xf32>
    %eq3A_505 = arith.constant 0 : i32
    %eq3A_506 = vector.broadcast %eq3A_505 : i32 to vector<256x1xi32>
    %eq3A_507 = arith.cmpi eq, %broadcast_in_dim3A_487, %eq3A_506 : vector<256x1xi32>
    %or3A_508 = arith.ori %lt3A_504, %eq3A_507 : vector<256x1xi1>
    %and3A_509 = arith.andi %and3A_500, %or3A_508 : vector<256x1xi1>
    %get3A_510 = arith.constant 1536 : index
    %get3A_511 = arith.constant 0 : index
    %get3A_512 = vector.load %arg3[%get3A_510, %get3A_511] : memref<4096x128xi32, #tpu.memory_space<vmem>>, vector<256x128xi32>
    %get3A_513 = arith.constant 1536 : index
    %get3A_514 = arith.constant 0 : index
    %get3A_515 = vector.load %arg2[%get3A_513, %get3A_514] : memref<4096x128xi32, #tpu.memory_space<vmem>>, vector<256x128xi32>
    %broadcast_in_dim3A_516 = vector.shape_cast %and3A_509 : vector<256x1xi1> to vector<256x1xi1>
    %broadcast_in_dim3A_517 = vector.broadcast %broadcast_in_dim3A_516 : vector<256x1xi1> to vector<256x128xi1>
    %select_n3A_518 = arith.select %broadcast_in_dim3A_517, %get3A_512, %get3A_515 : vector<256x128xi1>, vector<256x128xi32>
    %swap3A_519 = arith.constant 1536 : index
    %swap3A_520 = arith.constant 0 : index
    %swap3A_521 = vector.load %arg7[%swap3A_519, %swap3A_520] : memref<4096x128xi32, #tpu.memory_space<vmem>>, vector<256x128xi32>
    tpu.vector_store %arg7[%swap3A_519, %swap3A_520], %select_n3A_518 {strides = array<i32>} : memref<4096x128xi32, #tpu.memory_space<vmem>>, vector<256x128xi32>,
    %get3A_522 = arith.constant 1792 : index
    %get3A_523 = arith.constant 0 : index
    %get3A_524 = vector.load %arg0[%get3A_522, %get3A_523] : memref<4096x128xf32, #tpu.memory_space<vmem>>, vector<256x1xf32>
    %sub3A_525 = arith.constant 1.000000e+00 : f32
    %sub3A_526 = vector.broadcast %sub3A_525 : f32 to vector<256x1xf32>
    %sub3A_527 = arith.subf %sub3A_526, %get3A_524 : vector<256x1xf32>
    %iota3A_528 = tpu.iota {dimensions = array<i32: 1>} : vector<256x2048xi32>
    %iota3A_529 = tpu.iota {dimensions = array<i32: 0>} : vector<256x2048xi32>
    %add3A_530 = arith.constant 1792 : i32
    %add3A_531 = vector.broadcast %add3A_530 : i32 to vector<256x2048xi32>
    %add3A_532 = arith.addi %iota3A_529, %add3A_531 : vector<256x2048xi32>
    %lt3A_533 = vector.broadcast %sub3A_38 : vector<1x2048xf32> to vector<256x2048xf32>
    %lt3A_534 = vector.broadcast %sub3A_527 : vector<256x1xf32> to vector<256x2048xf32>
    %lt3A_535 = arith.cmpf olt, %lt3A_533, %lt3A_534 : vector<256x2048xf32>
    %eq3A_536 = vector.broadcast %sub3A_38 : vector<1x2048xf32> to vector<256x2048xf32>
    %eq3A_537 = vector.broadcast %sub3A_527 : vector<256x1xf32> to vector<256x2048xf32>
    %eq3A_538 = arith.cmpf oeq, %eq3A_536, %eq3A_537 : vector<256x2048xf32>
    %lt3A_539 = arith.cmpi slt, %iota3A_528, %add3A_532 : vector<256x2048xi32>
    %and3A_540 = arith.andi %eq3A_538, %lt3A_539 : vector<256x2048xi1>
    %or3A_541 = arith.ori %lt3A_535, %and3A_540 : vector<256x2048xi1>
    %and3A_542 = vector.broadcast %and3A_51 : vector<1x2048xi1> to vector<256x2048xi1>
    %and3A_543 = arith.andi %or3A_541, %and3A_542 : vector<256x2048xi1>
    %jit3A_544 = arith.constant 0.000000e+00 : f32
    %broadcast_in_dim3A_545 = vector.shape_cast %sub3A_38 : vector<1x2048xf32> to vector<1x2048xf32>
    %broadcast_in_dim3A_546 = vector.broadcast %broadcast_in_dim3A_545 : vector<1x2048xf32> to vector<256x2048xf32>
    %broadcast_in_dim3A_547 = vector.broadcast %jit3A_544 : f32 to vector<256x2048xf32>
    %select_n3A_548 = arith.select %and3A_543, %broadcast_in_dim3A_546, %broadcast_in_dim3A_547 : vector<256x2048xi1>, vector<256x2048xf32>
    %reduce_sum3A_549 = arith.constant dense<0.000000e+00> : vector<256xf32>
    %reduce_sum3A_550 = vector.multi_reduction <add>, %select_n3A_548, %reduce_sum3A_549 [1] : vector<256x2048xf32> to vector<256xf32>
    %broadcast_in_dim3A_551 = vector.shape_cast %reduce_sum3A_550 : vector<256xf32> to vector<256x1xf32>
    %convert_element_type3A_552 = arith.extui %and3A_543 : vector<256x2048xi1> to vector<256x2048xi32>
    %reduce_sum3A_553 = arith.constant dense<0> : vector<256xi32>
    %reduce_sum3A_554 = vector.multi_reduction <add>, %convert_element_type3A_552, %reduce_sum3A_553 [1] : vector<256x2048xi32> to vector<256xi32>
    %broadcast_in_dim3A_555 = vector.shape_cast %reduce_sum3A_554 : vector<256xi32> to vector<256x1xi32>
    %get3A_556 = arith.constant 1792 : index
    %get3A_557 = arith.constant 0 : index
    %get3A_558 = vector.load %arg2[%get3A_556, %get3A_557] : memref<4096x128xi32, #tpu.memory_space<vmem>>, vector<256x1xi32>
    %eq3A_559 = arith.constant 8191 : i32
    %eq3A_560 = vector.broadcast %eq3A_559 : i32 to vector<256x1xi32>
    %eq3A_561 = arith.cmpi eq, %get3A_558, %eq3A_560 : vector<256x1xi32>
    %get3A_562 = arith.constant 1792 : index
    %get3A_563 = arith.constant 0 : index
    %get3A_564 = vector.load %arg3[%get3A_562, %get3A_563] : memref<4096x128xi32, #tpu.memory_space<vmem>>, vector<256x1xi32>
    %ne3A_565 = arith.constant -100 : i32
    %ne3A_566 = vector.broadcast %ne3A_565 : i32 to vector<256x1xi32>
    %ne3A_567 = arith.cmpi ne, %get3A_564, %ne3A_566 : vector<256x1xi32>
    %and3A_568 = arith.andi %eq3A_561, %ne3A_567 : vector<256x1xi1>
    %add3A_569 = arith.addf %broadcast_in_dim3A_551, %sub3A_527 : vector<256x1xf32>
    %lt3A_570 = arith.constant 1.500000e-01 : f32
    %lt3A_571 = vector.broadcast %lt3A_570 : f32 to vector<256x1xf32>
    %lt3A_572 = arith.cmpf olt, %add3A_569, %lt3A_571 : vector<256x1xf32>
    %eq3A_573 = arith.constant 0 : i32
    %eq3A_574 = vector.broadcast %eq3A_573 : i32 to vector<256x1xi32>
    %eq3A_575 = arith.cmpi eq, %broadcast_in_dim3A_555, %eq3A_574 : vector<256x1xi32>
    %or3A_576 = arith.ori %lt3A_572, %eq3A_575 : vector<256x1xi1>
    %and3A_577 = arith.andi %and3A_568, %or3A_576 : vector<256x1xi1>
    %get3A_578 = arith.constant 1792 : index
    %get3A_579 = arith.constant 0 : index
    %get3A_580 = vector.load %arg3[%get3A_578, %get3A_579] : memref<4096x128xi32, #tpu.memory_space<vmem>>, vector<256x128xi32>
    %get3A_581 = arith.constant 1792 : index
    %get3A_582 = arith.constant 0 : index
    %get3A_583 = vector.load %arg2[%get3A_581, %get3A_582] : memref<4096x128xi32, #tpu.memory_space<vmem>>, vector<256x128xi32>
    %broadcast_in_dim3A_584 = vector.shape_cast %and3A_577 : vector<256x1xi1> to vector<256x1xi1>
    %broadcast_in_dim3A_585 = vector.broadcast %broadcast_in_dim3A_584 : vector<256x1xi1> to vector<256x128xi1>
    %select_n3A_586 = arith.select %broadcast_in_dim3A_585, %get3A_580, %get3A_583 : vector<256x128xi1>, vector<256x128xi32>
    %swap3A_587 = arith.constant 1792 : index
    %swap3A_588 = arith.constant 0 : index
    %swap3A_589 = vector.load %arg7[%swap3A_587, %swap3A_588] : memref<4096x128xi32, #tpu.memory_space<vmem>>, vector<256x128xi32>
    tpu.vector_store %arg7[%swap3A_587, %swap3A_588], %select_n3A_586 {strides = array<i32>} : memref<4096x128xi32, #tpu.memory_space<vmem>>, vector<256x128xi32>,
    %get3A_590 = arith.constant 1 : index
    %get3A_591 = arith.constant 0 : index
    %get3A_592 = vector.load %arg4[%get3A_590, %get3A_591] : memref<2x2048xf32, #tpu.memory_space<vmem>>, vector<1x2048xf32>
    %sub3A_593 = arith.constant 1.000000e+00 : f32
    %sub3A_594 = vector.broadcast %sub3A_593 : f32 to vector<1x2048xf32>
    %sub3A_595 = arith.subf %sub3A_594, %get3A_592 : vector<1x2048xf32>
    %get3A_596 = arith.constant 1 : index
    %get3A_597 = arith.constant 0 : index
    %get3A_598 = vector.load %arg5[%get3A_596, %get3A_597] : memref<2x2048xi32, #tpu.memory_space<vmem>>, vector<1x2048xi32>
    %eq3A_599 = arith.constant 8191 : i32
    %eq3A_600 = vector.broadcast %eq3A_599 : i32 to vector<1x2048xi32>
    %eq3A_601 = arith.cmpi eq, %get3A_598, %eq3A_600 : vector<1x2048xi32>
    %get3A_602 = arith.constant 1 : index
    %get3A_603 = arith.constant 0 : index
    %get3A_604 = vector.load %arg6[%get3A_602, %get3A_603] : memref<2x2048xi32, #tpu.memory_space<vmem>>, vector<1x2048xi32>
    %ne3A_605 = arith.constant -100 : i32
    %ne3A_606 = vector.broadcast %ne3A_605 : i32 to vector<1x2048xi32>
    %ne3A_607 = arith.cmpi ne, %get3A_604, %ne3A_606 : vector<1x2048xi32>
    %and3A_608 = arith.andi %eq3A_601, %ne3A_607 : vector<1x2048xi1>
    %get3A_609 = arith.constant 2048 : index
    %get3A_610 = arith.constant 0 : index
    %get3A_611 = vector.load %arg0[%get3A_609, %get3A_610] : memref<4096x128xf32, #tpu.memory_space<vmem>>, vector<256x1xf32>
    %sub3A_612 = arith.constant 1.000000e+00 : f32
    %sub3A_613 = vector.broadcast %sub3A_612 : f32 to vector<256x1xf32>
    %sub3A_614 = arith.subf %sub3A_613, %get3A_611 : vector<256x1xf32>
    %iota3A_615 = tpu.iota {dimensions = array<i32: 1>} : vector<256x2048xi32>
    %iota3A_616 = tpu.iota {dimensions = array<i32: 0>} : vector<256x2048xi32>
    %add3A_617 = arith.constant 0 : i32
    %add3A_618 = vector.broadcast %add3A_617 : i32 to vector<256x2048xi32>
    %add3A_619 = arith.addi %iota3A_616, %add3A_618 : vector<256x2048xi32>
    %lt3A_620 = vector.broadcast %sub3A_595 : vector<1x2048xf32> to vector<256x2048xf32>
    %lt3A_621 = vector.broadcast %sub3A_614 : vector<256x1xf32> to vector<256x2048xf32>
    %lt3A_622 = arith.cmpf olt, %lt3A_620, %lt3A_621 : vector<256x2048xf32>
    %eq3A_623 = vector.broadcast %sub3A_595 : vector<1x2048xf32> to vector<256x2048xf32>
    %eq3A_624 = vector.broadcast %sub3A_614 : vector<256x1xf32> to vector<256x2048xf32>
    %eq3A_625 = arith.cmpf oeq, %eq3A_623, %eq3A_624 : vector<256x2048xf32>
    %lt3A_626 = arith.cmpi slt, %iota3A_615, %add3A_619 : vector<256x2048xi32>
    %and3A_627 = arith.andi %eq3A_625, %lt3A_626 : vector<256x2048xi1>
    %or3A_628 = arith.ori %lt3A_622, %and3A_627 : vector<256x2048xi1>
    %and3A_629 = vector.broadcast %and3A_608 : vector<1x2048xi1> to vector<256x2048xi1>
    %and3A_630 = arith.andi %or3A_628, %and3A_629 : vector<256x2048xi1>
    %jit3A_631 = arith.constant 0.000000e+00 : f32
    %broadcast_in_dim3A_632 = vector.shape_cast %sub3A_595 : vector<1x2048xf32> to vector<1x2048xf32>
    %broadcast_in_dim3A_633 = vector.broadcast %broadcast_in_dim3A_632 : vector<1x2048xf32> to vector<256x2048xf32>
    %broadcast_in_dim3A_634 = vector.broadcast %jit3A_631 : f32 to vector<256x2048xf32>
    %select_n3A_635 = arith.select %and3A_630, %broadcast_in_dim3A_633, %broadcast_in_dim3A_634 : vector<256x2048xi1>, vector<256x2048xf32>
    %reduce_sum3A_636 = arith.constant dense<0.000000e+00> : vector<256xf32>
    %reduce_sum3A_637 = vector.multi_reduction <add>, %select_n3A_635, %reduce_sum3A_636 [1] : vector<256x2048xf32> to vector<256xf32>
    %broadcast_in_dim3A_638 = vector.shape_cast %reduce_sum3A_637 : vector<256xf32> to vector<256x1xf32>
    %convert_element_type3A_639 = arith.extui %and3A_630 : vector<256x2048xi1> to vector<256x2048xi32>
    %reduce_sum3A_640 = arith.constant dense<0> : vector<256xi32>
    %reduce_sum3A_641 = vector.multi_reduction <add>, %convert_element_type3A_639, %reduce_sum3A_640 [1] : vector<256x2048xi32> to vector<256xi32>
    %broadcast_in_dim3A_642 = vector.shape_cast %reduce_sum3A_641 : vector<256xi32> to vector<256x1xi32>
    %get3A_643 = arith.constant 2048 : index
    %get3A_644 = arith.constant 0 : index
    %get3A_645 = vector.load %arg2[%get3A_643, %get3A_644] : memref<4096x128xi32, #tpu.memory_space<vmem>>, vector<256x1xi32>
    %eq3A_646 = arith.constant 8191 : i32
    %eq3A_647 = vector.broadcast %eq3A_646 : i32 to vector<256x1xi32>
    %eq3A_648 = arith.cmpi eq, %get3A_645, %eq3A_647 : vector<256x1xi32>
    %get3A_649 = arith.constant 2048 : index
    %get3A_650 = arith.constant 0 : index
    %get3A_651 = vector.load %arg3[%get3A_649, %get3A_650] : memref<4096x128xi32, #tpu.memory_space<vmem>>, vector<256x1xi32>
    %ne3A_652 = arith.constant -100 : i32
    %ne3A_653 = vector.broadcast %ne3A_652 : i32 to vector<256x1xi32>
    %ne3A_654 = arith.cmpi ne, %get3A_651, %ne3A_653 : vector<256x1xi32>
    %and3A_655 = arith.andi %eq3A_648, %ne3A_654 : vector<256x1xi1>
    %add3A_656 = arith.addf %broadcast_in_dim3A_638, %sub3A_614 : vector<256x1xf32>
    %lt3A_657 = arith.constant 1.500000e-01 : f32
    %lt3A_658 = vector.broadcast %lt3A_657 : f32 to vector<256x1xf32>
    %lt3A_659 = arith.cmpf olt, %add3A_656, %lt3A_658 : vector<256x1xf32>
    %eq3A_660 = arith.constant 0 : i32
    %eq3A_661 = vector.broadcast %eq3A_660 : i32 to vector<256x1xi32>
    %eq3A_662 = arith.cmpi eq, %broadcast_in_dim3A_642, %eq3A_661 : vector<256x1xi32>
    %or3A_663 = arith.ori %lt3A_659, %eq3A_662 : vector<256x1xi1>
    %and3A_664 = arith.andi %and3A_655, %or3A_663 : vector<256x1xi1>
    %get3A_665 = arith.constant 2048 : index
    %get3A_666 = arith.constant 0 : index
    %get3A_667 = vector.load %arg3[%get3A_665, %get3A_666] : memref<4096x128xi32, #tpu.memory_space<vmem>>, vector<256x128xi32>
    %get3A_668 = arith.constant 2048 : index
    %get3A_669 = arith.constant 0 : index
    %get3A_670 = vector.load %arg2[%get3A_668, %get3A_669] : memref<4096x128xi32, #tpu.memory_space<vmem>>, vector<256x128xi32>
    %broadcast_in_dim3A_671 = vector.shape_cast %and3A_664 : vector<256x1xi1> to vector<256x1xi1>
    %broadcast_in_dim3A_672 = vector.broadcast %broadcast_in_dim3A_671 : vector<256x1xi1> to vector<256x128xi1>
    %select_n3A_673 = arith.select %broadcast_in_dim3A_672, %get3A_667, %get3A_670 : vector<256x128xi1>, vector<256x128xi32>
    %swap3A_674 = arith.constant 2048 : index
    %swap3A_675 = arith.constant 0 : index
    %swap3A_676 = vector.load %arg7[%swap3A_674, %swap3A_675] : memref<4096x128xi32, #tpu.memory_space<vmem>>, vector<256x128xi32>
    tpu.vector_store %arg7[%swap3A_674, %swap3A_675], %select_n3A_673 {strides = array<i32>} : memref<4096x128xi32, #tpu.memory_space<vmem>>, vector<256x128xi32>,
    %get3A_677 = arith.constant 2304 : index
    %get3A_678 = arith.constant 0 : index
    %get3A_679 = vector.load %arg0[%get3A_677, %get3A_678] : memref<4096x128xf32, #tpu.memory_space<vmem>>, vector<256x1xf32>
    %sub3A_680 = arith.constant 1.000000e+00 : f32
    %sub3A_681 = vector.broadcast %sub3A_680 : f32 to vector<256x1xf32>
    %sub3A_682 = arith.subf %sub3A_681, %get3A_679 : vector<256x1xf32>
    %iota3A_683 = tpu.iota {dimensions = array<i32: 1>} : vector<256x2048xi32>
    %iota3A_684 = tpu.iota {dimensions = array<i32: 0>} : vector<256x2048xi32>
    %add3A_685 = arith.constant 256 : i32
    %add3A_686 = vector.broadcast %add3A_685 : i32 to vector<256x2048xi32>
    %add3A_687 = arith.addi %iota3A_684, %add3A_686 : vector<256x2048xi32>
    %lt3A_688 = vector.broadcast %sub3A_595 : vector<1x2048xf32> to vector<256x2048xf32>
    %lt3A_689 = vector.broadcast %sub3A_682 : vector<256x1xf32> to vector<256x2048xf32>
    %lt3A_690 = arith.cmpf olt, %lt3A_688, %lt3A_689 : vector<256x2048xf32>
    %eq3A_691 = vector.broadcast %sub3A_595 : vector<1x2048xf32> to vector<256x2048xf32>
    %eq3A_692 = vector.broadcast %sub3A_682 : vector<256x1xf32> to vector<256x2048xf32>
    %eq3A_693 = arith.cmpf oeq, %eq3A_691, %eq3A_692 : vector<256x2048xf32>
    %lt3A_694 = arith.cmpi slt, %iota3A_683, %add3A_687 : vector<256x2048xi32>
    %and3A_695 = arith.andi %eq3A_693, %lt3A_694 : vector<256x2048xi1>
    %or3A_696 = arith.ori %lt3A_690, %and3A_695 : vector<256x2048xi1>
    %and3A_697 = vector.broadcast %and3A_608 : vector<1x2048xi1> to vector<256x2048xi1>
    %and3A_698 = arith.andi %or3A_696, %and3A_697 : vector<256x2048xi1>
    %jit3A_699 = arith.constant 0.000000e+00 : f32
    %broadcast_in_dim3A_700 = vector.shape_cast %sub3A_595 : vector<1x2048xf32> to vector<1x2048xf32>
    %broadcast_in_dim3A_701 = vector.broadcast %broadcast_in_dim3A_700 : vector<1x2048xf32> to vector<256x2048xf32>
    %broadcast_in_dim3A_702 = vector.broadcast %jit3A_699 : f32 to vector<256x2048xf32>
    %select_n3A_703 = arith.select %and3A_698, %broadcast_in_dim3A_701, %broadcast_in_dim3A_702 : vector<256x2048xi1>, vector<256x2048xf32>
    %reduce_sum3A_704 = arith.constant dense<0.000000e+00> : vector<256xf32>
    %reduce_sum3A_705 = vector.multi_reduction <add>, %select_n3A_703, %reduce_sum3A_704 [1] : vector<256x2048xf32> to vector<256xf32>
    %broadcast_in_dim3A_706 = vector.shape_cast %reduce_sum3A_705 : vector<256xf32> to vector<256x1xf32>
    %convert_element_type3A_707 = arith.extui %and3A_698 : vector<256x2048xi1> to vector<256x2048xi32>
    %reduce_sum3A_708 = arith.constant dense<0> : vector<256xi32>
    %reduce_sum3A_709 = vector.multi_reduction <add>, %convert_element_type3A_707, %reduce_sum3A_708 [1] : vector<256x2048xi32> to vector<256xi32>
    %broadcast_in_dim3A_710 = vector.shape_cast %reduce_sum3A_709 : vector<256xi32> to vector<256x1xi32>
    %get3A_711 = arith.constant 2304 : index
    %get3A_712 = arith.constant 0 : index
    %get3A_713 = vector.load %arg2[%get3A_711, %get3A_712] : memref<4096x128xi32, #tpu.memory_space<vmem>>, vector<256x1xi32>
    %eq3A_714 = arith.constant 8191 : i32
    %eq3A_715 = vector.broadcast %eq3A_714 : i32 to vector<256x1xi32>
    %eq3A_716 = arith.cmpi eq, %get3A_713, %eq3A_715 : vector<256x1xi32>
    %get3A_717 = arith.constant 2304 : index
    %get3A_718 = arith.constant 0 : index
    %get3A_719 = vector.load %arg3[%get3A_717, %get3A_718] : memref<4096x128xi32, #tpu.memory_space<vmem>>, vector<256x1xi32>
    %ne3A_720 = arith.constant -100 : i32
    %ne3A_721 = vector.broadcast %ne3A_720 : i32 to vector<256x1xi32>
    %ne3A_722 = arith.cmpi ne, %get3A_719, %ne3A_721 : vector<256x1xi32>
    %and3A_723 = arith.andi %eq3A_716, %ne3A_722 : vector<256x1xi1>
    %add3A_724 = arith.addf %broadcast_in_dim3A_706, %sub3A_682 : vector<256x1xf32>
    %lt3A_725 = arith.constant 1.500000e-01 : f32
    %lt3A_726 = vector.broadcast %lt3A_725 : f32 to vector<256x1xf32>
    %lt3A_727 = arith.cmpf olt, %add3A_724, %lt3A_726 : vector<256x1xf32>
    %eq3A_728 = arith.constant 0 : i32
    %eq3A_729 = vector.broadcast %eq3A_728 : i32 to vector<256x1xi32>
    %eq3A_730 = arith.cmpi eq, %broadcast_in_dim3A_710, %eq3A_729 : vector<256x1xi32>
    %or3A_731 = arith.ori %lt3A_727, %eq3A_730 : vector<256x1xi1>
    %and3A_732 = arith.andi %and3A_723, %or3A_731 : vector<256x1xi1>
    %get3A_733 = arith.constant 2304 : index
    %get3A_734 = arith.constant 0 : index
    %get3A_735 = vector.load %arg3[%get3A_733, %get3A_734] : memref<4096x128xi32, #tpu.memory_space<vmem>>, vector<256x128xi32>
    %get3A_736 = arith.constant 2304 : index
    %get3A_737 = arith.constant 0 : index
    %get3A_738 = vector.load %arg2[%get3A_736, %get3A_737] : memref<4096x128xi32, #tpu.memory_space<vmem>>, vector<256x128xi32>
    %broadcast_in_dim3A_739 = vector.shape_cast %and3A_732 : vector<256x1xi1> to vector<256x1xi1>
    %broadcast_in_dim3A_740 = vector.broadcast %broadcast_in_dim3A_739 : vector<256x1xi1> to vector<256x128xi1>
    %select_n3A_741 = arith.select %broadcast_in_dim3A_740, %get3A_735, %get3A_738 : vector<256x128xi1>, vector<256x128xi32>
    %swap3A_742 = arith.constant 2304 : index
    %swap3A_743 = arith.constant 0 : index
    %swap3A_744 = vector.load %arg7[%swap3A_742, %swap3A_743] : memref<4096x128xi32, #tpu.memory_space<vmem>>, vector<256x128xi32>
    tpu.vector_store %arg7[%swap3A_742, %swap3A_743], %select_n3A_741 {strides = array<i32>} : memref<4096x128xi32, #tpu.memory_space<vmem>>, vector<256x128xi32>,
    %get3A_745 = arith.constant 2560 : index
    %get3A_746 = arith.constant 0 : index
    %get3A_747 = vector.load %arg0[%get3A_745, %get3A_746] : memref<4096x128xf32, #tpu.memory_space<vmem>>, vector<256x1xf32>
    %sub3A_748 = arith.constant 1.000000e+00 : f32
    %sub3A_749 = vector.broadcast %sub3A_748 : f32 to vector<256x1xf32>
    %sub3A_750 = arith.subf %sub3A_749, %get3A_747 : vector<256x1xf32>
    %iota3A_751 = tpu.iota {dimensions = array<i32: 1>} : vector<256x2048xi32>
    %iota3A_752 = tpu.iota {dimensions = array<i32: 0>} : vector<256x2048xi32>
    %add3A_753 = arith.constant 512 : i32
    %add3A_754 = vector.broadcast %add3A_753 : i32 to vector<256x2048xi32>
    %add3A_755 = arith.addi %iota3A_752, %add3A_754 : vector<256x2048xi32>
    %lt3A_756 = vector.broadcast %sub3A_595 : vector<1x2048xf32> to vector<256x2048xf32>
    %lt3A_757 = vector.broadcast %sub3A_750 : vector<256x1xf32> to vector<256x2048xf32>
    %lt3A_758 = arith.cmpf olt, %lt3A_756, %lt3A_757 : vector<256x2048xf32>
    %eq3A_759 = vector.broadcast %sub3A_595 : vector<1x2048xf32> to vector<256x2048xf32>
    %eq3A_760 = vector.broadcast %sub3A_750 : vector<256x1xf32> to vector<256x2048xf32>
    %eq3A_761 = arith.cmpf oeq, %eq3A_759, %eq3A_760 : vector<256x2048xf32>
    %lt3A_762 = arith.cmpi slt, %iota3A_751, %add3A_755 : vector<256x2048xi32>
    %and3A_763 = arith.andi %eq3A_761, %lt3A_762 : vector<256x2048xi1>
    %or3A_764 = arith.ori %lt3A_758, %and3A_763 : vector<256x2048xi1>
    %and3A_765 = vector.broadcast %and3A_608 : vector<1x2048xi1> to vector<256x2048xi1>
    %and3A_766 = arith.andi %or3A_764, %and3A_765 : vector<256x2048xi1>
    %jit3A_767 = arith.constant 0.000000e+00 : f32
    %broadcast_in_dim3A_768 = vector.shape_cast %sub3A_595 : vector<1x2048xf32> to vector<1x2048xf32>
    %broadcast_in_dim3A_769 = vector.broadcast %broadcast_in_dim3A_768 : vector<1x2048xf32> to vector<256x2048xf32>
    %broadcast_in_dim3A_770 = vector.broadcast %jit3A_767 : f32 to vector<256x2048xf32>
    %select_n3A_771 = arith.select %and3A_766, %broadcast_in_dim3A_769, %broadcast_in_dim3A_770 : vector<256x2048xi1>, vector<256x2048xf32>
    %reduce_sum3A_772 = arith.constant dense<0.000000e+00> : vector<256xf32>
    %reduce_sum3A_773 = vector.multi_reduction <add>, %select_n3A_771, %reduce_sum3A_772 [1] : vector<256x2048xf32> to vector<256xf32>
    %broadcast_in_dim3A_774 = vector.shape_cast %reduce_sum3A_773 : vector<256xf32> to vector<256x1xf32>
    %convert_element_type3A_775 = arith.extui %and3A_766 : vector<256x2048xi1> to vector<256x2048xi32>
    %reduce_sum3A_776 = arith.constant dense<0> : vector<256xi32>
    %reduce_sum3A_777 = vector.multi_reduction <add>, %convert_element_type3A_775, %reduce_sum3A_776 [1] : vector<256x2048xi32> to vector<256xi32>
    %broadcast_in_dim3A_778 = vector.shape_cast %reduce_sum3A_777 : vector<256xi32> to vector<256x1xi32>
    %get3A_779 = arith.constant 2560 : index
    %get3A_780 = arith.constant 0 : index
    %get3A_781 = vector.load %arg2[%get3A_779, %get3A_780] : memref<4096x128xi32, #tpu.memory_space<vmem>>, vector<256x1xi32>
    %eq3A_782 = arith.constant 8191 : i32
    %eq3A_783 = vector.broadcast %eq3A_782 : i32 to vector<256x1xi32>
    %eq3A_784 = arith.cmpi eq, %get3A_781, %eq3A_783 : vector<256x1xi32>
    %get3A_785 = arith.constant 2560 : index
    %get3A_786 = arith.constant 0 : index
    %get3A_787 = vector.load %arg3[%get3A_785, %get3A_786] : memref<4096x128xi32, #tpu.memory_space<vmem>>, vector<256x1xi32>
    %ne3A_788 = arith.constant -100 : i32
    %ne3A_789 = vector.broadcast %ne3A_788 : i32 to vector<256x1xi32>
    %ne3A_790 = arith.cmpi ne, %get3A_787, %ne3A_789 : vector<256x1xi32>
    %and3A_791 = arith.andi %eq3A_784, %ne3A_790 : vector<256x1xi1>
    %add3A_792 = arith.addf %broadcast_in_dim3A_774, %sub3A_750 : vector<256x1xf32>
    %lt3A_793 = arith.constant 1.500000e-01 : f32
    %lt3A_794 = vector.broadcast %lt3A_793 : f32 to vector<256x1xf32>
    %lt3A_795 = arith.cmpf olt, %add3A_792, %lt3A_794 : vector<256x1xf32>
    %eq3A_796 = arith.constant 0 : i32
    %eq3A_797 = vector.broadcast %eq3A_796 : i32 to vector<256x1xi32>
    %eq3A_798 = arith.cmpi eq, %broadcast_in_dim3A_778, %eq3A_797 : vector<256x1xi32>
    %or3A_799 = arith.ori %lt3A_795, %eq3A_798 : vector<256x1xi1>
    %and3A_800 = arith.andi %and3A_791, %or3A_799 : vector<256x1xi1>
    %get3A_801 = arith.constant 2560 : index
    %get3A_802 = arith.constant 0 : index
    %get3A_803 = vector.load %arg3[%get3A_801, %get3A_802] : memref<4096x128xi32, #tpu.memory_space<vmem>>, vector<256x128xi32>
    %get3A_804 = arith.constant 2560 : index
    %get3A_805 = arith.constant 0 : index
    %get3A_806 = vector.load %arg2[%get3A_804, %get3A_805] : memref<4096x128xi32, #tpu.memory_space<vmem>>, vector<256x128xi32>
    %broadcast_in_dim3A_807 = vector.shape_cast %and3A_800 : vector<256x1xi1> to vector<256x1xi1>
    %broadcast_in_dim3A_808 = vector.broadcast %broadcast_in_dim3A_807 : vector<256x1xi1> to vector<256x128xi1>
    %select_n3A_809 = arith.select %broadcast_in_dim3A_808, %get3A_803, %get3A_806 : vector<256x128xi1>, vector<256x128xi32>
    %swap3A_810 = arith.constant 2560 : index
    %swap3A_811 = arith.constant 0 : index
    %swap3A_812 = vector.load %arg7[%swap3A_810, %swap3A_811] : memref<4096x128xi32, #tpu.memory_space<vmem>>, vector<256x128xi32>
    tpu.vector_store %arg7[%swap3A_810, %swap3A_811], %select_n3A_809 {strides = array<i32>} : memref<4096x128xi32, #tpu.memory_space<vmem>>, vector<256x128xi32>,
    %get3A_813 = arith.constant 2816 : index
    %get3A_814 = arith.constant 0 : index
    %get3A_815 = vector.load %arg0[%get3A_813, %get3A_814] : memref<4096x128xf32, #tpu.memory_space<vmem>>, vector<256x1xf32>
    %sub3A_816 = arith.constant 1.000000e+00 : f32
    %sub3A_817 = vector.broadcast %sub3A_816 : f32 to vector<256x1xf32>
    %sub3A_818 = arith.subf %sub3A_817, %get3A_815 : vector<256x1xf32>
    %iota3A_819 = tpu.iota {dimensions = array<i32: 1>} : vector<256x2048xi32>
    %iota3A_820 = tpu.iota {dimensions = array<i32: 0>} : vector<256x2048xi32>
    %add3A_821 = arith.constant 768 : i32
    %add3A_822 = vector.broadcast %add3A_821 : i32 to vector<256x2048xi32>
    %add3A_823 = arith.addi %iota3A_820, %add3A_822 : vector<256x2048xi32>
    %lt3A_824 = vector.broadcast %sub3A_595 : vector<1x2048xf32> to vector<256x2048xf32>
    %lt3A_825 = vector.broadcast %sub3A_818 : vector<256x1xf32> to vector<256x2048xf32>
    %lt3A_826 = arith.cmpf olt, %lt3A_824, %lt3A_825 : vector<256x2048xf32>
    %eq3A_827 = vector.broadcast %sub3A_595 : vector<1x2048xf32> to vector<256x2048xf32>
    %eq3A_828 = vector.broadcast %sub3A_818 : vector<256x1xf32> to vector<256x2048xf32>
    %eq3A_829 = arith.cmpf oeq, %eq3A_827, %eq3A_828 : vector<256x2048xf32>
    %lt3A_830 = arith.cmpi slt, %iota3A_819, %add3A_823 : vector<256x2048xi32>
    %and3A_831 = arith.andi %eq3A_829, %lt3A_830 : vector<256x2048xi1>
    %or3A_832 = arith.ori %lt3A_826, %and3A_831 : vector<256x2048xi1>
    %and3A_833 = vector.broadcast %and3A_608 : vector<1x2048xi1> to vector<256x2048xi1>
    %and3A_834 = arith.andi %or3A_832, %and3A_833 : vector<256x2048xi1>
    %jit3A_835 = arith.constant 0.000000e+00 : f32
    %broadcast_in_dim3A_836 = vector.shape_cast %sub3A_595 : vector<1x2048xf32> to vector<1x2048xf32>
    %broadcast_in_dim3A_837 = vector.broadcast %broadcast_in_dim3A_836 : vector<1x2048xf32> to vector<256x2048xf32>
    %broadcast_in_dim3A_838 = vector.broadcast %jit3A_835 : f32 to vector<256x2048xf32>
    %select_n3A_839 = arith.select %and3A_834, %broadcast_in_dim3A_837, %broadcast_in_dim3A_838 : vector<256x2048xi1>, vector<256x2048xf32>
    %reduce_sum3A_840 = arith.constant dense<0.000000e+00> : vector<256xf32>
    %reduce_sum3A_841 = vector.multi_reduction <add>, %select_n3A_839, %reduce_sum3A_840 [1] : vector<256x2048xf32> to vector<256xf32>
    %broadcast_in_dim3A_842 = vector.shape_cast %reduce_sum3A_841 : vector<256xf32> to vector<256x1xf32>
    %convert_element_type3A_843 = arith.extui %and3A_834 : vector<256x2048xi1> to vector<256x2048xi32>
    %reduce_sum3A_844 = arith.constant dense<0> : vector<256xi32>
    %reduce_sum3A_845 = vector.multi_reduction <add>, %convert_element_type3A_843, %reduce_sum3A_844 [1] : vector<256x2048xi32> to vector<256xi32>
    %broadcast_in_dim3A_846 = vector.shape_cast %reduce_sum3A_845 : vector<256xi32> to vector<256x1xi32>
    %get3A_847 = arith.constant 2816 : index
    %get3A_848 = arith.constant 0 : index
    %get3A_849 = vector.load %arg2[%get3A_847, %get3A_848] : memref<4096x128xi32, #tpu.memory_space<vmem>>, vector<256x1xi32>
    %eq3A_850 = arith.constant 8191 : i32
    %eq3A_851 = vector.broadcast %eq3A_850 : i32 to vector<256x1xi32>
    %eq3A_852 = arith.cmpi eq, %get3A_849, %eq3A_851 : vector<256x1xi32>
    %get3A_853 = arith.constant 2816 : index
    %get3A_854 = arith.constant 0 : index
    %get3A_855 = vector.load %arg3[%get3A_853, %get3A_854] : memref<4096x128xi32, #tpu.memory_space<vmem>>, vector<256x1xi32>
    %ne3A_856 = arith.constant -100 : i32
    %ne3A_857 = vector.broadcast %ne3A_856 : i32 to vector<256x1xi32>
    %ne3A_858 = arith.cmpi ne, %get3A_855, %ne3A_857 : vector<256x1xi32>
    %and3A_859 = arith.andi %eq3A_852, %ne3A_858 : vector<256x1xi1>
    %add3A_860 = arith.addf %broadcast_in_dim3A_842, %sub3A_818 : vector<256x1xf32>
    %lt3A_861 = arith.constant 1.500000e-01 : f32
    %lt3A_862 = vector.broadcast %lt3A_861 : f32 to vector<256x1xf32>
    %lt3A_863 = arith.cmpf olt, %add3A_860, %lt3A_862 : vector<256x1xf32>
    %eq3A_864 = arith.constant 0 : i32
    %eq3A_865 = vector.broadcast %eq3A_864 : i32 to vector<256x1xi32>
    %eq3A_866 = arith.cmpi eq, %broadcast_in_dim3A_846, %eq3A_865 : vector<256x1xi32>
    %or3A_867 = arith.ori %lt3A_863, %eq3A_866 : vector<256x1xi1>
    %and3A_868 = arith.andi %and3A_859, %or3A_867 : vector<256x1xi1>
    %get3A_869 = arith.constant 2816 : index
    %get3A_870 = arith.constant 0 : index
    %get3A_871 = vector.load %arg3[%get3A_869, %get3A_870] : memref<4096x128xi32, #tpu.memory_space<vmem>>, vector<256x128xi32>
    %get3A_872 = arith.constant 2816 : index
    %get3A_873 = arith.constant 0 : index
    %get3A_874 = vector.load %arg2[%get3A_872, %get3A_873] : memref<4096x128xi32, #tpu.memory_space<vmem>>, vector<256x128xi32>
    %broadcast_in_dim3A_875 = vector.shape_cast %and3A_868 : vector<256x1xi1> to vector<256x1xi1>
    %broadcast_in_dim3A_876 = vector.broadcast %broadcast_in_dim3A_875 : vector<256x1xi1> to vector<256x128xi1>
    %select_n3A_877 = arith.select %broadcast_in_dim3A_876, %get3A_871, %get3A_874 : vector<256x128xi1>, vector<256x128xi32>
    %swap3A_878 = arith.constant 2816 : index
    %swap3A_879 = arith.constant 0 : index
    %swap3A_880 = vector.load %arg7[%swap3A_878, %swap3A_879] : memref<4096x128xi32, #tpu.memory_space<vmem>>, vector<256x128xi32>
    tpu.vector_store %arg7[%swap3A_878, %swap3A_879], %select_n3A_877 {strides = array<i32>} : memref<4096x128xi32, #tpu.memory_space<vmem>>, vector<256x128xi32>,
    %get3A_881 = arith.constant 3072 : index
    %get3A_882 = arith.constant 0 : index
    %get3A_883 = vector.load %arg0[%get3A_881, %get3A_882] : memref<4096x128xf32, #tpu.memory_space<vmem>>, vector<256x1xf32>
    %sub3A_884 = arith.constant 1.000000e+00 : f32
    %sub3A_885 = vector.broadcast %sub3A_884 : f32 to vector<256x1xf32>
    %sub3A_886 = arith.subf %sub3A_885, %get3A_883 : vector<256x1xf32>
    %iota3A_887 = tpu.iota {dimensions = array<i32: 1>} : vector<256x2048xi32>
    %iota3A_888 = tpu.iota {dimensions = array<i32: 0>} : vector<256x2048xi32>
    %add3A_889 = arith.constant 1024 : i32
    %add3A_890 = vector.broadcast %add3A_889 : i32 to vector<256x2048xi32>
    %add3A_891 = arith.addi %iota3A_888, %add3A_890 : vector<256x2048xi32>
    %lt3A_892 = vector.broadcast %sub3A_595 : vector<1x2048xf32> to vector<256x2048xf32>
    %lt3A_893 = vector.broadcast %sub3A_886 : vector<256x1xf32> to vector<256x2048xf32>
    %lt3A_894 = arith.cmpf olt, %lt3A_892, %lt3A_893 : vector<256x2048xf32>
    %eq3A_895 = vector.broadcast %sub3A_595 : vector<1x2048xf32> to vector<256x2048xf32>
    %eq3A_896 = vector.broadcast %sub3A_886 : vector<256x1xf32> to vector<256x2048xf32>
    %eq3A_897 = arith.cmpf oeq, %eq3A_895, %eq3A_896 : vector<256x2048xf32>
    %lt3A_898 = arith.cmpi slt, %iota3A_887, %add3A_891 : vector<256x2048xi32>
    %and3A_899 = arith.andi %eq3A_897, %lt3A_898 : vector<256x2048xi1>
    %or3A_900 = arith.ori %lt3A_894, %and3A_899 : vector<256x2048xi1>
    %and3A_901 = vector.broadcast %and3A_608 : vector<1x2048xi1> to vector<256x2048xi1>
    %and3A_902 = arith.andi %or3A_900, %and3A_901 : vector<256x2048xi1>
    %jit3A_903 = arith.constant 0.000000e+00 : f32
    %broadcast_in_dim3A_904 = vector.shape_cast %sub3A_595 : vector<1x2048xf32> to vector<1x2048xf32>
    %broadcast_in_dim3A_905 = vector.broadcast %broadcast_in_dim3A_904 : vector<1x2048xf32> to vector<256x2048xf32>
    %broadcast_in_dim3A_906 = vector.broadcast %jit3A_903 : f32 to vector<256x2048xf32>
    %select_n3A_907 = arith.select %and3A_902, %broadcast_in_dim3A_905, %broadcast_in_dim3A_906 : vector<256x2048xi1>, vector<256x2048xf32>
    %reduce_sum3A_908 = arith.constant dense<0.000000e+00> : vector<256xf32>
    %reduce_sum3A_909 = vector.multi_reduction <add>, %select_n3A_907, %reduce_sum3A_908 [1] : vector<256x2048xf32> to vector<256xf32>
    %broadcast_in_dim3A_910 = vector.shape_cast %reduce_sum3A_909 : vector<256xf32> to vector<256x1xf32>
    %convert_element_type3A_911 = arith.extui %and3A_902 : vector<256x2048xi1> to vector<256x2048xi32>
    %reduce_sum3A_912 = arith.constant dense<0> : vector<256xi32>
    %reduce_sum3A_913 = vector.multi_reduction <add>, %convert_element_type3A_911, %reduce_sum3A_912 [1] : vector<256x2048xi32> to vector<256xi32>
    %broadcast_in_dim3A_914 = vector.shape_cast %reduce_sum3A_913 : vector<256xi32> to vector<256x1xi32>
    %get3A_915 = arith.constant 3072 : index
    %get3A_916 = arith.constant 0 : index
    %get3A_917 = vector.load %arg2[%get3A_915, %get3A_916] : memref<4096x128xi32, #tpu.memory_space<vmem>>, vector<256x1xi32>
    %eq3A_918 = arith.constant 8191 : i32
    %eq3A_919 = vector.broadcast %eq3A_918 : i32 to vector<256x1xi32>
    %eq3A_920 = arith.cmpi eq, %get3A_917, %eq3A_919 : vector<256x1xi32>
    %get3A_921 = arith.constant 3072 : index
    %get3A_922 = arith.constant 0 : index
    %get3A_923 = vector.load %arg3[%get3A_921, %get3A_922] : memref<4096x128xi32, #tpu.memory_space<vmem>>, vector<256x1xi32>
    %ne3A_924 = arith.constant -100 : i32
    %ne3A_925 = vector.broadcast %ne3A_924 : i32 to vector<256x1xi32>
    %ne3A_926 = arith.cmpi ne, %get3A_923, %ne3A_925 : vector<256x1xi32>
    %and3A_927 = arith.andi %eq3A_920, %ne3A_926 : vector<256x1xi1>
    %add3A_928 = arith.addf %broadcast_in_dim3A_910, %sub3A_886 : vector<256x1xf32>
    %lt3A_929 = arith.constant 1.500000e-01 : f32
    %lt3A_930 = vector.broadcast %lt3A_929 : f32 to vector<256x1xf32>
    %lt3A_931 = arith.cmpf olt, %add3A_928, %lt3A_930 : vector<256x1xf32>
    %eq3A_932 = arith.constant 0 : i32
    %eq3A_933 = vector.broadcast %eq3A_932 : i32 to vector<256x1xi32>
    %eq3A_934 = arith.cmpi eq, %broadcast_in_dim3A_914, %eq3A_933 : vector<256x1xi32>
    %or3A_935 = arith.ori %lt3A_931, %eq3A_934 : vector<256x1xi1>
    %and3A_936 = arith.andi %and3A_927, %or3A_935 : vector<256x1xi1>
    %get3A_937 = arith.constant 3072 : index
    %get3A_938 = arith.constant 0 : index
    %get3A_939 = vector.load %arg3[%get3A_937, %get3A_938] : memref<4096x128xi32, #tpu.memory_space<vmem>>, vector<256x128xi32>
    %get3A_940 = arith.constant 3072 : index
    %get3A_941 = arith.constant 0 : index
    %get3A_942 = vector.load %arg2[%get3A_940, %get3A_941] : memref<4096x128xi32, #tpu.memory_space<vmem>>, vector<256x128xi32>
    %broadcast_in_dim3A_943 = vector.shape_cast %and3A_936 : vector<256x1xi1> to vector<256x1xi1>
    %broadcast_in_dim3A_944 = vector.broadcast %broadcast_in_dim3A_943 : vector<256x1xi1> to vector<256x128xi1>
    %select_n3A_945 = arith.select %broadcast_in_dim3A_944, %get3A_939, %get3A_942 : vector<256x128xi1>, vector<256x128xi32>
    %swap3A_946 = arith.constant 3072 : index
    %swap3A_947 = arith.constant 0 : index
    %swap3A_948 = vector.load %arg7[%swap3A_946, %swap3A_947] : memref<4096x128xi32, #tpu.memory_space<vmem>>, vector<256x128xi32>
    tpu.vector_store %arg7[%swap3A_946, %swap3A_947], %select_n3A_945 {strides = array<i32>} : memref<4096x128xi32, #tpu.memory_space<vmem>>, vector<256x128xi32>,
    %get3A_949 = arith.constant 3328 : index
    %get3A_950 = arith.constant 0 : index
    %get3A_951 = vector.load %arg0[%get3A_949, %get3A_950] : memref<4096x128xf32, #tpu.memory_space<vmem>>, vector<256x1xf32>
    %sub3A_952 = arith.constant 1.000000e+00 : f32
    %sub3A_953 = vector.broadcast %sub3A_952 : f32 to vector<256x1xf32>
    %sub3A_954 = arith.subf %sub3A_953, %get3A_951 : vector<256x1xf32>
    %iota3A_955 = tpu.iota {dimensions = array<i32: 1>} : vector<256x2048xi32>
    %iota3A_956 = tpu.iota {dimensions = array<i32: 0>} : vector<256x2048xi32>
    %add3A_957 = arith.constant 1280 : i32
    %add3A_958 = vector.broadcast %add3A_957 : i32 to vector<256x2048xi32>
    %add3A_959 = arith.addi %iota3A_956, %add3A_958 : vector<256x2048xi32>
    %lt3A_960 = vector.broadcast %sub3A_595 : vector<1x2048xf32> to vector<256x2048xf32>
    %lt3A_961 = vector.broadcast %sub3A_954 : vector<256x1xf32> to vector<256x2048xf32>
    %lt3A_962 = arith.cmpf olt, %lt3A_960, %lt3A_961 : vector<256x2048xf32>
    %eq3A_963 = vector.broadcast %sub3A_595 : vector<1x2048xf32> to vector<256x2048xf32>
    %eq3A_964 = vector.broadcast %sub3A_954 : vector<256x1xf32> to vector<256x2048xf32>
    %eq3A_965 = arith.cmpf oeq, %eq3A_963, %eq3A_964 : vector<256x2048xf32>
    %lt3A_966 = arith.cmpi slt, %iota3A_955, %add3A_959 : vector<256x2048xi32>
    %and3A_967 = arith.andi %eq3A_965, %lt3A_966 : vector<256x2048xi1>
    %or3A_968 = arith.ori %lt3A_962, %and3A_967 : vector<256x2048xi1>
    %and3A_969 = vector.broadcast %and3A_608 : vector<1x2048xi1> to vector<256x2048xi1>
    %and3A_970 = arith.andi %or3A_968, %and3A_969 : vector<256x2048xi1>
    %jit3A_971 = arith.constant 0.000000e+00 : f32
    %broadcast_in_dim3A_972 = vector.shape_cast %sub3A_595 : vector<1x2048xf32> to vector<1x2048xf32>
    %broadcast_in_dim3A_973 = vector.broadcast %broadcast_in_dim3A_972 : vector<1x2048xf32> to vector<256x2048xf32>
    %broadcast_in_dim3A_974 = vector.broadcast %jit3A_971 : f32 to vector<256x2048xf32>
    %select_n3A_975 = arith.select %and3A_970, %broadcast_in_dim3A_973, %broadcast_in_dim3A_974 : vector<256x2048xi1>, vector<256x2048xf32>
    %reduce_sum3A_976 = arith.constant dense<0.000000e+00> : vector<256xf32>
    %reduce_sum3A_977 = vector.multi_reduction <add>, %select_n3A_975, %reduce_sum3A_976 [1] : vector<256x2048xf32> to vector<256xf32>
    %broadcast_in_dim3A_978 = vector.shape_cast %reduce_sum3A_977 : vector<256xf32> to vector<256x1xf32>
    %convert_element_type3A_979 = arith.extui %and3A_970 : vector<256x2048xi1> to vector<256x2048xi32>
    %reduce_sum3A_980 = arith.constant dense<0> : vector<256xi32>
    %reduce_sum3A_981 = vector.multi_reduction <add>, %convert_element_type3A_979, %reduce_sum3A_980 [1] : vector<256x2048xi32> to vector<256xi32>
    %broadcast_in_dim3A_982 = vector.shape_cast %reduce_sum3A_981 : vector<256xi32> to vector<256x1xi32>
    %get3A_983 = arith.constant 3328 : index
    %get3A_984 = arith.constant 0 : index
    %get3A_985 = vector.load %arg2[%get3A_983, %get3A_984] : memref<4096x128xi32, #tpu.memory_space<vmem>>, vector<256x1xi32>
    %eq3A_986 = arith.constant 8191 : i32
    %eq3A_987 = vector.broadcast %eq3A_986 : i32 to vector<256x1xi32>
    %eq3A_988 = arith.cmpi eq, %get3A_985, %eq3A_987 : vector<256x1xi32>
    %get3A_989 = arith.constant 3328 : index
    %get3A_990 = arith.constant 0 : index
    %get3A_991 = vector.load %arg3[%get3A_989, %get3A_990] : memref<4096x128xi32, #tpu.memory_space<vmem>>, vector<256x1xi32>
    %ne3A_992 = arith.constant -100 : i32
    %ne3A_993 = vector.broadcast %ne3A_992 : i32 to vector<256x1xi32>
    %ne3A_994 = arith.cmpi ne, %get3A_991, %ne3A_993 : vector<256x1xi32>
    %and3A_995 = arith.andi %eq3A_988, %ne3A_994 : vector<256x1xi1>
    %add3A_996 = arith.addf %broadcast_in_dim3A_978, %sub3A_954 : vector<256x1xf32>
    %lt3A_997 = arith.constant 1.500000e-01 : f32
    %lt3A_998 = vector.broadcast %lt3A_997 : f32 to vector<256x1xf32>
    %lt3A_999 = arith.cmpf olt, %add3A_996, %lt3A_998 : vector<256x1xf32>
    %eq3A_1000 = arith.constant 0 : i32
    %eq3A_1001 = vector.broadcast %eq3A_1000 : i32 to vector<256x1xi32>
    %eq3A_1002 = arith.cmpi eq, %broadcast_in_dim3A_982, %eq3A_1001 : vector<256x1xi32>
    %or3A_1003 = arith.ori %lt3A_999, %eq3A_1002 : vector<256x1xi1>
    %and3A_1004 = arith.andi %and3A_995, %or3A_1003 : vector<256x1xi1>
    %get3A_1005 = arith.constant 3328 : index
    %get3A_1006 = arith.constant 0 : index
    %get3A_1007 = vector.load %arg3[%get3A_1005, %get3A_1006] : memref<4096x128xi32, #tpu.memory_space<vmem>>, vector<256x128xi32>
    %get3A_1008 = arith.constant 3328 : index
    %get3A_1009 = arith.constant 0 : index
    %get3A_1010 = vector.load %arg2[%get3A_1008, %get3A_1009] : memref<4096x128xi32, #tpu.memory_space<vmem>>, vector<256x128xi32>
    %broadcast_in_dim3A_1011 = vector.shape_cast %and3A_1004 : vector<256x1xi1> to vector<256x1xi1>
    %broadcast_in_dim3A_1012 = vector.broadcast %broadcast_in_dim3A_1011 : vector<256x1xi1> to vector<256x128xi1>
    %select_n3A_1013 = arith.select %broadcast_in_dim3A_1012, %get3A_1007, %get3A_1010 : vector<256x128xi1>, vector<256x128xi32>
    %swap3A_1014 = arith.constant 3328 : index
    %swap3A_1015 = arith.constant 0 : index
    %swap3A_1016 = vector.load %arg7[%swap3A_1014, %swap3A_1015] : memref<4096x128xi32, #tpu.memory_space<vmem>>, vector<256x128xi32>
    tpu.vector_store %arg7[%swap3A_1014, %swap3A_1015], %select_n3A_1013 {strides = array<i32>} : memref<4096x128xi32, #tpu.memory_space<vmem>>, vector<256x128xi32>,
    %get3A_1017 = arith.constant 3584 : index
    %get3A_1018 = arith.constant 0 : index
    %get3A_1019 = vector.load %arg0[%get3A_1017, %get3A_1018] : memref<4096x128xf32, #tpu.memory_space<vmem>>, vector<256x1xf32>
    %sub3A_1020 = arith.constant 1.000000e+00 : f32
    %sub3A_1021 = vector.broadcast %sub3A_1020 : f32 to vector<256x1xf32>
    %sub3A_1022 = arith.subf %sub3A_1021, %get3A_1019 : vector<256x1xf32>
    %iota3A_1023 = tpu.iota {dimensions = array<i32: 1>} : vector<256x2048xi32>
    %iota3A_1024 = tpu.iota {dimensions = array<i32: 0>} : vector<256x2048xi32>
    %add3A_1025 = arith.constant 1536 : i32
    %add3A_1026 = vector.broadcast %add3A_1025 : i32 to vector<256x2048xi32>
    %add3A_1027 = arith.addi %iota3A_1024, %add3A_1026 : vector<256x2048xi32>
    %lt3A_1028 = vector.broadcast %sub3A_595 : vector<1x2048xf32> to vector<256x2048xf32>
    %lt3A_1029 = vector.broadcast %sub3A_1022 : vector<256x1xf32> to vector<256x2048xf32>
    %lt3A_1030 = arith.cmpf olt, %lt3A_1028, %lt3A_1029 : vector<256x2048xf32>
    %eq3A_1031 = vector.broadcast %sub3A_595 : vector<1x2048xf32> to vector<256x2048xf32>
    %eq3A_1032 = vector.broadcast %sub3A_1022 : vector<256x1xf32> to vector<256x2048xf32>
    %eq3A_1033 = arith.cmpf oeq, %eq3A_1031, %eq3A_1032 : vector<256x2048xf32>
    %lt3A_1034 = arith.cmpi slt, %iota3A_1023, %add3A_1027 : vector<256x2048xi32>
    %and3A_1035 = arith.andi %eq3A_1033, %lt3A_1034 : vector<256x2048xi1>
    %or3A_1036 = arith.ori %lt3A_1030, %and3A_1035 : vector<256x2048xi1>
    %and3A_1037 = vector.broadcast %and3A_608 : vector<1x2048xi1> to vector<256x2048xi1>
    %and3A_1038 = arith.andi %or3A_1036, %and3A_1037 : vector<256x2048xi1>
    %jit3A_1039 = arith.constant 0.000000e+00 : f32
    %broadcast_in_dim3A_1040 = vector.shape_cast %sub3A_595 : vector<1x2048xf32> to vector<1x2048xf32>
    %broadcast_in_dim3A_1041 = vector.broadcast %broadcast_in_dim3A_1040 : vector<1x2048xf32> to vector<256x2048xf32>
    %broadcast_in_dim3A_1042 = vector.broadcast %jit3A_1039 : f32 to vector<256x2048xf32>
    %select_n3A_1043 = arith.select %and3A_1038, %broadcast_in_dim3A_1041, %broadcast_in_dim3A_1042 : vector<256x2048xi1>, vector<256x2048xf32>
    %reduce_sum3A_1044 = arith.constant dense<0.000000e+00> : vector<256xf32>
    %reduce_sum3A_1045 = vector.multi_reduction <add>, %select_n3A_1043, %reduce_sum3A_1044 [1] : vector<256x2048xf32> to vector<256xf32>
    %broadcast_in_dim3A_1046 = vector.shape_cast %reduce_sum3A_1045 : vector<256xf32> to vector<256x1xf32>
    %convert_element_type3A_1047 = arith.extui %and3A_1038 : vector<256x2048xi1> to vector<256x2048xi32>
    %reduce_sum3A_1048 = arith.constant dense<0> : vector<256xi32>
    %reduce_sum3A_1049 = vector.multi_reduction <add>, %convert_element_type3A_1047, %reduce_sum3A_1048 [1] : vector<256x2048xi32> to vector<256xi32>
    %broadcast_in_dim3A_1050 = vector.shape_cast %reduce_sum3A_1049 : vector<256xi32> to vector<256x1xi32>
    %get3A_1051 = arith.constant 3584 : index
    %get3A_1052 = arith.constant 0 : index
    %get3A_1053 = vector.load %arg2[%get3A_1051, %get3A_1052] : memref<4096x128xi32, #tpu.memory_space<vmem>>, vector<256x1xi32>
    %eq3A_1054 = arith.constant 8191 : i32
    %eq3A_1055 = vector.broadcast %eq3A_1054 : i32 to vector<256x1xi32>
    %eq3A_1056 = arith.cmpi eq, %get3A_1053, %eq3A_1055 : vector<256x1xi32>
    %get3A_1057 = arith.constant 3584 : index
    %get3A_1058 = arith.constant 0 : index
    %get3A_1059 = vector.load %arg3[%get3A_1057, %get3A_1058] : memref<4096x128xi32, #tpu.memory_space<vmem>>, vector<256x1xi32>
    %ne3A_1060 = arith.constant -100 : i32
    %ne3A_1061 = vector.broadcast %ne3A_1060 : i32 to vector<256x1xi32>
    %ne3A_1062 = arith.cmpi ne, %get3A_1059, %ne3A_1061 : vector<256x1xi32>
    %and3A_1063 = arith.andi %eq3A_1056, %ne3A_1062 : vector<256x1xi1>
    %add3A_1064 = arith.addf %broadcast_in_dim3A_1046, %sub3A_1022 : vector<256x1xf32>
    %lt3A_1065 = arith.constant 1.500000e-01 : f32
    %lt3A_1066 = vector.broadcast %lt3A_1065 : f32 to vector<256x1xf32>
    %lt3A_1067 = arith.cmpf olt, %add3A_1064, %lt3A_1066 : vector<256x1xf32>
    %eq3A_1068 = arith.constant 0 : i32
    %eq3A_1069 = vector.broadcast %eq3A_1068 : i32 to vector<256x1xi32>
    %eq3A_1070 = arith.cmpi eq, %broadcast_in_dim3A_1050, %eq3A_1069 : vector<256x1xi32>
    %or3A_1071 = arith.ori %lt3A_1067, %eq3A_1070 : vector<256x1xi1>
    %and3A_1072 = arith.andi %and3A_1063, %or3A_1071 : vector<256x1xi1>
    %get3A_1073 = arith.constant 3584 : index
    %get3A_1074 = arith.constant 0 : index
    %get3A_1075 = vector.load %arg3[%get3A_1073, %get3A_1074] : memref<4096x128xi32, #tpu.memory_space<vmem>>, vector<256x128xi32>
    %get3A_1076 = arith.constant 3584 : index
    %get3A_1077 = arith.constant 0 : index
    %get3A_1078 = vector.load %arg2[%get3A_1076, %get3A_1077] : memref<4096x128xi32, #tpu.memory_space<vmem>>, vector<256x128xi32>
    %broadcast_in_dim3A_1079 = vector.shape_cast %and3A_1072 : vector<256x1xi1> to vector<256x1xi1>
    %broadcast_in_dim3A_1080 = vector.broadcast %broadcast_in_dim3A_1079 : vector<256x1xi1> to vector<256x128xi1>
    %select_n3A_1081 = arith.select %broadcast_in_dim3A_1080, %get3A_1075, %get3A_1078 : vector<256x128xi1>, vector<256x128xi32>
    %swap3A_1082 = arith.constant 3584 : index
    %swap3A_1083 = arith.constant 0 : index
    %swap3A_1084 = vector.load %arg7[%swap3A_1082, %swap3A_1083] : memref<4096x128xi32, #tpu.memory_space<vmem>>, vector<256x128xi32>
    tpu.vector_store %arg7[%swap3A_1082, %swap3A_1083], %select_n3A_1081 {strides = array<i32>} : memref<4096x128xi32, #tpu.memory_space<vmem>>, vector<256x128xi32>,
    %get3A_1085 = arith.constant 3840 : index
    %get3A_1086 = arith.constant 0 : index
    %get3A_1087 = vector.load %arg0[%get3A_1085, %get3A_1086] : memref<4096x128xf32, #tpu.memory_space<vmem>>, vector<256x1xf32>
    %sub3A_1088 = arith.constant 1.000000e+00 : f32
    %sub3A_1089 = vector.broadcast %sub3A_1088 : f32 to vector<256x1xf32>
    %sub3A_1090 = arith.subf %sub3A_1089, %get3A_1087 : vector<256x1xf32>
    %iota3A_1091 = tpu.iota {dimensions = array<i32: 1>} : vector<256x2048xi32>
    %iota3A_1092 = tpu.iota {dimensions = array<i32: 0>} : vector<256x2048xi32>
    %add3A_1093 = arith.constant 1792 : i32
    %add3A_1094 = vector.broadcast %add3A_1093 : i32 to vector<256x2048xi32>
    %add3A_1095 = arith.addi %iota3A_1092, %add3A_1094 : vector<256x2048xi32>
    %lt3A_1096 = vector.broadcast %sub3A_595 : vector<1x2048xf32> to vector<256x2048xf32>
    %lt3A_1097 = vector.broadcast %sub3A_1090 : vector<256x1xf32> to vector<256x2048xf32>
    %lt3A_1098 = arith.cmpf olt, %lt3A_1096, %lt3A_1097 : vector<256x2048xf32>
    %eq3A_1099 = vector.broadcast %sub3A_595 : vector<1x2048xf32> to vector<256x2048xf32>
    %eq3A_1100 = vector.broadcast %sub3A_1090 : vector<256x1xf32> to vector<256x2048xf32>
    %eq3A_1101 = arith.cmpf oeq, %eq3A_1099, %eq3A_1100 : vector<256x2048xf32>
    %lt3A_1102 = arith.cmpi slt, %iota3A_1091, %add3A_1095 : vector<256x2048xi32>
    %and3A_1103 = arith.andi %eq3A_1101, %lt3A_1102 : vector<256x2048xi1>
    %or3A_1104 = arith.ori %lt3A_1098, %and3A_1103 : vector<256x2048xi1>
    %and3A_1105 = vector.broadcast %and3A_608 : vector<1x2048xi1> to vector<256x2048xi1>
    %and3A_1106 = arith.andi %or3A_1104, %and3A_1105 : vector<256x2048xi1>
    %jit3A_1107 = arith.constant 0.000000e+00 : f32
    %broadcast_in_dim3A_1108 = vector.shape_cast %sub3A_595 : vector<1x2048xf32> to vector<1x2048xf32>
    %broadcast_in_dim3A_1109 = vector.broadcast %broadcast_in_dim3A_1108 : vector<1x2048xf32> to vector<256x2048xf32>
    %broadcast_in_dim3A_1110 = vector.broadcast %jit3A_1107 : f32 to vector<256x2048xf32>
    %select_n3A_1111 = arith.select %and3A_1106, %broadcast_in_dim3A_1109, %broadcast_in_dim3A_1110 : vector<256x2048xi1>, vector<256x2048xf32>
    %reduce_sum3A_1112 = arith.constant dense<0.000000e+00> : vector<256xf32>
    %reduce_sum3A_1113 = vector.multi_reduction <add>, %select_n3A_1111, %reduce_sum3A_1112 [1] : vector<256x2048xf32> to vector<256xf32>
    %broadcast_in_dim3A_1114 = vector.shape_cast %reduce_sum3A_1113 : vector<256xf32> to vector<256x1xf32>
    %convert_element_type3A_1115 = arith.extui %and3A_1106 : vector<256x2048xi1> to vector<256x2048xi32>
    %reduce_sum3A_1116 = arith.constant dense<0> : vector<256xi32>
    %reduce_sum3A_1117 = vector.multi_reduction <add>, %convert_element_type3A_1115, %reduce_sum3A_1116 [1] : vector<256x2048xi32> to vector<256xi32>
    %broadcast_in_dim3A_1118 = vector.shape_cast %reduce_sum3A_1117 : vector<256xi32> to vector<256x1xi32>
    %get3A_1119 = arith.constant 3840 : index
    %get3A_1120 = arith.constant 0 : index
    %get3A_1121 = vector.load %arg2[%get3A_1119, %get3A_1120] : memref<4096x128xi32, #tpu.memory_space<vmem>>, vector<256x1xi32>
    %eq3A_1122 = arith.constant 8191 : i32
    %eq3A_1123 = vector.broadcast %eq3A_1122 : i32 to vector<256x1xi32>
    %eq3A_1124 = arith.cmpi eq, %get3A_1121, %eq3A_1123 : vector<256x1xi32>
    %get3A_1125 = arith.constant 3840 : index
    %get3A_1126 = arith.constant 0 : index
    %get3A_1127 = vector.load %arg3[%get3A_1125, %get3A_1126] : memref<4096x128xi32, #tpu.memory_space<vmem>>, vector<256x1xi32>
    %ne3A_1128 = arith.constant -100 : i32
    %ne3A_1129 = vector.broadcast %ne3A_1128 : i32 to vector<256x1xi32>
    %ne3A_1130 = arith.cmpi ne, %get3A_1127, %ne3A_1129 : vector<256x1xi32>
    %and3A_1131 = arith.andi %eq3A_1124, %ne3A_1130 : vector<256x1xi1>
    %add3A_1132 = arith.addf %broadcast_in_dim3A_1114, %sub3A_1090 : vector<256x1xf32>
    %lt3A_1133 = arith.constant 1.500000e-01 : f32
    %lt3A_1134 = vector.broadcast %lt3A_1133 : f32 to vector<256x1xf32>
    %lt3A_1135 = arith.cmpf olt, %add3A_1132, %lt3A_1134 : vector<256x1xf32>
    %eq3A_1136 = arith.constant 0 : i32
    %eq3A_1137 = vector.broadcast %eq3A_1136 : i32 to vector<256x1xi32>
    %eq3A_1138 = arith.cmpi eq, %broadcast_in_dim3A_1118, %eq3A_1137 : vector<256x1xi32>
    %or3A_1139 = arith.ori %lt3A_1135, %eq3A_1138 : vector<256x1xi1>
    %and3A_1140 = arith.andi %and3A_1131, %or3A_1139 : vector<256x1xi1>
    %get3A_1141 = arith.constant 3840 : index
    %get3A_1142 = arith.constant 0 : index
    %get3A_1143 = vector.load %arg3[%get3A_1141, %get3A_1142] : memref<4096x128xi32, #tpu.memory_space<vmem>>, vector<256x128xi32>
    %get3A_1144 = arith.constant 3840 : index
    %get3A_1145 = arith.constant 0 : index
    %get3A_1146 = vector.load %arg2[%get3A_1144, %get3A_1145] : memref<4096x128xi32, #tpu.memory_space<vmem>>, vector<256x128xi32>
    %broadcast_in_dim3A_1147 = vector.shape_cast %and3A_1140 : vector<256x1xi1> to vector<256x1xi1>
    %broadcast_in_dim3A_1148 = vector.broadcast %broadcast_in_dim3A_1147 : vector<256x1xi1> to vector<256x128xi1>
    %select_n3A_1149 = arith.select %broadcast_in_dim3A_1148, %get3A_1143, %get3A_1146 : vector<256x128xi1>, vector<256x128xi32>
    %swap3A_1150 = arith.constant 3840 : index
    %swap3A_1151 = arith.constant 0 : index
    %swap3A_1152 = vector.load %arg7[%swap3A_1150, %swap3A_1151] : memref<4096x128xi32, #tpu.memory_space<vmem>>, vector<256x128xi32>
    tpu.vector_store %arg7[%swap3A_1150, %swap3A_1151], %select_n3A_1149 {strides = array<i32>} : memref<4096x128xi32, #tpu.memory_space<vmem>>, vector<256x128xi32>,
    return
  }
}

module attributes {stable_mosaic.version = 14 : i64} {
  func.func @_prep1_body(%arg0: i32, %arg1: memref<1024x1024xf32, #tpu.memory_space<vmem>>, %arg2: memref<1024x1024xf32, #tpu.memory_space<vmem>>, %arg3: memref<1024x1024xf32, #tpu.memory_space<vmem>>, %arg4: memref<1024x128xf32, #tpu.memory_space<vmem>>, %arg5: memref<1024x1024xbf16, #tpu.memory_space<vmem>>) attributes {dimension_semantics = [#tpu.dimension_semantics<arbitrary>], iteration_bounds = array<i64: 4>, scalar_prefetch = 0 : i64, scratch_operands = 0 : i64, tpu.core_type = #tpu.core_type<tc>, window_params = [{transform_indices = @transform_0, window_bounds = array<i64: 1024, 1024>}, {transform_indices = @transform_1, window_bounds = array<i64: 1024, 1024>}, {transform_indices = @transform_2, window_bounds = array<i64: 1024, 1024>}, {transform_indices = @transform_3, window_bounds = array<i64: 1024, 128>}, {transform_indices = @transform_4, window_bounds = array<i64: 1024, 1024>}]} {
    %get3A = arith.constant 0 : index
    %get3A_0 = arith.constant 0 : index
    %get3A_1 = vector.load %arg4[%get3A, %get3A_0] : memref<1024x128xf32, #tpu.memory_space<vmem>>, vector<1024x1xf32>
    %get3A_2 = arith.constant 0 : index
    %get3A_3 = arith.constant 0 : index
    %get3A_4 = vector.load %arg1[%get3A_2, %get3A_3] : memref<1024x1024xf32, #tpu.memory_space<vmem>>, vector<1024x1024xf32>
    %get3A_5 = arith.constant 0 : index
    %get3A_6 = arith.constant 0 : index
    %get3A_7 = vector.load %arg2[%get3A_5, %get3A_6] : memref<1024x1024xf32, #tpu.memory_space<vmem>>, vector<1024x1024xf32>
    %get3A_8 = arith.constant 0 : index
    %get3A_9 = arith.constant 0 : index
    %get3A_10 = vector.load %arg3[%get3A_8, %get3A_9] : memref<1024x1024xf32, #tpu.memory_space<vmem>>, vector<1024x1024xf32>
    %add3A = arith.addf %get3A_7, %get3A_10 : vector<1024x1024xf32>
    %mul3A = vector.broadcast %get3A_1 : vector<1024x1xf32> to vector<1024x1024xf32>
    %mul3A_11 = arith.mulf %add3A, %mul3A : vector<1024x1024xf32>
    %add3A_12 = arith.addf %get3A_4, %mul3A_11 : vector<1024x1024xf32>
    %mul3A_13 = vector.broadcast %get3A_1 : vector<1024x1xf32> to vector<1024x1024xf32>
    %mul3A_14 = arith.mulf %add3A_12, %mul3A_13 : vector<1024x1024xf32>
    %convert_element_type3A = arith.truncf %mul3A_14 : vector<1024x1024xf32> to vector<1024x1024xbf16>
    %swap3A = arith.constant 0 : index
    %swap3A_15 = arith.constant 0 : index
    %swap3A_16 = vector.load %arg5[%swap3A, %swap3A_15] : memref<1024x1024xbf16, #tpu.memory_space<vmem>>, vector<1024x1024xbf16>
    tpu.vector_store %arg5[%swap3A, %swap3A_15], %convert_element_type3A {strides = array<i32>} : memref<1024x1024xbf16, #tpu.memory_space<vmem>>, vector<1024x1024xbf16>,
    return
  }
  func.func @transform_0(%arg0: i32) -> (i32, i32) {
    %c0_i32 = arith.constant 0 : i32
    %c0_i32_0 = arith.constant 0 : i32
    return %arg0, %c0_i32 : i32, i32
  }
  func.func @transform_1(%arg0: i32) -> (i32, i32) {
    %c0_i32 = arith.constant 0 : i32
    %c0_i32_0 = arith.constant 0 : i32
    return %arg0, %c0_i32 : i32, i32
  }
  func.func @transform_2(%arg0: i32) -> (i32, i32) {
    %c0_i32 = arith.constant 0 : i32
    %c0_i32_0 = arith.constant 0 : i32
    return %arg0, %c0_i32 : i32, i32
  }
  func.func @transform_3(%arg0: i32) -> (i32, i32) {
    %c0_i32 = arith.constant 0 : i32
    %c0_i32_0 = arith.constant 0 : i32
    return %arg0, %c0_i32 : i32, i32
  }
  func.func @transform_4(%arg0: i32) -> (i32, i32) {
    %c0_i32 = arith.constant 0 : i32
    %c0_i32_0 = arith.constant 0 : i32
    return %arg0, %c0_i32 : i32, i32
  }
}

module attributes {stable_mosaic.version = 14 : i64} {
  func.func @_step1_body(%arg0: i32, %arg1: i32, %arg2: memref<1024x1024xbf16, #tpu.memory_space<vmem>>, %arg3: memref<1024x1024xbf16, #tpu.memory_space<vmem>>, %arg4: memref<1024x128xi32, #tpu.memory_space<vmem>>, %arg5: memref<1024x1024xf32, #tpu.memory_space<vmem>>, %arg6: memref<1024x128xf32, #tpu.memory_space<vmem>>, %arg7: memref<1024x128xf32, #tpu.memory_space<vmem>>, %arg8: memref<1024x128xf32, #tpu.memory_space<vmem>>, %arg9: memref<1024x128xf32, #tpu.memory_space<vmem>>, %arg10: memref<1024x1024xf32, #tpu.memory_space<vmem>>) attributes {dimension_semantics = [#tpu.dimension_semantics<arbitrary>, #tpu.dimension_semantics<arbitrary>], iteration_bounds = array<i64: 4, 8>, scalar_prefetch = 0 : i64, scratch_operands = 1 : i64, tpu.core_type = #tpu.core_type<tc>, window_params = [{transform_indices = @transform_0, window_bounds = array<i64: 1024, 1024>}, {transform_indices = @transform_1, window_bounds = array<i64: 1024, 1024>}, {transform_indices = @transform_2, window_bounds = array<i64: 1024, 128>}, {transform_indices = @transform_3, window_bounds = array<i64: 1024, 1024>}, {transform_indices = @transform_4, window_bounds = array<i64: 1024, 128>}, {transform_indices = @transform_5, window_bounds = array<i64: 1024, 128>}, {transform_indices = @transform_6, window_bounds = array<i64: 1024, 128>}, {transform_indices = @transform_7, window_bounds = array<i64: 1024, 128>}]} {
    %eq3A = arith.constant 0 : i32
    %eq3A_0 = arith.cmpi eq, %arg1, %eq3A : i32
    %convert_element_type3A = arith.extui %eq3A_0 : i1 to i32
    %cond3A = arith.constant 0 : i32
    %cond3A_1 = arith.cmpi ne, %convert_element_type3A, %cond3A : i32
    scf.if %cond3A_1 {
      %broadcast_in_dim3A_220 = arith.constant 0xFF800000 : f32
      %broadcast_in_dim3A_221 = vector.broadcast %broadcast_in_dim3A_220 : f32 to vector<1024x128xf32>
      %swap3A_222 = arith.constant 0 : index
      %swap3A_223 = arith.constant 0 : index
      %swap3A_224 = vector.load %arg6[%swap3A_222, %swap3A_223] : memref<1024x128xf32, #tpu.memory_space<vmem>>, vector<1024x128xf32>
      tpu.vector_store %arg6[%swap3A_222, %swap3A_223], %broadcast_in_dim3A_221 {strides = array<i32>} : memref<1024x128xf32, #tpu.memory_space<vmem>>, vector<1024x128xf32>,
      %broadcast_in_dim3A_225 = arith.constant 0xFF800000 : f32
      %broadcast_in_dim3A_226 = vector.broadcast %broadcast_in_dim3A_225 : f32 to vector<1024x128xf32>
      %swap3A_227 = arith.constant 0 : index
      %swap3A_228 = arith.constant 0 : index
      %swap3A_229 = vector.load %arg7[%swap3A_227, %swap3A_228] : memref<1024x128xf32, #tpu.memory_space<vmem>>, vector<1024x128xf32>
      tpu.vector_store %arg7[%swap3A_227, %swap3A_228], %broadcast_in_dim3A_226 {strides = array<i32>} : memref<1024x128xf32, #tpu.memory_space<vmem>>, vector<1024x128xf32>,
      %broadcast_in_dim3A_230 = arith.constant 0.000000e+00 : f32
      %broadcast_in_dim3A_231 = vector.broadcast %broadcast_in_dim3A_230 : f32 to vector<1024x128xf32>
      %swap3A_232 = arith.constant 0 : index
      %swap3A_233 = arith.constant 0 : index
      %swap3A_234 = vector.load %arg8[%swap3A_232, %swap3A_233] : memref<1024x128xf32, #tpu.memory_space<vmem>>, vector<1024x128xf32>
      tpu.vector_store %arg8[%swap3A_232, %swap3A_233], %broadcast_in_dim3A_231 {strides = array<i32>} : memref<1024x128xf32, #tpu.memory_space<vmem>>, vector<1024x128xf32>,
      %broadcast_in_dim3A_235 = arith.constant 0.000000e+00 : f32
      %broadcast_in_dim3A_236 = vector.broadcast %broadcast_in_dim3A_235 : f32 to vector<1024x128xf32>
      %swap3A_237 = arith.constant 0 : index
      %swap3A_238 = arith.constant 0 : index
      %swap3A_239 = vector.load %arg9[%swap3A_237, %swap3A_238] : memref<1024x128xf32, #tpu.memory_space<vmem>>, vector<1024x128xf32>
      tpu.vector_store %arg9[%swap3A_237, %swap3A_238], %broadcast_in_dim3A_236 {strides = array<i32>} : memref<1024x128xf32, #tpu.memory_space<vmem>>, vector<1024x128xf32>,
    } else {
    }
    %get3A = arith.constant 0 : index
    %get3A_2 = arith.constant 0 : index
    %get3A_3 = vector.load %arg2[%get3A, %get3A_2] : memref<1024x1024xbf16, #tpu.memory_space<vmem>>, vector<1024x1024xbf16>
    %get3A_4 = arith.constant 0 : index
    %get3A_5 = arith.constant 0 : index
    %get3A_6 = vector.load %arg3[%get3A_4, %get3A_5] : memref<1024x1024xbf16, #tpu.memory_space<vmem>>, vector<1024x1024xbf16>
    %dot_general3A = arith.constant dense<0.000000e+00> : vector<1024x1024xf32>
    %dot_general3A_7 = tpu.matmul %get3A_3, %get3A_6, %dot_general3A {dimension_numbers = #tpu.dot_dimension_numbers<[1], [0], [0], [1], [0, 0, 1, 1], [], []>, transpose_lhs_hint = false} : vector<1024x1024xbf16>, vector<1024x1024xbf16>, vector<1024x1024xf32> -> vector<1024x1024xf32>
    %swap3A = arith.constant 0 : index
    %swap3A_8 = arith.constant 0 : index
    %swap3A_9 = vector.load %arg10[%swap3A, %swap3A_8] : memref<1024x1024xf32, #tpu.memory_space<vmem>>, vector<1024x1024xf32>
    tpu.vector_store %arg10[%swap3A, %swap3A_8], %dot_general3A_7 {strides = array<i32>} : memref<1024x1024xf32, #tpu.memory_space<vmem>>, vector<1024x1024xf32>,
    %get3A_10 = arith.constant 0 : index
    %get3A_11 = arith.constant 0 : index
    %get3A_12 = vector.load %arg4[%get3A_10, %get3A_11] : memref<1024x128xi32, #tpu.memory_space<vmem>>, vector<1024x1xi32>
    %get3A_13 = arith.constant 0 : index
    %get3A_14 = arith.constant 0 : index
    %get3A_15 = vector.load %arg10[%get3A_13, %get3A_14] : memref<1024x1024xf32, #tpu.memory_space<vmem>>, vector<1024x128xf32>
    %swap3A_16 = arith.constant 0 : index
    %swap3A_17 = arith.constant 0 : index
    %swap3A_18 = vector.load %arg5[%swap3A_16, %swap3A_17] : memref<1024x1024xf32, #tpu.memory_space<vmem>>, vector<1024x128xf32>
    tpu.vector_store %arg5[%swap3A_16, %swap3A_17], %get3A_15 {strides = array<i32>} : memref<1024x1024xf32, #tpu.memory_space<vmem>>, vector<1024x128xf32>,
    %get3A_19 = arith.constant 0 : index
    %get3A_20 = arith.constant 128 : index
    %get3A_21 = vector.load %arg10[%get3A_19, %get3A_20] : memref<1024x1024xf32, #tpu.memory_space<vmem>>, vector<1024x128xf32>
    %swap3A_22 = arith.constant 0 : index
    %swap3A_23 = arith.constant 128 : index
    %swap3A_24 = vector.load %arg5[%swap3A_22, %swap3A_23] : memref<1024x1024xf32, #tpu.memory_space<vmem>>, vector<1024x128xf32>
    tpu.vector_store %arg5[%swap3A_22, %swap3A_23], %get3A_21 {strides = array<i32>} : memref<1024x1024xf32, #tpu.memory_space<vmem>>, vector<1024x128xf32>,
    %get3A_25 = arith.constant 0 : index
    %get3A_26 = arith.constant 256 : index
    %get3A_27 = vector.load %arg10[%get3A_25, %get3A_26] : memref<1024x1024xf32, #tpu.memory_space<vmem>>, vector<1024x128xf32>
    %swap3A_28 = arith.constant 0 : index
    %swap3A_29 = arith.constant 256 : index
    %swap3A_30 = vector.load %arg5[%swap3A_28, %swap3A_29] : memref<1024x1024xf32, #tpu.memory_space<vmem>>, vector<1024x128xf32>
    tpu.vector_store %arg5[%swap3A_28, %swap3A_29], %get3A_27 {strides = array<i32>} : memref<1024x1024xf32, #tpu.memory_space<vmem>>, vector<1024x128xf32>,
    %get3A_31 = arith.constant 0 : index
    %get3A_32 = arith.constant 384 : index
    %get3A_33 = vector.load %arg10[%get3A_31, %get3A_32] : memref<1024x1024xf32, #tpu.memory_space<vmem>>, vector<1024x128xf32>
    %swap3A_34 = arith.constant 0 : index
    %swap3A_35 = arith.constant 384 : index
    %swap3A_36 = vector.load %arg5[%swap3A_34, %swap3A_35] : memref<1024x1024xf32, #tpu.memory_space<vmem>>, vector<1024x128xf32>
    tpu.vector_store %arg5[%swap3A_34, %swap3A_35], %get3A_33 {strides = array<i32>} : memref<1024x1024xf32, #tpu.memory_space<vmem>>, vector<1024x128xf32>,
    %get3A_37 = arith.constant 0 : index
    %get3A_38 = arith.constant 512 : index
    %get3A_39 = vector.load %arg10[%get3A_37, %get3A_38] : memref<1024x1024xf32, #tpu.memory_space<vmem>>, vector<1024x128xf32>
    %swap3A_40 = arith.constant 0 : index
    %swap3A_41 = arith.constant 512 : index
    %swap3A_42 = vector.load %arg5[%swap3A_40, %swap3A_41] : memref<1024x1024xf32, #tpu.memory_space<vmem>>, vector<1024x128xf32>
    tpu.vector_store %arg5[%swap3A_40, %swap3A_41], %get3A_39 {strides = array<i32>} : memref<1024x1024xf32, #tpu.memory_space<vmem>>, vector<1024x128xf32>,
    %get3A_43 = arith.constant 0 : index
    %get3A_44 = arith.constant 640 : index
    %get3A_45 = vector.load %arg10[%get3A_43, %get3A_44] : memref<1024x1024xf32, #tpu.memory_space<vmem>>, vector<1024x128xf32>
    %swap3A_46 = arith.constant 0 : index
    %swap3A_47 = arith.constant 640 : index
    %swap3A_48 = vector.load %arg5[%swap3A_46, %swap3A_47] : memref<1024x1024xf32, #tpu.memory_space<vmem>>, vector<1024x128xf32>
    tpu.vector_store %arg5[%swap3A_46, %swap3A_47], %get3A_45 {strides = array<i32>} : memref<1024x1024xf32, #tpu.memory_space<vmem>>, vector<1024x128xf32>,
    %get3A_49 = arith.constant 0 : index
    %get3A_50 = arith.constant 768 : index
    %get3A_51 = vector.load %arg10[%get3A_49, %get3A_50] : memref<1024x1024xf32, #tpu.memory_space<vmem>>, vector<1024x128xf32>
    %swap3A_52 = arith.constant 0 : index
    %swap3A_53 = arith.constant 768 : index
    %swap3A_54 = vector.load %arg5[%swap3A_52, %swap3A_53] : memref<1024x1024xf32, #tpu.memory_space<vmem>>, vector<1024x128xf32>
    tpu.vector_store %arg5[%swap3A_52, %swap3A_53], %get3A_51 {strides = array<i32>} : memref<1024x1024xf32, #tpu.memory_space<vmem>>, vector<1024x128xf32>,
    %get3A_55 = arith.constant 0 : index
    %get3A_56 = arith.constant 896 : index
    %get3A_57 = vector.load %arg10[%get3A_55, %get3A_56] : memref<1024x1024xf32, #tpu.memory_space<vmem>>, vector<1024x128xf32>
    %swap3A_58 = arith.constant 0 : index
    %swap3A_59 = arith.constant 896 : index
    %swap3A_60 = vector.load %arg5[%swap3A_58, %swap3A_59] : memref<1024x1024xf32, #tpu.memory_space<vmem>>, vector<1024x128xf32>
    tpu.vector_store %arg5[%swap3A_58, %swap3A_59], %get3A_57 {strides = array<i32>} : memref<1024x1024xf32, #tpu.memory_space<vmem>>, vector<1024x128xf32>,
    %exp3A = math.exp %get3A_15 : vector<1024x128xf32>
    %exp3A_61 = math.exp %get3A_21 : vector<1024x128xf32>
    %add3A = arith.addf %exp3A, %exp3A_61 : vector<1024x128xf32>
    %exp3A_62 = math.exp %get3A_27 : vector<1024x128xf32>
    %add3A_63 = arith.addf %add3A, %exp3A_62 : vector<1024x128xf32>
    %exp3A_64 = math.exp %get3A_33 : vector<1024x128xf32>
    %add3A_65 = arith.addf %add3A_63, %exp3A_64 : vector<1024x128xf32>
    %exp3A_66 = math.exp %get3A_39 : vector<1024x128xf32>
    %add3A_67 = arith.addf %add3A_65, %exp3A_66 : vector<1024x128xf32>
    %exp3A_68 = math.exp %get3A_45 : vector<1024x128xf32>
    %add3A_69 = arith.addf %add3A_67, %exp3A_68 : vector<1024x128xf32>
    %exp3A_70 = math.exp %get3A_51 : vector<1024x128xf32>
    %add3A_71 = arith.addf %add3A_69, %exp3A_70 : vector<1024x128xf32>
    %exp3A_72 = math.exp %get3A_57 : vector<1024x128xf32>
    %add3A_73 = arith.addf %add3A_71, %exp3A_72 : vector<1024x128xf32>
    %get3A_74 = arith.constant 0 : index
    %get3A_75 = arith.constant 0 : index
    %get3A_76 = vector.load %arg8[%get3A_74, %get3A_75] : memref<1024x128xf32, #tpu.memory_space<vmem>>, vector<1024x128xf32>
    %add3A_77 = arith.addf %get3A_76, %add3A_73 : vector<1024x128xf32>
    %swap3A_78 = arith.constant 0 : index
    %swap3A_79 = arith.constant 0 : index
    %swap3A_80 = vector.load %arg8[%swap3A_78, %swap3A_79] : memref<1024x128xf32, #tpu.memory_space<vmem>>, vector<1024x128xf32>
    tpu.vector_store %arg8[%swap3A_78, %swap3A_79], %add3A_77 {strides = array<i32>} : memref<1024x128xf32, #tpu.memory_space<vmem>>, vector<1024x128xf32>,
    %max3A = arith.maximumf %get3A_15, %get3A_21 : vector<1024x128xf32>
    %min3A = arith.minimumf %get3A_15, %get3A_21 : vector<1024x128xf32>
    %max3A_81 = arith.maximumf %get3A_27, %get3A_33 : vector<1024x128xf32>
    %min3A_82 = arith.minimumf %get3A_27, %get3A_33 : vector<1024x128xf32>
    %max3A_83 = arith.maximumf %get3A_39, %get3A_45 : vector<1024x128xf32>
    %min3A_84 = arith.minimumf %get3A_39, %get3A_45 : vector<1024x128xf32>
    %max3A_85 = arith.maximumf %get3A_51, %get3A_57 : vector<1024x128xf32>
    %min3A_86 = arith.minimumf %get3A_51, %get3A_57 : vector<1024x128xf32>
    %max3A_87 = arith.maximumf %max3A, %max3A_81 : vector<1024x128xf32>
    %min3A_88 = arith.minimumf %max3A, %max3A_81 : vector<1024x128xf32>
    %max3A_89 = arith.maximumf %min3A, %min3A_82 : vector<1024x128xf32>
    %max3A_90 = arith.maximumf %min3A_88, %max3A_89 : vector<1024x128xf32>
    %max3A_91 = arith.maximumf %max3A_83, %max3A_85 : vector<1024x128xf32>
    %min3A_92 = arith.minimumf %max3A_83, %max3A_85 : vector<1024x128xf32>
    %max3A_93 = arith.maximumf %min3A_84, %min3A_86 : vector<1024x128xf32>
    %max3A_94 = arith.maximumf %min3A_92, %max3A_93 : vector<1024x128xf32>
    %max3A_95 = arith.maximumf %max3A_87, %max3A_91 : vector<1024x128xf32>
    %min3A_96 = arith.minimumf %max3A_87, %max3A_91 : vector<1024x128xf32>
    %max3A_97 = arith.maximumf %max3A_90, %max3A_94 : vector<1024x128xf32>
    %max3A_98 = arith.maximumf %min3A_96, %max3A_97 : vector<1024x128xf32>
    %get3A_99 = arith.constant 0 : index
    %get3A_100 = arith.constant 0 : index
    %get3A_101 = vector.load %arg6[%get3A_99, %get3A_100] : memref<1024x128xf32, #tpu.memory_space<vmem>>, vector<1024x128xf32>
    %get3A_102 = arith.constant 0 : index
    %get3A_103 = arith.constant 0 : index
    %get3A_104 = vector.load %arg7[%get3A_102, %get3A_103] : memref<1024x128xf32, #tpu.memory_space<vmem>>, vector<1024x128xf32>
    %max3A_105 = arith.maximumf %get3A_101, %max3A_95 : vector<1024x128xf32>
    %swap3A_106 = arith.constant 0 : index
    %swap3A_107 = arith.constant 0 : index
    %swap3A_108 = vector.load %arg6[%swap3A_106, %swap3A_107] : memref<1024x128xf32, #tpu.memory_space<vmem>>, vector<1024x128xf32>
    tpu.vector_store %arg6[%swap3A_106, %swap3A_107], %max3A_105 {strides = array<i32>} : memref<1024x128xf32, #tpu.memory_space<vmem>>, vector<1024x128xf32>,
    %min3A_109 = arith.minimumf %get3A_101, %max3A_95 : vector<1024x128xf32>
    %max3A_110 = arith.maximumf %get3A_104, %max3A_98 : vector<1024x128xf32>
    %max3A_111 = arith.maximumf %min3A_109, %max3A_110 : vector<1024x128xf32>
    %swap3A_112 = arith.constant 0 : index
    %swap3A_113 = arith.constant 0 : index
    %swap3A_114 = vector.load %arg7[%swap3A_112, %swap3A_113] : memref<1024x128xf32, #tpu.memory_space<vmem>>, vector<1024x128xf32>
    tpu.vector_store %arg7[%swap3A_112, %swap3A_113], %max3A_111 {strides = array<i32>} : memref<1024x128xf32, #tpu.memory_space<vmem>>, vector<1024x128xf32>,
    %iota3A = tpu.iota {dimensions = array<i32: 1>} : vector<1024x128xi32>
    %mul3A = arith.constant 1024 : i32
    %mul3A_115 = arith.muli %arg1, %mul3A : i32
    %add3A_116 = arith.constant 0 : i32
    %add3A_117 = arith.addi %mul3A_115, %add3A_116 : i32
    %add3A_118 = vector.broadcast %add3A_117 : i32 to vector<1024x128xi32>
    %add3A_119 = arith.addi %iota3A, %add3A_118 : vector<1024x128xi32>
    %eq3A_120 = vector.broadcast %get3A_12 : vector<1024x1xi32> to vector<1024x128xi32>
    %eq3A_121 = arith.cmpi eq, %add3A_119, %eq3A_120 : vector<1024x128xi32>
    %jit3A = arith.constant 0.000000e+00 : f32
    %broadcast_in_dim3A = vector.broadcast %jit3A : f32 to vector<1024x128xf32>
    %select_n3A = arith.select %eq3A_121, %get3A_15, %broadcast_in_dim3A : vector<1024x128xi1>, vector<1024x128xf32>
    %iota3A_122 = tpu.iota {dimensions = array<i32: 1>} : vector<1024x128xi32>
    %mul3A_123 = arith.constant 1024 : i32
    %mul3A_124 = arith.muli %arg1, %mul3A_123 : i32
    %add3A_125 = arith.constant 128 : i32
    %add3A_126 = arith.addi %mul3A_124, %add3A_125 : i32
    %add3A_127 = vector.broadcast %add3A_126 : i32 to vector<1024x128xi32>
    %add3A_128 = arith.addi %iota3A_122, %add3A_127 : vector<1024x128xi32>
    %eq3A_129 = vector.broadcast %get3A_12 : vector<1024x1xi32> to vector<1024x128xi32>
    %eq3A_130 = arith.cmpi eq, %add3A_128, %eq3A_129 : vector<1024x128xi32>
    %jit3A_131 = arith.constant 0.000000e+00 : f32
    %broadcast_in_dim3A_132 = vector.broadcast %jit3A_131 : f32 to vector<1024x128xf32>
    %select_n3A_133 = arith.select %eq3A_130, %get3A_21, %broadcast_in_dim3A_132 : vector<1024x128xi1>, vector<1024x128xf32>
    %add3A_134 = arith.addf %select_n3A, %select_n3A_133 : vector<1024x128xf32>
    %iota3A_135 = tpu.iota {dimensions = array<i32: 1>} : vector<1024x128xi32>
    %mul3A_136 = arith.constant 1024 : i32
    %mul3A_137 = arith.muli %arg1, %mul3A_136 : i32
    %add3A_138 = arith.constant 256 : i32
    %add3A_139 = arith.addi %mul3A_137, %add3A_138 : i32
    %add3A_140 = vector.broadcast %add3A_139 : i32 to vector<1024x128xi32>
    %add3A_141 = arith.addi %iota3A_135, %add3A_140 : vector<1024x128xi32>
    %eq3A_142 = vector.broadcast %get3A_12 : vector<1024x1xi32> to vector<1024x128xi32>
    %eq3A_143 = arith.cmpi eq, %add3A_141, %eq3A_142 : vector<1024x128xi32>
    %jit3A_144 = arith.constant 0.000000e+00 : f32
    %broadcast_in_dim3A_145 = vector.broadcast %jit3A_144 : f32 to vector<1024x128xf32>
    %select_n3A_146 = arith.select %eq3A_143, %get3A_27, %broadcast_in_dim3A_145 : vector<1024x128xi1>, vector<1024x128xf32>
    %add3A_147 = arith.addf %add3A_134, %select_n3A_146 : vector<1024x128xf32>
    %iota3A_148 = tpu.iota {dimensions = array<i32: 1>} : vector<1024x128xi32>
    %mul3A_149 = arith.constant 1024 : i32
    %mul3A_150 = arith.muli %arg1, %mul3A_149 : i32
    %add3A_151 = arith.constant 384 : i32
    %add3A_152 = arith.addi %mul3A_150, %add3A_151 : i32
    %add3A_153 = vector.broadcast %add3A_152 : i32 to vector<1024x128xi32>
    %add3A_154 = arith.addi %iota3A_148, %add3A_153 : vector<1024x128xi32>
    %eq3A_155 = vector.broadcast %get3A_12 : vector<1024x1xi32> to vector<1024x128xi32>
    %eq3A_156 = arith.cmpi eq, %add3A_154, %eq3A_155 : vector<1024x128xi32>
    %jit3A_157 = arith.constant 0.000000e+00 : f32
    %broadcast_in_dim3A_158 = vector.broadcast %jit3A_157 : f32 to vector<1024x128xf32>
    %select_n3A_159 = arith.select %eq3A_156, %get3A_33, %broadcast_in_dim3A_158 : vector<1024x128xi1>, vector<1024x128xf32>
    %add3A_160 = arith.addf %add3A_147, %select_n3A_159 : vector<1024x128xf32>
    %iota3A_161 = tpu.iota {dimensions = array<i32: 1>} : vector<1024x128xi32>
    %mul3A_162 = arith.constant 1024 : i32
    %mul3A_163 = arith.muli %arg1, %mul3A_162 : i32
    %add3A_164 = arith.constant 512 : i32
    %add3A_165 = arith.addi %mul3A_163, %add3A_164 : i32
    %add3A_166 = vector.broadcast %add3A_165 : i32 to vector<1024x128xi32>
    %add3A_167 = arith.addi %iota3A_161, %add3A_166 : vector<1024x128xi32>
    %eq3A_168 = vector.broadcast %get3A_12 : vector<1024x1xi32> to vector<1024x128xi32>
    %eq3A_169 = arith.cmpi eq, %add3A_167, %eq3A_168 : vector<1024x128xi32>
    %jit3A_170 = arith.constant 0.000000e+00 : f32
    %broadcast_in_dim3A_171 = vector.broadcast %jit3A_170 : f32 to vector<1024x128xf32>
    %select_n3A_172 = arith.select %eq3A_169, %get3A_39, %broadcast_in_dim3A_171 : vector<1024x128xi1>, vector<1024x128xf32>
    %add3A_173 = arith.addf %add3A_160, %select_n3A_172 : vector<1024x128xf32>
    %iota3A_174 = tpu.iota {dimensions = array<i32: 1>} : vector<1024x128xi32>
    %mul3A_175 = arith.constant 1024 : i32
    %mul3A_176 = arith.muli %arg1, %mul3A_175 : i32
    %add3A_177 = arith.constant 640 : i32
    %add3A_178 = arith.addi %mul3A_176, %add3A_177 : i32
    %add3A_179 = vector.broadcast %add3A_178 : i32 to vector<1024x128xi32>
    %add3A_180 = arith.addi %iota3A_174, %add3A_179 : vector<1024x128xi32>
    %eq3A_181 = vector.broadcast %get3A_12 : vector<1024x1xi32> to vector<1024x128xi32>
    %eq3A_182 = arith.cmpi eq, %add3A_180, %eq3A_181 : vector<1024x128xi32>
    %jit3A_183 = arith.constant 0.000000e+00 : f32
    %broadcast_in_dim3A_184 = vector.broadcast %jit3A_183 : f32 to vector<1024x128xf32>
    %select_n3A_185 = arith.select %eq3A_182, %get3A_45, %broadcast_in_dim3A_184 : vector<1024x128xi1>, vector<1024x128xf32>
    %add3A_186 = arith.addf %add3A_173, %select_n3A_185 : vector<1024x128xf32>
    %iota3A_187 = tpu.iota {dimensions = array<i32: 1>} : vector<1024x128xi32>
    %mul3A_188 = arith.constant 1024 : i32
    %mul3A_189 = arith.muli %arg1, %mul3A_188 : i32
    %add3A_190 = arith.constant 768 : i32
    %add3A_191 = arith.addi %mul3A_189, %add3A_190 : i32
    %add3A_192 = vector.broadcast %add3A_191 : i32 to vector<1024x128xi32>
    %add3A_193 = arith.addi %iota3A_187, %add3A_192 : vector<1024x128xi32>
    %eq3A_194 = vector.broadcast %get3A_12 : vector<1024x1xi32> to vector<1024x128xi32>
    %eq3A_195 = arith.cmpi eq, %add3A_193, %eq3A_194 : vector<1024x128xi32>
    %jit3A_196 = arith.constant 0.000000e+00 : f32
    %broadcast_in_dim3A_197 = vector.broadcast %jit3A_196 : f32 to vector<1024x128xf32>
    %select_n3A_198 = arith.select %eq3A_195, %get3A_51, %broadcast_in_dim3A_197 : vector<1024x128xi1>, vector<1024x128xf32>
    %add3A_199 = arith.addf %add3A_186, %select_n3A_198 : vector<1024x128xf32>
    %iota3A_200 = tpu.iota {dimensions = array<i32: 1>} : vector<1024x128xi32>
    %mul3A_201 = arith.constant 1024 : i32
    %mul3A_202 = arith.muli %arg1, %mul3A_201 : i32
    %add3A_203 = arith.constant 896 : i32
    %add3A_204 = arith.addi %mul3A_202, %add3A_203 : i32
    %add3A_205 = vector.broadcast %add3A_204 : i32 to vector<1024x128xi32>
    %add3A_206 = arith.addi %iota3A_200, %add3A_205 : vector<1024x128xi32>
    %eq3A_207 = vector.broadcast %get3A_12 : vector<1024x1xi32> to vector<1024x128xi32>
    %eq3A_208 = arith.cmpi eq, %add3A_206, %eq3A_207 : vector<1024x128xi32>
    %jit3A_209 = arith.constant 0.000000e+00 : f32
    %broadcast_in_dim3A_210 = vector.broadcast %jit3A_209 : f32 to vector<1024x128xf32>
    %select_n3A_211 = arith.select %eq3A_208, %get3A_57, %broadcast_in_dim3A_210 : vector<1024x128xi1>, vector<1024x128xf32>
    %add3A_212 = arith.addf %add3A_199, %select_n3A_211 : vector<1024x128xf32>
    %get3A_213 = arith.constant 0 : index
    %get3A_214 = arith.constant 0 : index
    %get3A_215 = vector.load %arg9[%get3A_213, %get3A_214] : memref<1024x128xf32, #tpu.memory_space<vmem>>, vector<1024x128xf32>
    %add3A_216 = arith.addf %get3A_215, %add3A_212 : vector<1024x128xf32>
    %swap3A_217 = arith.constant 0 : index
    %swap3A_218 = arith.constant 0 : index
    %swap3A_219 = vector.load %arg9[%swap3A_217, %swap3A_218] : memref<1024x128xf32, #tpu.memory_space<vmem>>, vector<1024x128xf32>
    tpu.vector_store %arg9[%swap3A_217, %swap3A_218], %add3A_216 {strides = array<i32>} : memref<1024x128xf32, #tpu.memory_space<vmem>>, vector<1024x128xf32>,
    return
  }
  func.func @transform_0(%arg0: i32, %arg1: i32) -> (i32, i32) {
    %c0_i32 = arith.constant 0 : i32
    %c0_i32_0 = arith.constant 0 : i32
    return %arg0, %c0_i32 : i32, i32
  }
  func.func @transform_1(%arg0: i32, %arg1: i32) -> (i32, i32) {
    %c0_i32 = arith.constant 0 : i32
    %c0_i32_0 = arith.constant 0 : i32
    return %c0_i32, %arg1 : i32, i32
  }
  func.func @transform_2(%arg0: i32, %arg1: i32) -> (i32, i32) {
    %c0_i32 = arith.constant 0 : i32
    %c0_i32_0 = arith.constant 0 : i32
    return %arg0, %c0_i32 : i32, i32
  }
  func.func @transform_3(%arg0: i32, %arg1: i32) -> (i32, i32) {
    %c0_i32 = arith.constant 0 : i32
    return %arg0, %arg1 : i32, i32
  }
  func.func @transform_4(%arg0: i32, %arg1: i32) -> (i32, i32) {
    %c0_i32 = arith.constant 0 : i32
    %c0_i32_0 = arith.constant 0 : i32
    return %arg0, %c0_i32 : i32, i32
  }
  func.func @transform_5(%arg0: i32, %arg1: i32) -> (i32, i32) {
    %c0_i32 = arith.constant 0 : i32
    %c0_i32_0 = arith.constant 0 : i32
    return %arg0, %c0_i32 : i32, i32
  }
  func.func @transform_6(%arg0: i32, %arg1: i32) -> (i32, i32) {
    %c0_i32 = arith.constant 0 : i32
    %c0_i32_0 = arith.constant 0 : i32
    return %arg0, %c0_i32 : i32, i32
  }
  func.func @transform_7(%arg0: i32, %arg1: i32) -> (i32, i32) {
    %c0_i32 = arith.constant 0 : i32
    %c0_i32_0 = arith.constant 0 : i32
    return %arg0, %c0_i32 : i32, i32
  }
}

module attributes {stable_mosaic.version = 14 : i64} {
  func.func @_loss_body(%arg0: memref<4096x128xf32, #tpu.memory_space<vmem>>, %arg1: memref<4096x128xf32, #tpu.memory_space<vmem>>, %arg2: memref<4096x128xf32, #tpu.memory_space<vmem>>, %arg3: memref<4096x128xf32, #tpu.memory_space<vmem>>, %arg4: memref<4096x128xi32, #tpu.memory_space<vmem>>, %arg5: memref<4096x128xi32, #tpu.memory_space<vmem>>, %arg6: memref<8x128xf32, #tpu.memory_space<vmem>>, %arg7: memref<8x128xf32, #tpu.memory_space<vmem>>) attributes {dimension_semantics = [], scalar_prefetch = 0 : i64, scratch_operands = 0 : i64, tpu.core_type = #tpu.core_type<tc>} {
    %get3A = arith.constant 0 : index
    %get3A_0 = arith.constant 0 : index
    %get3A_1 = vector.load %arg0[%get3A, %get3A_0] : memref<4096x128xf32, #tpu.memory_space<vmem>>, vector<4096x128xf32>
    %get3A_2 = arith.constant 0 : index
    %get3A_3 = arith.constant 0 : index
    %get3A_4 = vector.load %arg1[%get3A_2, %get3A_3] : memref<4096x128xf32, #tpu.memory_space<vmem>>, vector<4096x128xf32>
    %get3A_5 = arith.constant 0 : index
    %get3A_6 = arith.constant 0 : index
    %get3A_7 = vector.load %arg2[%get3A_5, %get3A_6] : memref<4096x128xf32, #tpu.memory_space<vmem>>, vector<4096x128xf32>
    %get3A_8 = arith.constant 0 : index
    %get3A_9 = arith.constant 0 : index
    %get3A_10 = vector.load %arg3[%get3A_8, %get3A_9] : memref<4096x128xf32, #tpu.memory_space<vmem>>, vector<4096x128xf32>
    %reduce_max3A = arith.constant dense<0xFF800000> : vector<4096xf32>
    %reduce_max3A_11 = vector.multi_reduction <maximumf>, %get3A_1, %reduce_max3A [1] : vector<4096x128xf32> to vector<4096xf32>
    %broadcast_in_dim3A = vector.shape_cast %reduce_max3A_11 : vector<4096xf32> to vector<4096x1xf32>
    %eq3A = vector.broadcast %broadcast_in_dim3A : vector<4096x1xf32> to vector<4096x128xf32>
    %eq3A_12 = arith.cmpf oeq, %get3A_1, %eq3A : vector<4096x128xf32>
    %convert_element_type3A = arith.extui %eq3A_12 : vector<4096x128xi1> to vector<4096x128xi32>
    %convert_element_type3A_13 = arith.sitofp %convert_element_type3A : vector<4096x128xi32> to vector<4096x128xf32>
    %reduce_sum3A = arith.constant dense<0.000000e+00> : vector<4096xf32>
    %reduce_sum3A_14 = vector.multi_reduction <add>, %convert_element_type3A_13, %reduce_sum3A [1] : vector<4096x128xf32> to vector<4096xf32>
    %broadcast_in_dim3A_15 = vector.shape_cast %reduce_sum3A_14 : vector<4096xf32> to vector<4096x1xf32>
    %select_n3A = arith.select %eq3A_12, %get3A_4, %get3A_1 : vector<4096x128xi1>, vector<4096x128xf32>
    %reduce_max3A_16 = arith.constant dense<0xFF800000> : vector<4096xf32>
    %reduce_max3A_17 = vector.multi_reduction <maximumf>, %select_n3A, %reduce_max3A_16 [1] : vector<4096x128xf32> to vector<4096xf32>
    %broadcast_in_dim3A_18 = vector.shape_cast %reduce_max3A_17 : vector<4096xf32> to vector<4096x1xf32>
    %gt3A = arith.constant 1.500000e+00 : f32
    %gt3A_19 = vector.broadcast %gt3A : f32 to vector<4096x1xf32>
    %gt3A_20 = arith.cmpf ogt, %broadcast_in_dim3A_15, %gt3A_19 : vector<4096x1xf32>
    %select_n3A_21 = arith.select %gt3A_20, %broadcast_in_dim3A, %broadcast_in_dim3A_18 : vector<4096x1xi1>, vector<4096x1xf32>
    %reduce_sum3A_22 = arith.constant dense<0.000000e+00> : vector<4096xf32>
    %reduce_sum3A_23 = vector.multi_reduction <add>, %get3A_7, %reduce_sum3A_22 [1] : vector<4096x128xf32> to vector<4096xf32>
    %broadcast_in_dim3A_24 = vector.shape_cast %reduce_sum3A_23 : vector<4096xf32> to vector<4096x1xf32>
    %reduce_sum3A_25 = arith.constant dense<0.000000e+00> : vector<4096xf32>
    %reduce_sum3A_26 = vector.multi_reduction <add>, %get3A_10, %reduce_sum3A_25 [1] : vector<4096x128xf32> to vector<4096xf32>
    %broadcast_in_dim3A_27 = vector.shape_cast %reduce_sum3A_26 : vector<4096xf32> to vector<4096x1xf32>
    %exp3A = math.exp %broadcast_in_dim3A : vector<4096x1xf32>
    %div3A = arith.divf %exp3A, %broadcast_in_dim3A_24 : vector<4096x1xf32>
    %exp3A_28 = math.exp %select_n3A_21 : vector<4096x1xf32>
    %div3A_29 = arith.divf %exp3A_28, %broadcast_in_dim3A_24 : vector<4096x1xf32>
    %sub3A = arith.subf %div3A, %div3A_29 : vector<4096x1xf32>
    %log3A = math.log %broadcast_in_dim3A_24 : vector<4096x1xf32>
    %sub3A_30 = arith.subf %log3A, %broadcast_in_dim3A_27 : vector<4096x1xf32>
    %get3A_31 = arith.constant 0 : index
    %get3A_32 = arith.constant 0 : index
    %get3A_33 = vector.load %arg4[%get3A_31, %get3A_32] : memref<4096x128xi32, #tpu.memory_space<vmem>>, vector<4096x1xi32>
    %eq3A_34 = arith.constant 8191 : i32
    %eq3A_35 = vector.broadcast %eq3A_34 : i32 to vector<4096x1xi32>
    %eq3A_36 = arith.cmpi eq, %get3A_33, %eq3A_35 : vector<4096x1xi32>
    %get3A_37 = arith.constant 0 : index
    %get3A_38 = arith.constant 0 : index
    %get3A_39 = vector.load %arg5[%get3A_37, %get3A_38] : memref<4096x128xi32, #tpu.memory_space<vmem>>, vector<4096x1xi32>
    %ne3A = arith.constant -100 : i32
    %ne3A_40 = vector.broadcast %ne3A : i32 to vector<4096x1xi32>
    %ne3A_41 = arith.cmpi ne, %get3A_39, %ne3A_40 : vector<4096x1xi32>
    %and3A = arith.andi %eq3A_36, %ne3A_41 : vector<4096x1xi1>
    %convert_element_type3A_42 = arith.extui %and3A : vector<4096x1xi1> to vector<4096x1xi32>
    %convert_element_type3A_43 = arith.sitofp %convert_element_type3A_42 : vector<4096x1xi32> to vector<4096x1xf32>
    %add3A = arith.constant 1.000000e+00 : f32
    %add3A_44 = vector.broadcast %add3A : f32 to vector<4096x1xf32>
    %add3A_45 = arith.addf %add3A_44, %sub3A : vector<4096x1xf32>
    %mul3A = arith.mulf %sub3A_30, %add3A_45 : vector<4096x1xf32>
    %mul3A_46 = arith.mulf %mul3A, %convert_element_type3A_43 : vector<4096x1xf32>
    %reduce_sum3A_47 = vector.shape_cast %mul3A_46 : vector<4096x1xf32> to vector<1x4096x1xf32>
    %reduce_sum3A_48 = arith.constant dense<0.000000e+00> : vector<1xf32>
    %reduce_sum3A_49 = vector.multi_reduction <add>, %reduce_sum3A_47, %reduce_sum3A_48 [1, 2] : vector<1x4096x1xf32> to vector<1xf32>
    %reduce_sum3A_50 = vector.shape_cast %reduce_sum3A_49 : vector<1xf32> to vector<1x1x1xf32>
    %reduce_sum3A_51 = vector.extract %reduce_sum3A_50[0, 0, 0] : f32 from vector<1x1x1xf32>
    %reduce_sum3A_52 = vector.shape_cast %convert_element_type3A_43 : vector<4096x1xf32> to vector<1x4096x1xf32>
    %reduce_sum3A_53 = arith.constant dense<0.000000e+00> : vector<1xf32>
    %reduce_sum3A_54 = vector.multi_reduction <add>, %reduce_sum3A_52, %reduce_sum3A_53 [1, 2] : vector<1x4096x1xf32> to vector<1xf32>
    %reduce_sum3A_55 = vector.shape_cast %reduce_sum3A_54 : vector<1xf32> to vector<1x1x1xf32>
    %reduce_sum3A_56 = vector.extract %reduce_sum3A_55[0, 0, 0] : f32 from vector<1x1x1xf32>
    %get3A_57 = arith.constant 0 : index
    %get3A_58 = arith.constant 0 : index
    %get3A_59 = vector.load %arg6[%get3A_57, %get3A_58] : memref<8x128xf32, #tpu.memory_space<vmem>>, vector<1x1xf32>
    %get3A_60 = vector.extract %get3A_59[0, 0] : f32 from vector<1x1xf32>
    %get3A_61 = arith.constant 1 : index
    %get3A_62 = arith.constant 0 : index
    %get3A_63 = vector.load %arg6[%get3A_61, %get3A_62] : memref<8x128xf32, #tpu.memory_space<vmem>>, vector<1x1xf32>
    %get3A_64 = vector.extract %get3A_63[0, 0] : f32 from vector<1x1xf32>
    %max3A = arith.constant 1.000000e+00 : f32
    %max3A_65 = arith.maximumf %get3A_64, %max3A : f32
    %div3A_66 = arith.divf %get3A_60, %max3A_65 : f32
    %max3A_67 = arith.constant 1.000000e+00 : f32
    %max3A_68 = arith.maximumf %reduce_sum3A_56, %max3A_67 : f32
    %div3A_69 = arith.divf %reduce_sum3A_51, %max3A_68 : f32
    %add3A_70 = arith.addf %div3A_66, %div3A_69 : f32
    %reshape3A = vector.broadcast %add3A_70 : f32 to vector<1x1xf32>
    %swap3A = arith.constant 0 : index
    %swap3A_71 = arith.constant 0 : index
    %swap3A_72 = vector.load %arg7[%swap3A, %swap3A_71] : memref<8x128xf32, #tpu.memory_space<vmem>>, vector<1x1xf32>
    tpu.vector_store %arg7[%swap3A, %swap3A_71], %reshape3A {strides = array<i32>} : memref<8x128xf32, #tpu.memory_space<vmem>>, vector<1x1xf32>,
    return
  }
}

</mosaic_0001>

<sc_bundles>
// kernel: kernel.11.cloned.1.call-start
scs
__scs_entry_jumppad:
0x0: {  	(pc) =	sbr.rel $0x88, $3  }
0x1: {  	(tag) =	ssettag $0x0;
	lr =	simm.s32 $0x1  }
0x2: {  	[smem:$0x3F9B] =	sst lr;
	_ =	strace $0xD0000000  }
0x3: {  	_ = 	snop  }
0x4: {  	_ = 	snop  }
0x5: {  	_ = 	snop  }
0x6: {  	_ = 	snop  }
0x7: {  	_ = 	snop  }
__scs_overlays_trampoline_lowered:
0x8: {  	[smem:$0x3FAA] =	sst s0  }
0x9: {  	[smem:$0x3FAB] =	sst s1  }
0xa: {  	[smem:$0x3FAC] =	sst s2  }
0xb: {  	[smem:$0x3FAD] =	sst s3  }
0xc: {  	[smem:$0x3FAE] =	sst s4  }
0xd: {  	[smem:$0x3FAF] =	sst s5  }
0xe: {  	[smem:$0x3FB0] =	sst s6  }
0xf: {  	[smem:$0x3FB1] =	sst s7  }
0x10: {  	[smem:$0x3FB2] =	sst s8  }
0x11: {  	[smem:$0x3FB3] =	sst s9;
	s0 =	simm.s32 @!p0 $0x0  }
0x12: {  	s1 =	sld [smem:$0x3F99];
	s0 =	simm.s32 @p0 $0x1  }
0x13: {  	[smem:$0x3FB4] =	sst s0;
	s0 =	simm.s32 @!p1 $0x0  }
0x14: {  	s2 =	sld [smem:$0x3F98];
	s0 =	simm.s32 @p1 $0x1  }
0x15: {  	[smem:$0x3FB5] =	sst s0;
	s0 =	simm.s32 @!p2 $0x0  }
0x16: {  	s3 =	sld [smem:$0x3FDB];
	s0 =	simm.s32 @p2 $0x1  }
0x17: {  	s4 =	simm.s32 $0x1BF5;
	[smem:$0x3FB7] =	sst s0  }
0x18: {  	s0 =	sld [smem:$0x3F9A];
	_ =	swait.ge [sflag:s4], $0x0  }
0x19: {  	s7 =	sld [smem:$0x3F9B]  }
0x1a: {  	s8 =	sadd.s32 $0xFFFFE003, lr  }
0x1b: {  	s9 =	sadd.s32 $0xFFFFFEF7, lr;
	s5 =	simm.s32 $0xFFFFFFFF;
	p2 =	slt.u32 s8, $0xFFFFF086  }
0x1c: {  	p1 =	slt.u32 s9, $0xF7A;
	s5 =	simm.s32 @!p2 $0x0  }
0x1d: {  	s5 =	simm.s32 @p1 $0x1;
	p0 =	seq.s32 s7, s2  }
0x1e: {  	s7 =	smul.u32 @!p0 $0xF7A, s2;
	p2 =	seq.s32 @!p0 s5, $0x0  }
0x1f: {  	s9 =	smul.u32 $0xF7A, s1;
	s8 =	simm.s32 @!p0 $0x1BF5;
	p2 =	por !p2, p0  }
0x20: {  	[sflag:s8] =	ssyncset.s32 @!p0 $0xFFFFF086;
	s6 =	sadd.s32 @!p0 s3, s7;
	s7 =	simm.s32 @!p0 $0x108  }
0x21: {  	s3 =	sadd.s32 s3, s9;
	s6 =	sadd.s32 @!p0 $0x88, s6;
	s7 =	simm.s32 @p2 $0x1082  }
0x22: {  	[simem:s7], [sflag:s8] =	dma.local @!p0 [hbm:s6], $0xF7A  }
0x23: {  	s9 =	sor.u32 $0xD0000000, s2;
	s6 =	simm.s32 $0x108;
	_ =	swait.ge @!p0 [sflag:s8], $0x0  }
0x24: {  	s3 =	sadd.s32 $0x88, s3;
	s6 =	simm.s32 @!p1 $0x1082;
	[sflag:s4] =	ssyncset.s32 $0xFFFFF086  }
0x25: {  	[simem:s6], [sflag:s4] =	dma.local [hbm:s3], $0xF7A  }
0x26: {  	[smem:$0x3F9B] =	sst s1;
	(tag) =	ssettag s2;
	_ =	strace s9  }
0x27: {  	s1 =	sld [smem:$0x3FAB]  }
0x28: {  	s2 =	sld [smem:$0x3FAC]  }
0x29: {  	s4 =	sld [smem:$0x3FAE]  }
0x2a: {  	p0 =	seq.s32 s5, $0x0;
	s5 =	sld [smem:$0x3FAF]  }
0x2b: {  	s6 =	sld [smem:$0x3FB0]  }
0x2c: {  	s7 =	sld [smem:$0x3FB1]  }
0x2d: {  	s3 =	simm.s32 $0x108;
	s8 =	sld [smem:$0x3FB2]  }
0x2e: {  	s3 =	simm.s32 @!p0 $0x1082;
	s9 =	sld [smem:$0x3FB3]  }
0x2f: {  	lr =	sadd.s32 s0, s3;
	s0 =	sld [smem:$0x3FAA]  }
0x30: {  	s3 =	sld [smem:$0x3FAD]  }
0x31: {  	[smem:$0x3FB6] =	sst s10  }
0x32: {  	s10 =	sld [smem:$0x3FB4];
	_ =	sdelay $0x3  }
0x33: {  	p0 =	seq.s32 s10, $0x1;
	s10 =	sld [smem:$0x3FB6];
	_ =	sdelay $0x3  }
0x34: {  	[smem:$0x3FB6] =	sst s10  }
0x35: {  	s10 =	sld [smem:$0x3FB5];
	_ =	sdelay $0x3  }
0x36: {  	p1 =	seq.s32 s10, $0x1;
	s10 =	sld [smem:$0x3FB6];
	_ =	sdelay $0x3  }
0x37: {  	[smem:$0x3FB6] =	sst s10  }
0x38: {  	s10 =	sld [smem:$0x3FB7]  }
0x39: {  	_ = 	snop;
	(pc) =	sbr.ind lr, $3  }
0x3a: {  	_ = 	snop  }
0x3b: {  	_ = 	snop  }
0x3c: {  	p2 =	seq.s32 s10, $0x1;
	s10 =	sld [smem:$0x3FB6]  }
0x3d: {  	_ =	shalt  }
0x3e: {  	_ =	shalt  }
0x3f: {  	_ =	shalt  }
0x40: {  	_ =	shalt  }
0x41: {  	_ =	shalt  }
0x42: {  	_ =	shalt  }
0x43: {  	_ =	shalt  }
0x44: {  	_ =	shalt  }
0x45: {  	_ =	shalt  }
0x46: {  	_ =	shalt  }
0x47: {  	_ =	shalt  }
0x48: {  	_ =	shalt  }
0x49: {  	_ =	shalt  }
0x4a: {  	_ =	shalt  }
0x4b: {  	_ =	shalt  }
0x4c: {  	_ =	shalt  }
0x4d: {  	_ =	shalt  }
0x4e: {  	_ =	shalt  }
0x4f: {  	_ =	shalt  }
0x50: {  	_ =	shalt  }
0x51: {  	_ =	shalt  }
0x52: {  	_ =	shalt  }
0x53: {  	_ =	shalt  }
0x54: {  	_ =	shalt  }
0x55: {  	_ =	shalt  }
0x56: {  	_ =	shalt  }
0x57: {  	_ =	shalt  }
0x58: {  	_ =	shalt  }
0x59: {  	_ =	shalt  }
0x5a: {  	_ =	shalt  }
0x5b: {  	_ =	shalt  }
0x5c: {  	_ =	shalt  }
0x5d: {  	_ =	shalt  }
0x5e: {  	_ =	shalt  }
0x5f: {  	_ =	shalt  }
0x60: {  	_ =	shalt  }
0x61: {  	_ =	shalt  }
0x62: {  	_ =	shalt  }
0x63: {  	_ =	shalt  }
0x64: {  	_ =	shalt  }
0x65: {  	_ =	shalt  }
0x66: {  	_ =	shalt  }
0x67: {  	_ =	shalt  }
0x68: {  	_ =	shalt  }
0x69: {  	_ =	shalt  }
0x6a: {  	_ =	shalt  }
0x6b: {  	_ =	shalt  }
0x6c: {  	_ =	shalt  }
0x6d: {  	_ =	shalt  }
0x6e: {  	_ =	shalt  }
0x6f: {  	_ =	shalt  }
0x70: {  	_ =	shalt  }
0x71: {  	_ =	shalt  }
0x72: {  	_ =	shalt  }
0x73: {  	_ =	shalt  }
0x74: {  	_ =	shalt  }
0x75: {  	_ =	shalt  }
0x76: {  	_ =	shalt  }
0x77: {  	_ =	shalt  }
0x78: {  	_ =	shalt  }
0x79: {  	_ =	shalt  }
0x7a: {  	_ =	shalt  }
0x7b: {  	_ =	shalt  }
0x7c: {  	_ =	shalt  }
0x7d: {  	_ =	shalt  }
0x7e: {  	_ =	shalt  }
0x7f: {  	_ =	shalt  }
0x80: {  	_ =	shalt  }
0x81: {  	_ =	shalt  }
0x82: {  	_ =	shalt  }
0x83: {  	_ =	shalt  }
0x84: {  	_ =	shalt  }
0x85: {  	_ =	shalt  }
0x86: {  	_ =	shalt  }
0x87: {  	_ =	shalt  }
.Lfunc_end0:
.L_simem_size_0:
called_computation_lowered:
.L_overlay_start_0:
0x88: {  	s2 =	sld [smem:$0x3FD9]  }
0x89: {  	s3 =	sld [smem:$0x3FFE];
	_ =	sdelay $0x1  }
0x8a: {  	s1 =	srdreg.scid  }
0x8b: {  	s0 =	sand.u32 $0x1, s1  }
0x8c: {  	s14 =	sshll.u32 s0, $0xA;
	s2 =	sadd.s32 s3, s2  }
0x8d: {  	s2 =	sadd.s32 s2, s14  }
0x8e: {  	[smem:$0x3FC2] =	sst s2  }
0x8f: {  	_ = 	snop  }
0x90: {  	s2 =	sld [smem:$0x3FD0];
	_ =	sdelay $0x2  }
0x91: {  	s4 =	simm.s32 $0xA;
	s5 =	simm.s32 $0x10;
	s15 =	sld [smem:$0x3FC6]  }
0x92: {  	[smem:s5], [sflag:s4] =	dma.local [hbm:s2], $0x1  }
0x93: {  	_ =	swait.eq [sflag:s4], $0x1  }
0x94: {  	[sflag:s4] =	ssyncset.done $0x0  }
0x95: {  	[sflag:s4] =	ssyncadd.s32 $0xFFFFFFFF  }
0x96: {  	s16 =	sld [smem:$0x11];
	(tm) =	ssettm $0x1  }
0x97: {  	s17 =	sld [smem:$0x3FFB];
	_ =	sdelay $0x3  }
0x98: {  	_ =	strace s17  }
0x99: {  	s4 =	sld [smem:$0x3FFC];
	_ =	sdelay $0x3  }
0x9a: {  	_ =	strace s4  }
0x9b: {  	s4 =	sld [smem:$0x3FFD];
	_ =	sdelay $0x3  }
0x9c: {  	_ =	strace s4  }
0x9d: {  	_ =	strace $0x8FFFFFFF  }
0x9e: {  	s18 =	sld [smem:$0x3FDB];
	_ =	sdelay $0x1  }
0x9f: {  	s19 =	simm.s32 $_scs_section_size  }
0xa0: {  	s6 =	simm.s32 $_size__tile_overlayer_lowered;
	s7 =	simm.s32 $_tile_overlayer_lowered  }
0xa1: {  	s22 =	simm.s32 $0x1BFF;
	s21 =	sshll.u32 s7, $0x1;
	s4 =	sadd.s32 s19, s18  }
0xa2: {  	s8 =	simm.s32 $0x0;
	s20 =	sshll.u32 s6, $0x1;
	s6 =	sadd.s32 s21, s4  }
0xa3: {  	[timem:s8], [sflag:s22] =	dma.local [hbm:s6], s20  }
0xa4: {  	_ =	swait.ge [sflag:s22], s20  }
0xa5: {  	s5 =	ssub.s32 $0x0, s20;
	[sflag:s22] =	ssyncset.done $0x0  }
0xa6: {  	[sflag:s22] =	ssyncadd.s32 s5;
	_ =	sdelay $0x1  }
0xa7: {  	s23 =	simm.s32 $0x1B8B  }
0xa8: {  	_ =	swait.ge [sflag:s23], $0x1  }
0xa9: {  	[sflag:s23] =	ssyncset.done $0x0  }
0xaa: {  	s25 =	simm.s32 $0x1B8E;
	s24 =	sld [smem:$0x3FFE];
	[sflag:s23] =	ssyncadd.s32 $0xFFFFFFFF  }
0xab: {  	s26 =	simm.s32 $execute0_lowered;
	[smem:$0x3FD2] =	sst s25  }
0xac: {  	s6 =	sshll.u32 s26, $0x1;
	_ =	strace $0x80000046;
	[dreg:$0x1] =	wrdreg $0xFFFFFFFF  }
0xad: {  	s28 =	simm.s32 $_size_execute0_lowered;
	s4 =	sadd.s32 s4, s6;
	[dreg:$0x0] =	wrdreg $0x0  }
0xae: {  	s6 =	sshll.u32 s28, $0x1;
	[dreg:$0x2] =	wrdreg s4  }
0xaf: {  	[dreg:$0x3] =	wrdreg s6  }
0xb0: {  	[dreg:$0x4] =	wrdreg $0xC0  }
0xb1: {  	_ =	task [dreg:s8], $0x5FFFF  }
0xb2: {  	[dreg:$0x1] =	wrdreg $0xFFFFFFFF  }
0xb3: {  	[dreg:$0x0] =	wrdreg $0x60  }
0xb4: {  	[dreg:$0x2] =	wrdreg s15  }
0xb5: {  	[dreg:$0x3] =	wrdreg s16  }
0xb6: {  	[dreg:$0x4] =	wrdreg s24  }
0xb7: {  	[dreg:$0x5] =	wrdreg $0x9  }
0xb8: {  	_ =	task.clear_ibuf [dreg:s8], $0x6FFFF;
	_ =	strace $0x90000046  }
0xb9: {  	s29 =	simm.s32 $0x9;
	_ =	strace $0x80000048  }
0xba: {  	_ =	swait.ge [sflag:s29], $0x1  }
0xbb: {  	[sflag:s29] =	ssyncadd.s32 $0xFFFFFFFF  }
0xbc: {  	_ =	strace $0x90000048  }
0xbd: {  	_ =	sfence  }
0xbe: {  	s30 =	sld [smem:$0x0];
	_ =	sdelay $0x2  }
0xbf: {  	s31 =	sshll.u32 s1, $0xD;
	s1 =	sshrl.u32 s1, $0x2  }
0xc0: {  	s3 =	sand.u32 $0x4000, s31;
	s1 =	sadd.s32 s1, s30  }
0xc1: {  	s0 =	sor.u32 s3, s0;
	s1 =	sshll.u32 s1, $0x11  }
0xc2: {  	s0 =	sor.u32 s1, s0  }
0xc3: {  	s0 =	sadd.s32 $0x8F2B, s0  }
0xc4: {  	[sflag:s0] =	ssyncadd.remote.s32 $0x1  }
0xc5: {  	_ =	sfence.sel $0xFFFF  }
0xc6: {  	[dreg:$0x0] =	wrdreg $0xFFFFFFFF;
	(pc) =	sbr.abs _section_cstart, $3  }
0xc7: {  	[dreg:$0x1] =	wrdreg $0xFFFFFFFF  }
0xc8: {  	_ =	task.clear_ibuf [dreg:s8], $0x2FFFF;
	_ =	strace $0x9FFFFFFF  }
0xc9: {  	(tm) =	ssettm $0x7FFFFFFF  }
tec
execute0_lowered:
.L_overlay_start_1:
0x0: {  	(tag) =	ssettag $0x1  }
0x1: {  	s1 =	rddreg [dreg:$0x0]  }
0x2: {  	s0 =	srdreg.scid;
	s2 =	rddreg [dreg:$0x1]  }
0x3: {  	s3 =	stileid.u32;
	s4 =	rddreg [dreg:$0x2];
	s8 =	simm.s32 $0x3  }
0x4: {  	s19 =	simm.s32 $0x2;
	s21 =	simm.s32 $0x880;
	s28 =	simm.s32 $0x2880  }
0x5: {  	s29 =	simm.s32 $0x3080;
	s30 =	simm.s32 $0x3880;
	s31 =	simm.s32 $0x4080  }
0x6: {  	s9 =	simm.s32 $0x5080;
	s10 =	simm.s32 $0x5880;
	s11 =	simm.s32 $0x6080  }
0x7: {  	s12 =	simm.s32 $0x6880;
	s13 =	simm.s32 $0x7080;
	s14 =	simm.s32 $0x7880  }
0x8: {  	s16 =	simm.s32 $0x9080;
	s17 =	simm.s32 $0x9880;
	s18 =	simm.s32 $0xA080  }
0x9: {  	s0 =	sand.u32 $0x1, s0;
	s5 =	sshll.u32 s3, $0x8;
	s3 =	simm.s32 $0x0  }
0xa: {  	s6 =	sshll.u32 s0, $0x7;
	[smem:$0x7FF] =	sst s3;
	s0 =	ssub.s32 $0x2, s0  }
0xb: {  	s5 =	sor.u32 s6, s5;
	_ =	strace $0x80000047;
	s23 =	sshrl.u32 s0, $0x1  }
0xc: {  	s6 =	sshll.u32 s5, $0x7;
	s5 =	sshrl.u32 s5, $0x3;
	s0 =	ssub.s32 s0, s23  }
0xd: {  	s23 =	simm.s32 $0x1880;
	s6 =	sadd.s32 s6, s4;
	s2 =	sadd.s32 s2, s5  }
0xe: {  	s4 =	sadd.s32 $0x100, s1;
	[dreg:$0x4] =	wrdreg s2;
	s22 =	sadd.s32 $0xE00, s6  }
0xf: {  	s5 =	sadd.s32 $0x200, s1;
	s24 =	sadd.s32 $0x1E00, s6;
	[dreg:$0x5] =	wrdreg s22  }
0x10: {  	s7 =	smax.u32 s0, $0x1;
	s25 =	sadd.s32 $0x2E00, s6;
	[dreg:$0x6] =	wrdreg s24  }
0x11: {  	v2 =	vlaneseq.u32;
	s26 =	sadd.s32 $0x3E00, s6;
	s6 =	sadd.s32 $0x300, s1;
	[dreg:$0x7] =	wrdreg s25  }
0x12: {  	vm0 =	vmmov $0xffff;
	v1 =	vshrl.u32 v2, $0x3;
	s2 =	simm.s32 $0x4880;
	[dreg:$0x8] =	wrdreg s26;
	s26 =	simm.s32 $0x80  }
0x13: {  	v0 =	vand.u32 $0x7, v2;
	v2 =	vor.u32 $0x8, v2;
	v1 =	vmul.u32 $0x8, v1;
	s22 =	simm.s32 $0x1080;
	s24 =	simm.s32 $0x2080;
	s25 =	simm.s32 $0x8080  }
.LBB2_1:
0x14: {  	s20 =	rddreg [dreg:$0x4]  }
0x15: {  	[tilespmem:s3], [sflag:$0x3] =	stream.linear.gather [hbm4b:s20+s3], $0x80, $0x38;
	[tilespmem:$0x10080] =	vst v63  }
0x16: {  	_ =	swait.ge [sflag:s8], $0x80  }
0x17: {  	[sflag:s8] =	ssyncset.done $0x0  }
0x18: {  	[sflag:s8] =	ssyncadd.s32 $0xFFFFFF80  }
0x19: {  	v3 =	vld [tilespmem:$0x0];
	_ =	sdelay $0x4  }
0x1a: {  	v4 =	vshll.u32 v3, $0x3  }
0x1b: {  	v3 =	vand.u32 $0x7, v3;
	v4 =	vand.u32 $0xFFFFFFC0, v4  }
0x1c: {  	v3 =	vor.u32 v3, v4  }
0x1d: {  	v4 =	vperm.xlane v3, v0;
	_ =	sdelay $0x1  }
0x1e: {  	v4 =	vadd.s32 v1, v4;
	_ =	sdelay $0x4  }
0x1f: {  	[tilespmem:s26], [sflag:$0x1] =	stream.indirect_vreg.gather [hbm4b:s1+s3], $0x80, v4, vm0, $0xb8;
	[tilespmem:$0x10080] =	vst v63  }
0x20: {  	v3 =	vperm.xlane v3, v2  }
0x21: {  	[tilespmem:s21], [sflag:$0x1] =	stream.indirect_vreg.gather [hbm4b:s4+s3], $0x80, v4, vm0, $0xb8;
	[tilespmem:$0x10080] =	vst v63  }
0x22: {  	v3 =	vadd.s32 v1, v3  }
0x23: {  	[tilespmem:s22], [sflag:$0x1] =	stream.indirect_vreg.gather [hbm4b:s5+s3], $0x80, v4, vm0, $0xb8;
	[tilespmem:$0x10080] =	vst v63  }
0x24: {  	_ = 	snop  }
0x25: {  	[tilespmem:s23], [sflag:$0x1] =	stream.indirect_vreg.gather [hbm4b:s6+s3], $0x80, v4, vm0, $0xb8;
	[tilespmem:$0x10080] =	vst v63  }
0x26: {  	_ = 	snop  }
0x27: {  	[tilespmem:s24], [sflag:$0x1] =	stream.indirect_vreg.gather [hbm4b:s1+s3], $0x80, v3, vm0, $0xb8;
	[tilespmem:$0x10080] =	vst v63  }
0x28: {  	_ = 	snop  }
0x29: {  	[tilespmem:s28], [sflag:$0x1] =	stream.indirect_vreg.gather [hbm4b:s4+s3], $0x80, v3, vm0, $0xb8;
	[tilespmem:$0x10080] =	vst v63  }
0x2a: {  	_ = 	snop  }
0x2b: {  	[tilespmem:s29], [sflag:$0x1] =	stream.indirect_vreg.gather [hbm4b:s5+s3], $0x80, v3, vm0, $0xb8;
	[tilespmem:$0x10080] =	vst v63  }
0x2c: {  	_ = 	snop  }
0x2d: {  	[tilespmem:s30], [sflag:$0x1] =	stream.indirect_vreg.gather [hbm4b:s6+s3], $0x80, v3, vm0, $0xb8;
	[tilespmem:$0x10080] =	vst v63  }
0x2e: {  	v3 =	vld [tilespmem:$0x10];
	_ =	sdelay $0x4  }
0x2f: {  	v57 =	vshll.u32 v3, $0x3  }
0x30: {  	v3 =	vand.u32 $0x7, v3;
	v4 =	vand.u32 $0xFFFFFFC0, v57  }
0x31: {  	v3 =	vor.u32 v3, v4  }
0x32: {  	v4 =	vperm.xlane v3, v0;
	_ =	sdelay $0x1  }
0x33: {  	v4 =	vadd.s32 v1, v4;
	_ =	sdelay $0x4  }
0x34: {  	[tilespmem:s31], [sflag:$0x1] =	stream.indirect_vreg.gather [hbm4b:s1+s3], $0x80, v4, vm0, $0xb8;
	[tilespmem:$0x10080] =	vst v63  }
0x35: {  	v3 =	vperm.xlane v3, v2  }
0x36: {  	[tilespmem:s2], [sflag:$0x1] =	stream.indirect_vreg.gather [hbm4b:s4+s3], $0x80, v4, vm0, $0xb8;
	[tilespmem:$0x10080] =	vst v63  }
0x37: {  	v3 =	vadd.s32 v1, v3  }
0x38: {  	[tilespmem:s9], [sflag:$0x1] =	stream.indirect_vreg.gather [hbm4b:s5+s3], $0x80, v4, vm0, $0xb8;
	[tilespmem:$0x10080] =	vst v63  }
0x39: {  	_ = 	snop  }
0x3a: {  	[tilespmem:s10], [sflag:$0x1] =	stream.indirect_vreg.gather [hbm4b:s6+s3], $0x80, v4, vm0, $0xb8;
	[tilespmem:$0x10080] =	vst v63  }
0x3b: {  	_ = 	snop  }
0x3c: {  	[tilespmem:s11], [sflag:$0x1] =	stream.indirect_vreg.gather [hbm4b:s1+s3], $0x80, v3, vm0, $0xb8;
	[tilespmem:$0x10080] =	vst v63  }
0x3d: {  	_ = 	snop  }
0x3e: {  	[tilespmem:s12], [sflag:$0x1] =	stream.indirect_vreg.gather [hbm4b:s4+s3], $0x80, v3, vm0, $0xb8;
	[tilespmem:$0x10080] =	vst v63  }
0x3f: {  	_ = 	snop  }
0x40: {  	[tilespmem:s13], [sflag:$0x1] =	stream.indirect_vreg.gather [hbm4b:s5+s3], $0x80, v3, vm0, $0xb8;
	[tilespmem:$0x10080] =	vst v63  }
0x41: {  	s0 =	simm.s32 $0x1  }
0x42: {  	[tilespmem:s14], [sflag:$0x1] =	stream.indirect_vreg.gather [hbm4b:s6+s3], $0x80, v3, vm0, $0xb8;
	[tilespmem:$0x10080] =	vst v63  }
0x43: {  	_ =	swait.ge [sflag:s0], $0x8000  }
0x44: {  	[sflag:s0] =	ssyncset.done $0x0  }
0x45: {  	[sflag:s0] =	ssyncadd.s32 $0xFFFF8000  }
0x46: {  	v3 =	vld [tilespmem:$0x20];
	_ =	sdelay $0x4  }
0x47: {  	v58 =	vshll.u32 v3, $0x3  }
0x48: {  	v3 =	vand.u32 $0x7, v3;
	v4 =	vand.u32 $0xFFFFFFC0, v58  }
0x49: {  	v3 =	vor.u32 v3, v4  }
0x4a: {  	v4 =	vperm.xlane v3, v0;
	_ =	sdelay $0x1  }
0x4b: {  	v4 =	vadd.s32 v1, v4;
	_ =	sdelay $0x4  }
0x4c: {  	[tilespmem:s25], [sflag:$0x2] =	stream.indirect_vreg.gather [hbm4b:s1+s3], $0x80, v4, vm0, $0xb8;
	[tilespmem:$0x10080] =	vst v63  }
0x4d: {  	s15 =	simm.s32 $0x8880;
	v3 =	vperm.xlane v3, v2  }
0x4e: {  	[tilespmem:s15], [sflag:$0x2] =	stream.indirect_vreg.gather [hbm4b:s4+s3], $0x80, v4, vm0, $0xb8;
	[tilespmem:$0x10080] =	vst v63  }
0x4f: {  	v3 =	vadd.s32 v1, v3  }
0x50: {  	[tilespmem:s16], [sflag:$0x2] =	stream.indirect_vreg.gather [hbm4b:s5+s3], $0x80, v4, vm0, $0xb8;
	[tilespmem:$0x10080] =	vst v63  }
0x51: {  	_ = 	snop  }
0x52: {  	[tilespmem:s17], [sflag:$0x2] =	stream.indirect_vreg.gather [hbm4b:s6+s3], $0x80, v4, vm0, $0xb8;
	[tilespmem:$0x10080] =	vst v63  }
0x53: {  	_ = 	snop  }
0x54: {  	[tilespmem:s18], [sflag:$0x2] =	stream.indirect_vreg.gather [hbm4b:s1+s3], $0x80, v3, vm0, $0xb8;
	[tilespmem:$0x10080] =	vst v63  }
0x55: {  	s15 =	simm.s32 $0xA880  }
0x56: {  	[tilespmem:s15], [sflag:$0x2] =	stream.indirect_vreg.gather [hbm4b:s4+s3], $0x80, v3, vm0, $0xb8;
	[tilespmem:$0x10080] =	vst v63  }
0x57: {  	s15 =	simm.s32 $0xB080  }
0x58: {  	[tilespmem:s15], [sflag:$0x2] =	stream.indirect_vreg.gather [hbm4b:s5+s3], $0x80, v3, vm0, $0xb8;
	[tilespmem:$0x10080] =	vst v63  }
0x59: {  	s15 =	simm.s32 $0xB880  }
0x5a: {  	[tilespmem:s15], [sflag:$0x2] =	stream.indirect_vreg.gather [hbm4b:s6+s3], $0x80, v3, vm0, $0xb8;
	[tilespmem:$0x10080] =	vst v63  }
0x5b: {  	v3 =	vld [tilespmem:$0x30];
	_ =	sdelay $0x4  }
0x5c: {  	v59 =	vshll.u32 v3, $0x3  }
0x5d: {  	v3 =	vand.u32 $0x7, v3;
	v4 =	vand.u32 $0xFFFFFFC0, v59  }
0x5e: {  	v3 =	vor.u32 v3, v4  }
0x5f: {  	v4 =	vperm.xlane v3, v0;
	_ =	sdelay $0x1  }
0x60: {  	v4 =	vadd.s32 v1, v4;
	_ =	sdelay $0x3  }
0x61: {  	s15 =	simm.s32 $0xC080  }
0x62: {  	[tilespmem:s15], [sflag:$0x2] =	stream.indirect_vreg.gather [hbm4b:s1+s3], $0x80, v4, vm0, $0xb8;
	[tilespmem:$0x10080] =	vst v63  }
0x63: {  	v3 =	vperm.xlane v3, v2;
	s15 =	simm.s32 $0xC880  }
0x64: {  	[tilespmem:s15], [sflag:$0x2] =	stream.indirect_vreg.gather [hbm4b:s4+s3], $0x80, v4, vm0, $0xb8;
	[tilespmem:$0x10080] =	vst v63  }
0x65: {  	v3 =	vadd.s32 v1, v3;
	s15 =	simm.s32 $0xD080  }
0x66: {  	[tilespmem:s15], [sflag:$0x2] =	stream.indirect_vreg.gather [hbm4b:s5+s3], $0x80, v4, vm0, $0xb8;
	[tilespmem:$0x10080] =	vst v63  }
0x67: {  	s15 =	simm.s32 $0xD880  }
0x68: {  	[tilespmem:s15], [sflag:$0x2] =	stream.indirect_vreg.gather [hbm4b:s6+s3], $0x80, v4, vm0, $0xb8;
	[tilespmem:$0x10080] =	vst v63  }
0x69: {  	s15 =	simm.s32 $0xE080  }
0x6a: {  	[tilespmem:s15], [sflag:$0x2] =	stream.indirect_vreg.gather [hbm4b:s1+s3], $0x80, v3, vm0, $0xb8;
	[tilespmem:$0x10080] =	vst v63  }
0x6b: {  	s15 =	simm.s32 $0xE880  }
0x6c: {  	[tilespmem:s15], [sflag:$0x2] =	stream.indirect_vreg.gather [hbm4b:s4+s3], $0x80, v3, vm0, $0xb8;
	[tilespmem:$0x10080] =	vst v63  }
0x6d: {  	s15 =	simm.s32 $0xF080  }
0x6e: {  	[tilespmem:s15], [sflag:$0x2] =	stream.indirect_vreg.gather [hbm4b:s5+s3], $0x80, v3, vm0, $0xb8;
	[tilespmem:$0x10080] =	vst v63  }
0x6f: {  	s15 =	simm.s32 $0xF880  }
0x70: {  	[tilespmem:s15], [sflag:$0x2] =	stream.indirect_vreg.gather [hbm4b:s6+s3], $0x80, v3, vm0, $0xb8;
	[tilespmem:$0x10080] =	vst v63  }
0x71: {  	s20 =	rddreg [dreg:$0x5]  }
0x72: {  	[hbm4b:s20+s3] =	stream.linear.scatter [tilespmem:s26], [sflag:$0x3], $0x8000, $0x38;
	[tilespmem:$0x10080] =	vst v63  }
0x73: {  	_ =	swait.ge [sflag:s8], $0x8000  }
0x74: {  	[sflag:s8] =	ssyncset.done $0x0  }
0x75: {  	[sflag:s8] =	ssyncadd.s32 $0xFFFF8000  }
0x76: {  	_ =	swait.ge [sflag:s19], $0x8000  }
0x77: {  	[sflag:s19] =	ssyncset.done $0x0  }
0x78: {  	[sflag:s19] =	ssyncadd.s32 $0xFFFF8000  }
0x79: {  	v3 =	vld [tilespmem:$0x40];
	_ =	sdelay $0x4  }
0x7a: {  	v60 =	vshll.u32 v3, $0x3  }
0x7b: {  	v3 =	vand.u32 $0x7, v3;
	v4 =	vand.u32 $0xFFFFFFC0, v60  }
0x7c: {  	v3 =	vor.u32 v3, v4  }
0x7d: {  	v4 =	vperm.xlane v3, v0;
	_ =	sdelay $0x1  }
0x7e: {  	v4 =	vadd.s32 v1, v4;
	_ =	sdelay $0x4  }
0x7f: {  	[tilespmem:s26], [sflag:$0x1] =	stream.indirect_vreg.gather [hbm4b:s1+s3], $0x80, v4, vm0, $0xb8;
	[tilespmem:$0x10080] =	vst v63  }
0x80: {  	v3 =	vperm.xlane v3, v2  }
0x81: {  	[tilespmem:s21], [sflag:$0x1] =	stream.indirect_vreg.gather [hbm4b:s4+s3], $0x80, v4, vm0, $0xb8;
	[tilespmem:$0x10080] =	vst v63  }
0x82: {  	v3 =	vadd.s32 v1, v3  }
0x83: {  	[tilespmem:s22], [sflag:$0x1] =	stream.indirect_vreg.gather [hbm4b:s5+s3], $0x80, v4, vm0, $0xb8;
	[tilespmem:$0x10080] =	vst v63  }
0x84: {  	_ = 	snop  }
0x85: {  	[tilespmem:s23], [sflag:$0x1] =	stream.indirect_vreg.gather [hbm4b:s6+s3], $0x80, v4, vm0, $0xb8;
	[tilespmem:$0x10080] =	vst v63  }
0x86: {  	_ = 	snop  }
0x87: {  	[tilespmem:s24], [sflag:$0x1] =	stream.indirect_vreg.gather [hbm4b:s1+s3], $0x80, v3, vm0, $0xb8;
	[tilespmem:$0x10080] =	vst v63  }
0x88: {  	_ = 	snop  }
0x89: {  	[tilespmem:s28], [sflag:$0x1] =	stream.indirect_vreg.gather [hbm4b:s4+s3], $0x80, v3, vm0, $0xb8;
	[tilespmem:$0x10080] =	vst v63  }
0x8a: {  	_ = 	snop  }
0x8b: {  	[tilespmem:s29], [sflag:$0x1] =	stream.indirect_vreg.gather [hbm4b:s5+s3], $0x80, v3, vm0, $0xb8;
	[tilespmem:$0x10080] =	vst v63  }
0x8c: {  	_ = 	snop  }
0x8d: {  	[tilespmem:s30], [sflag:$0x1] =	stream.indirect_vreg.gather [hbm4b:s6+s3], $0x80, v3, vm0, $0xb8;
	[tilespmem:$0x10080] =	vst v63  }
0x8e: {  	v3 =	vld [tilespmem:$0x50];
	_ =	sdelay $0x4  }
0x8f: {  	v61 =	vshll.u32 v3, $0x3  }
0x90: {  	v3 =	vand.u32 $0x7, v3;
	v4 =	vand.u32 $0xFFFFFFC0, v61  }
0x91: {  	v3 =	vor.u32 v3, v4  }
0x92: {  	v4 =	vperm.xlane v3, v0;
	_ =	sdelay $0x1  }
0x93: {  	v4 =	vadd.s32 v1, v4;
	_ =	sdelay $0x4  }
0x94: {  	[tilespmem:s31], [sflag:$0x1] =	stream.indirect_vreg.gather [hbm4b:s1+s3], $0x80, v4, vm0, $0xb8;
	[tilespmem:$0x10080] =	vst v63  }
0x95: {  	v3 =	vperm.xlane v3, v2  }
0x96: {  	[tilespmem:s2], [sflag:$0x1] =	stream.indirect_vreg.gather [hbm4b:s4+s3], $0x80, v4, vm0, $0xb8;
	[tilespmem:$0x10080] =	vst v63  }
0x97: {  	v3 =	vadd.s32 v1, v3  }
0x98: {  	[tilespmem:s9], [sflag:$0x1] =	stream.indirect_vreg.gather [hbm4b:s5+s3], $0x80, v4, vm0, $0xb8;
	[tilespmem:$0x10080] =	vst v63  }
0x99: {  	_ = 	snop  }
0x9a: {  	[tilespmem:s10], [sflag:$0x1] =	stream.indirect_vreg.gather [hbm4b:s6+s3], $0x80, v4, vm0, $0xb8;
	[tilespmem:$0x10080] =	vst v63  }
0x9b: {  	_ = 	snop  }
0x9c: {  	[tilespmem:s11], [sflag:$0x1] =	stream.indirect_vreg.gather [hbm4b:s1+s3], $0x80, v3, vm0, $0xb8;
	[tilespmem:$0x10080] =	vst v63  }
0x9d: {  	_ = 	snop  }
0x9e: {  	[tilespmem:s12], [sflag:$0x1] =	stream.indirect_vreg.gather [hbm4b:s4+s3], $0x80, v3, vm0, $0xb8;
	[tilespmem:$0x10080] =	vst v63  }
0x9f: {  	_ = 	snop  }
0xa0: {  	[tilespmem:s13], [sflag:$0x1] =	stream.indirect_vreg.gather [hbm4b:s5+s3], $0x80, v3, vm0, $0xb8;
	[tilespmem:$0x10080] =	vst v63  }
0xa1: {  	_ = 	snop  }
0xa2: {  	[tilespmem:s14], [sflag:$0x1] =	stream.indirect_vreg.gather [hbm4b:s6+s3], $0x80, v3, vm0, $0xb8;
	[tilespmem:$0x10080] =	vst v63  }
0xa3: {  	s20 =	rddreg [dreg:$0x6]  }
0xa4: {  	[hbm4b:s20+s3] =	stream.linear.scatter [tilespmem:s25], [sflag:$0x3], $0x8000, $0x38;
	[tilespmem:$0x10080] =	vst v63  }
0xa5: {  	_ =	swait.ge [sflag:s8], $0x8000  }
0xa6: {  	[sflag:s8] =	ssyncset.done $0x0  }
0xa7: {  	[sflag:s8] =	ssyncadd.s32 $0xFFFF8000  }
0xa8: {  	_ =	swait.ge [sflag:s0], $0x8000  }
0xa9: {  	[sflag:s0] =	ssyncset.done $0x0  }
0xaa: {  	[sflag:s0] =	ssyncadd.s32 $0xFFFF8000  }
0xab: {  	v3 =	vld [tilespmem:$0x60];
	_ =	sdelay $0x4  }
0xac: {  	v62 =	vshll.u32 v3, $0x3  }
0xad: {  	v3 =	vand.u32 $0x7, v3;
	v4 =	vand.u32 $0xFFFFFFC0, v62  }
0xae: {  	v3 =	vor.u32 v3, v4  }
0xaf: {  	v4 =	vperm.xlane v3, v0;
	_ =	sdelay $0x1  }
0xb0: {  	v4 =	vadd.s32 v1, v4;
	_ =	sdelay $0x4  }
0xb1: {  	[tilespmem:s25], [sflag:$0x2] =	stream.indirect_vreg.gather [hbm4b:s1+s3], $0x80, v4, vm0, $0xb8;
	[tilespmem:$0x10080] =	vst v63  }
0xb2: {  	s20 =	simm.s32 $0x8880;
	v3 =	vperm.xlane v3, v2  }
0xb3: {  	[tilespmem:s20], [sflag:$0x2] =	stream.indirect_vreg.gather [hbm4b:s4+s3], $0x80, v4, vm0, $0xb8;
	[tilespmem:$0x10080] =	vst v63  }
0xb4: {  	v3 =	vadd.s32 v1, v3  }
0xb5: {  	[tilespmem:s16], [sflag:$0x2] =	stream.indirect_vreg.gather [hbm4b:s5+s3], $0x80, v4, vm0, $0xb8;
	[tilespmem:$0x10080] =	vst v63  }
0xb6: {  	_ = 	snop  }
0xb7: {  	[tilespmem:s17], [sflag:$0x2] =	stream.indirect_vreg.gather [hbm4b:s6+s3], $0x80, v4, vm0, $0xb8;
	[tilespmem:$0x10080] =	vst v63  }
0xb8: {  	_ = 	snop  }
0xb9: {  	[tilespmem:s18], [sflag:$0x2] =	stream.indirect_vreg.gather [hbm4b:s1+s3], $0x80, v3, vm0, $0xb8;
	[tilespmem:$0x10080] =	vst v63  }
0xba: {  	s20 =	simm.s32 $0xA880  }
0xbb: {  	[tilespmem:s20], [sflag:$0x2] =	stream.indirect_vreg.gather [hbm4b:s4+s3], $0x80, v3, vm0, $0xb8;
	[tilespmem:$0x10080] =	vst v63  }
0xbc: {  	s20 =	simm.s32 $0xB080  }
0xbd: {  	[tilespmem:s20], [sflag:$0x2] =	stream.indirect_vreg.gather [hbm4b:s5+s3], $0x80, v3, vm0, $0xb8;
	[tilespmem:$0x10080] =	vst v63  }
0xbe: {  	s20 =	simm.s32 $0xB880  }
0xbf: {  	[tilespmem:s20], [sflag:$0x2] =	stream.indirect_vreg.gather [hbm4b:s6+s3], $0x80, v3, vm0, $0xb8;
	[tilespmem:$0x10080] =	vst v63  }
0xc0: {  	v3 =	vld [tilespmem:$0x70];
	_ =	sdelay $0x4  }
0xc1: {  	v63 =	vshll.u32 v3, $0x3  }
0xc2: {  	v3 =	vand.u32 $0x7, v3;
	v4 =	vand.u32 $0xFFFFFFC0, v63  }
0xc3: {  	v3 =	vor.u32 v3, v4  }
0xc4: {  	v4 =	vperm.xlane v3, v0;
	_ =	sdelay $0x1  }
0xc5: {  	v4 =	vadd.s32 v1, v4;
	_ =	sdelay $0x3  }
0xc6: {  	s20 =	simm.s32 $0xC080  }
0xc7: {  	[tilespmem:s20], [sflag:$0x2] =	stream.indirect_vreg.gather [hbm4b:s1+s3], $0x80, v4, vm0, $0xb8;
	[tilespmem:$0x10080] =	vst v63  }
0xc8: {  	v3 =	vperm.xlane v3, v2;
	s20 =	simm.s32 $0xC880  }
0xc9: {  	[tilespmem:s20], [sflag:$0x2] =	stream.indirect_vreg.gather [hbm4b:s4+s3], $0x80, v4, vm0, $0xb8;
	[tilespmem:$0x10080] =	vst v63  }
0xca: {  	v3 =	vadd.s32 v1, v3;
	s20 =	simm.s32 $0xD080  }
0xcb: {  	[tilespmem:s20], [sflag:$0x2] =	stream.indirect_vreg.gather [hbm4b:s5+s3], $0x80, v4, vm0, $0xb8;
	[tilespmem:$0x10080] =	vst v63  }
0xcc: {  	s20 =	simm.s32 $0xD880  }
0xcd: {  	[tilespmem:s20], [sflag:$0x2] =	stream.indirect_vreg.gather [hbm4b:s6+s3], $0x80, v4, vm0, $0xb8;
	[tilespmem:$0x10080] =	vst v63  }
0xce: {  	s20 =	simm.s32 $0xE080  }
0xcf: {  	[tilespmem:s20], [sflag:$0x2] =	stream.indirect_vreg.gather [hbm4b:s1+s3], $0x80, v3, vm0, $0xb8;
	[tilespmem:$0x10080] =	vst v63  }
0xd0: {  	s20 =	simm.s32 $0xE880  }
0xd1: {  	[tilespmem:s20], [sflag:$0x2] =	stream.indirect_vreg.gather [hbm4b:s4+s3], $0x80, v3, vm0, $0xb8;
	[tilespmem:$0x10080] =	vst v63  }
0xd2: {  	s20 =	simm.s32 $0xF080  }
0xd3: {  	[tilespmem:s20], [sflag:$0x2] =	stream.indirect_vreg.gather [hbm4b:s5+s3], $0x80, v3, vm0, $0xb8;
	[tilespmem:$0x10080] =	vst v63  }
0xd4: {  	s15 =	simm.s32 $0xF880  }
0xd5: {  	[tilespmem:s15], [sflag:$0x2] =	stream.indirect_vreg.gather [hbm4b:s6+s3], $0x80, v3, vm0, $0xb8;
	[tilespmem:$0x10080] =	vst v63  }
0xd6: {  	s0 =	rddreg [dreg:$0x7]  }
0xd7: {  	[hbm4b:s0+s3] =	stream.linear.scatter [tilespmem:s26], [sflag:$0x3], $0x8000, $0x38;
	[tilespmem:$0x10080] =	vst v63  }
0xd8: {  	_ =	swait.ge [sflag:s8], $0x8000  }
0xd9: {  	[sflag:s8] =	ssyncset.done $0x0  }
0xda: {  	[sflag:s8] =	ssyncadd.s32 $0xFFFF8000  }
0xdb: {  	_ =	swait.ge [sflag:s19], $0x8000  }
0xdc: {  	p0 =	sne.s32 s7, $0x1;
	[sflag:s19] =	ssyncset.done $0x0  }
.Ltmp0:
0xdd: {  	s15 =	rddreg [dreg:$0x8];
	[sflag:s19] =	ssyncadd.s32 $0xFFFF8000;
	(pc) =	sbr.rel @p0 .LBB2_1-.Ltmp0, $4  }
0xde: {  	[hbm4b:s15+s3] =	stream.linear.scatter [tilespmem:s25], [sflag:$0x3], $0x8000, $0x38;
	[tilespmem:$0x10080] =	vst v63  }
0xdf: {  	_ =	swait.ge [sflag:s8], $0x8000  }
0xe0: {  	[sflag:s8] =	ssyncset.done $0x0  }
0xe1: {  	s7 =	sadd.s32 $0xFFFFFFFF, s7;
	[sflag:s8] =	ssyncadd.s32 $0xFFFF8000  }
0xe2: {  	_ =	sfence.sel $0x180000  }
0xe3: {  	[bflag:$0x0] =	sbarrier.arrive $0xFFFF  }
0xe4: {  	_ =	strace $0x90000047  }
0xe5: {  	s0 =	stileid.u32;
	[bflag:$0x2] =	sbarrier.arrive $0xFFFF  }
0xe6: {  	p0 =	sne.s32 s0, $0x0;
	s0 =	rddreg [dreg:$0x3]  }
0xe7: {  	s0 =	sadd.s32 @!p0 $0x100000, s0  }
0xe8: {  	[sflag:s0] =	ssyncadd.tile.s32 @!p0 $0x1;
	_ =	shalt  }
.Lfunc_end2:
_tile_overlayer_lowered:
.L_overlay_start_2:
0xe9: {  	(tag) =	ssettag $0x2  }
0xea: {  	s0 =	rddreg [dreg:$0x0];
	s2 =	stileid.u32  }
0xeb: {  	s1 =	rddreg [dreg:$0x1];
	p0 =	sne.s32 s2, $0x0  }
0xec: {  	s3 =	rddreg [dreg:$0x2];
	[bflag:$0x3] =	sbarrier.arrive $0xFFFF;
	s2 =	simm.s32 @!p0 $0x1C03  }
0xed: {  	[timem:s3], [sflag:s2] =	dma.local @!p0 [hbm:s0], s1  }
0xee: {  	s0 =	simm.s32 @!p0 $0x3  }
0xef: {  	_ =	swait.ge @!p0 [sflag:s0], s1  }
0xf0: {  	s1 =	ssub.s32 @!p0 $0x0, s1;
	[sflag:s0] =	ssyncset.done @!p0 $0x0  }
0xf1: {  	[sflag:s0] =	ssyncadd.s32 @!p0 s1  }
0xf2: {  	[bflag:$0x3] =	sbarrier.arrive $0xFFFF  }
0xf3: {  	_ =	shalt  }

// kernel: kernel.14.cloned.1.call-start
scs
__scs_entry_jumppad:
0x0: {  	(pc) =	sbr.rel $0x88, $3  }
0x1: {  	(tag) =	ssettag $0x0;
	lr =	simm.s32 $0x1  }
0x2: {  	[smem:$0x3F9B] =	sst lr;
	_ =	strace $0xD0000000  }
0x3: {  	_ = 	snop  }
0x4: {  	_ = 	snop  }
0x5: {  	_ = 	snop  }
0x6: {  	_ = 	snop  }
0x7: {  	_ = 	snop  }
__scs_overlays_trampoline_lowered:
0x8: {  	[smem:$0x3FAA] =	sst s0  }
0x9: {  	[smem:$0x3FAB] =	sst s1  }
0xa: {  	[smem:$0x3FAC] =	sst s2  }
0xb: {  	[smem:$0x3FAD] =	sst s3  }
0xc: {  	[smem:$0x3FAE] =	sst s4  }
0xd: {  	[smem:$0x3FAF] =	sst s5  }
0xe: {  	[smem:$0x3FB0] =	sst s6  }
0xf: {  	[smem:$0x3FB1] =	sst s7  }
0x10: {  	[smem:$0x3FB2] =	sst s8  }
0x11: {  	[smem:$0x3FB3] =	sst s9;
	s0 =	simm.s32 @!p0 $0x0  }
0x12: {  	s1 =	sld [smem:$0x3F99];
	s0 =	simm.s32 @p0 $0x1  }
0x13: {  	[smem:$0x3FB4] =	sst s0;
	s0 =	simm.s32 @!p1 $0x0  }
0x14: {  	s2 =	sld [smem:$0x3F98];
	s0 =	simm.s32 @p1 $0x1  }
0x15: {  	[smem:$0x3FB5] =	sst s0;
	s0 =	simm.s32 @!p2 $0x0  }
0x16: {  	s3 =	sld [smem:$0x3FDB];
	s0 =	simm.s32 @p2 $0x1  }
0x17: {  	s4 =	simm.s32 $0x1BF5;
	[smem:$0x3FB7] =	sst s0  }
0x18: {  	s0 =	sld [smem:$0x3F9A];
	_ =	swait.ge [sflag:s4], $0x0  }
0x19: {  	s7 =	sld [smem:$0x3F9B]  }
0x1a: {  	s8 =	sadd.s32 $0xFFFFE003, lr  }
0x1b: {  	s9 =	sadd.s32 $0xFFFFFEF7, lr;
	s5 =	simm.s32 $0xFFFFFFFF;
	p2 =	slt.u32 s8, $0xFFFFF086  }
0x1c: {  	p1 =	slt.u32 s9, $0xF7A;
	s5 =	simm.s32 @!p2 $0x0  }
0x1d: {  	s5 =	simm.s32 @p1 $0x1;
	p0 =	seq.s32 s7, s2  }
0x1e: {  	s7 =	smul.u32 @!p0 $0xF7A, s2;
	p2 =	seq.s32 @!p0 s5, $0x0  }
0x1f: {  	s9 =	smul.u32 $0xF7A, s1;
	s8 =	simm.s32 @!p0 $0x1BF5;
	p2 =	por !p2, p0  }
0x20: {  	[sflag:s8] =	ssyncset.s32 @!p0 $0xFFFFF086;
	s6 =	sadd.s32 @!p0 s3, s7;
	s7 =	simm.s32 @!p0 $0x108  }
0x21: {  	s3 =	sadd.s32 s3, s9;
	s6 =	sadd.s32 @!p0 $0x88, s6;
	s7 =	simm.s32 @p2 $0x1082  }
0x22: {  	[simem:s7], [sflag:s8] =	dma.local @!p0 [hbm:s6], $0xF7A  }
0x23: {  	s9 =	sor.u32 $0xD0000000, s2;
	s6 =	simm.s32 $0x108;
	_ =	swait.ge @!p0 [sflag:s8], $0x0  }
0x24: {  	s3 =	sadd.s32 $0x88, s3;
	s6 =	simm.s32 @!p1 $0x1082;
	[sflag:s4] =	ssyncset.s32 $0xFFFFF086  }
0x25: {  	[simem:s6], [sflag:s4] =	dma.local [hbm:s3], $0xF7A  }
0x26: {  	[smem:$0x3F9B] =	sst s1;
	(tag) =	ssettag s2;
	_ =	strace s9  }
0x27: {  	s1 =	sld [smem:$0x3FAB]  }
0x28: {  	s2 =	sld [smem:$0x3FAC]  }
0x29: {  	s4 =	sld [smem:$0x3FAE]  }
0x2a: {  	p0 =	seq.s32 s5, $0x0;
	s5 =	sld [smem:$0x3FAF]  }
0x2b: {  	s6 =	sld [smem:$0x3FB0]  }
0x2c: {  	s7 =	sld [smem:$0x3FB1]  }
0x2d: {  	s3 =	simm.s32 $0x108;
	s8 =	sld [smem:$0x3FB2]  }
0x2e: {  	s3 =	simm.s32 @!p0 $0x1082;
	s9 =	sld [smem:$0x3FB3]  }
0x2f: {  	lr =	sadd.s32 s0, s3;
	s0 =	sld [smem:$0x3FAA]  }
0x30: {  	s3 =	sld [smem:$0x3FAD]  }
0x31: {  	[smem:$0x3FB6] =	sst s10  }
0x32: {  	s10 =	sld [smem:$0x3FB4];
	_ =	sdelay $0x3  }
0x33: {  	p0 =	seq.s32 s10, $0x1;
	s10 =	sld [smem:$0x3FB6];
	_ =	sdelay $0x3  }
0x34: {  	[smem:$0x3FB6] =	sst s10  }
0x35: {  	s10 =	sld [smem:$0x3FB5];
	_ =	sdelay $0x3  }
0x36: {  	p1 =	seq.s32 s10, $0x1;
	s10 =	sld [smem:$0x3FB6];
	_ =	sdelay $0x3  }
0x37: {  	[smem:$0x3FB6] =	sst s10  }
0x38: {  	s10 =	sld [smem:$0x3FB7]  }
0x39: {  	_ = 	snop;
	(pc) =	sbr.ind lr, $3  }
0x3a: {  	_ = 	snop  }
0x3b: {  	_ = 	snop  }
0x3c: {  	p2 =	seq.s32 s10, $0x1;
	s10 =	sld [smem:$0x3FB6]  }
0x3d: {  	_ =	shalt  }
0x3e: {  	_ =	shalt  }
0x3f: {  	_ =	shalt  }
0x40: {  	_ =	shalt  }
0x41: {  	_ =	shalt  }
0x42: {  	_ =	shalt  }
0x43: {  	_ =	shalt  }
0x44: {  	_ =	shalt  }
0x45: {  	_ =	shalt  }
0x46: {  	_ =	shalt  }
0x47: {  	_ =	shalt  }
0x48: {  	_ =	shalt  }
0x49: {  	_ =	shalt  }
0x4a: {  	_ =	shalt  }
0x4b: {  	_ =	shalt  }
0x4c: {  	_ =	shalt  }
0x4d: {  	_ =	shalt  }
0x4e: {  	_ =	shalt  }
0x4f: {  	_ =	shalt  }
0x50: {  	_ =	shalt  }
0x51: {  	_ =	shalt  }
0x52: {  	_ =	shalt  }
0x53: {  	_ =	shalt  }
0x54: {  	_ =	shalt  }
0x55: {  	_ =	shalt  }
0x56: {  	_ =	shalt  }
0x57: {  	_ =	shalt  }
0x58: {  	_ =	shalt  }
0x59: {  	_ =	shalt  }
0x5a: {  	_ =	shalt  }
0x5b: {  	_ =	shalt  }
0x5c: {  	_ =	shalt  }
0x5d: {  	_ =	shalt  }
0x5e: {  	_ =	shalt  }
0x5f: {  	_ =	shalt  }
0x60: {  	_ =	shalt  }
0x61: {  	_ =	shalt  }
0x62: {  	_ =	shalt  }
0x63: {  	_ =	shalt  }
0x64: {  	_ =	shalt  }
0x65: {  	_ =	shalt  }
0x66: {  	_ =	shalt  }
0x67: {  	_ =	shalt  }
0x68: {  	_ =	shalt  }
0x69: {  	_ =	shalt  }
0x6a: {  	_ =	shalt  }
0x6b: {  	_ =	shalt  }
0x6c: {  	_ =	shalt  }
0x6d: {  	_ =	shalt  }
0x6e: {  	_ =	shalt  }
0x6f: {  	_ =	shalt  }
0x70: {  	_ =	shalt  }
0x71: {  	_ =	shalt  }
0x72: {  	_ =	shalt  }
0x73: {  	_ =	shalt  }
0x74: {  	_ =	shalt  }
0x75: {  	_ =	shalt  }
0x76: {  	_ =	shalt  }
0x77: {  	_ =	shalt  }
0x78: {  	_ =	shalt  }
0x79: {  	_ =	shalt  }
0x7a: {  	_ =	shalt  }
0x7b: {  	_ =	shalt  }
0x7c: {  	_ =	shalt  }
0x7d: {  	_ =	shalt  }
0x7e: {  	_ =	shalt  }
0x7f: {  	_ =	shalt  }
0x80: {  	_ =	shalt  }
0x81: {  	_ =	shalt  }
0x82: {  	_ =	shalt  }
0x83: {  	_ =	shalt  }
0x84: {  	_ =	shalt  }
0x85: {  	_ =	shalt  }
0x86: {  	_ =	shalt  }
0x87: {  	_ =	shalt  }
.Lfunc_end0:
.L_simem_size_0:
called_computation.1_lowered:
.L_overlay_start_0:
0x88: {  	s2 =	sld [smem:$0x3FD9]  }
0x89: {  	s3 =	sld [smem:$0x3FFE];
	_ =	sdelay $0x1  }
0x8a: {  	s1 =	srdreg.scid  }
0x8b: {  	s0 =	sand.u32 $0x1, s1  }
0x8c: {  	s14 =	sshll.u32 s0, $0xA;
	s2 =	sadd.s32 s3, s2  }
0x8d: {  	s2 =	sadd.s32 s2, s14  }
0x8e: {  	[smem:$0x3FC2] =	sst s2  }
0x8f: {  	_ = 	snop  }
0x90: {  	s2 =	sld [smem:$0x3FD0];
	_ =	sdelay $0x2  }
0x91: {  	s4 =	simm.s32 $0xA;
	s5 =	simm.s32 $0x10;
	s15 =	sld [smem:$0x3FC6]  }
0x92: {  	[smem:s5], [sflag:s4] =	dma.local [hbm:s2], $0x1  }
0x93: {  	_ =	swait.eq [sflag:s4], $0x1  }
0x94: {  	[sflag:s4] =	ssyncset.done $0x0  }
0x95: {  	[sflag:s4] =	ssyncadd.s32 $0xFFFFFFFF  }
0x96: {  	s16 =	sld [smem:$0x11];
	(tm) =	ssettm $0x1  }
0x97: {  	s17 =	sld [smem:$0x3FFB];
	_ =	sdelay $0x3  }
0x98: {  	_ =	strace s17  }
0x99: {  	s4 =	sld [smem:$0x3FFC];
	_ =	sdelay $0x3  }
0x9a: {  	_ =	strace s4  }
0x9b: {  	s4 =	sld [smem:$0x3FFD];
	_ =	sdelay $0x3  }
0x9c: {  	_ =	strace s4  }
0x9d: {  	_ =	strace $0x8FFFFFFF  }
0x9e: {  	s18 =	sld [smem:$0x3FDB];
	_ =	sdelay $0x1  }
0x9f: {  	s19 =	simm.s32 $_scs_section_size  }
0xa0: {  	s6 =	simm.s32 $_size__tile_overlayer_lowered;
	s7 =	simm.s32 $_tile_overlayer_lowered  }
0xa1: {  	s22 =	simm.s32 $0x1BFF;
	s21 =	sshll.u32 s7, $0x1;
	s4 =	sadd.s32 s19, s18  }
0xa2: {  	s8 =	simm.s32 $0x0;
	s20 =	sshll.u32 s6, $0x1;
	s6 =	sadd.s32 s21, s4  }
0xa3: {  	[timem:s8], [sflag:s22] =	dma.local [hbm:s6], s20  }
0xa4: {  	_ =	swait.ge [sflag:s22], s20  }
0xa5: {  	s5 =	ssub.s32 $0x0, s20;
	[sflag:s22] =	ssyncset.done $0x0  }
0xa6: {  	[sflag:s22] =	ssyncadd.s32 s5;
	_ =	sdelay $0x1  }
0xa7: {  	s23 =	simm.s32 $0x1B8B  }
0xa8: {  	_ =	swait.ge [sflag:s23], $0x1  }
0xa9: {  	[sflag:s23] =	ssyncset.done $0x0  }
0xaa: {  	s25 =	simm.s32 $0x1B8E;
	s24 =	sld [smem:$0x3FFE];
	[sflag:s23] =	ssyncadd.s32 $0xFFFFFFFF  }
0xab: {  	s26 =	simm.s32 $execute0_lowered;
	[smem:$0x3FD2] =	sst s25  }
0xac: {  	s6 =	sshll.u32 s26, $0x1;
	_ =	strace $0x80000049;
	[dreg:$0x1] =	wrdreg $0xFFFFFFFF  }
0xad: {  	s28 =	simm.s32 $_size_execute0_lowered;
	s4 =	sadd.s32 s4, s6;
	[dreg:$0x0] =	wrdreg $0x0  }
0xae: {  	s6 =	sshll.u32 s28, $0x1;
	[dreg:$0x2] =	wrdreg s4  }
0xaf: {  	[dreg:$0x3] =	wrdreg s6  }
0xb0: {  	[dreg:$0x4] =	wrdreg $0xC0  }
0xb1: {  	_ =	task [dreg:s8], $0x5FFFF  }
0xb2: {  	[dreg:$0x1] =	wrdreg $0xFFFFFFFF  }
0xb3: {  	[dreg:$0x0] =	wrdreg $0x60  }
0xb4: {  	[dreg:$0x2] =	wrdreg s15  }
0xb5: {  	[dreg:$0x3] =	wrdreg s24  }
0xb6: {  	[dreg:$0x4] =	wrdreg s16  }
0xb7: {  	[dreg:$0x5] =	wrdreg $0x9  }
0xb8: {  	_ =	task.clear_ibuf [dreg:s8], $0x6FFFF;
	_ =	strace $0x90000049  }
0xb9: {  	s29 =	simm.s32 $0x9;
	_ =	strace $0x8000004B  }
0xba: {  	_ =	swait.ge [sflag:s29], $0x1  }
0xbb: {  	[sflag:s29] =	ssyncadd.s32 $0xFFFFFFFF  }
0xbc: {  	_ =	strace $0x9000004B  }
0xbd: {  	_ =	sfence  }
0xbe: {  	s30 =	sld [smem:$0x0];
	_ =	sdelay $0x2  }
0xbf: {  	s31 =	sshll.u32 s1, $0xD;
	s1 =	sshrl.u32 s1, $0x2  }
0xc0: {  	s3 =	sand.u32 $0x4000, s31;
	s1 =	sadd.s32 s1, s30  }
0xc1: {  	s0 =	sor.u32 s3, s0;
	s1 =	sshll.u32 s1, $0x11  }
0xc2: {  	s0 =	sor.u32 s1, s0  }
0xc3: {  	s0 =	sadd.s32 $0x8F2B, s0  }
0xc4: {  	[sflag:s0] =	ssyncadd.remote.s32 $0x1  }
0xc5: {  	_ =	sfence.sel $0xFFFF  }
0xc6: {  	[dreg:$0x0] =	wrdreg $0xFFFFFFFF;
	(pc) =	sbr.abs _section_cstart, $3  }
0xc7: {  	[dreg:$0x1] =	wrdreg $0xFFFFFFFF  }
0xc8: {  	_ =	task.clear_ibuf [dreg:s8], $0x2FFFF;
	_ =	strace $0x9FFFFFFF  }
0xc9: {  	(tm) =	ssettm $0x7FFFFFFF  }
tec
execute0_lowered:
.L_overlay_start_1:
0x0: {  	(tag) =	ssettag $0x1  }
0x1: {  	s1 =	rddreg [dreg:$0x0]  }
0x2: {  	s0 =	srdreg.scid;
	s2 =	rddreg [dreg:$0x1]  }
0x3: {  	s3 =	stileid.u32;
	s4 =	rddreg [dreg:$0x2];
	s9 =	simm.s32 $0x3  }
0x4: {  	s20 =	simm.s32 $0x2;
	s28 =	simm.s32 $0x80;
	s29 =	simm.s32 $0x2880  }
0x5: {  	s30 =	simm.s32 $0x3080;
	s31 =	simm.s32 $0x3880;
	s11 =	simm.s32 $0x5080  }
0x6: {  	s12 =	simm.s32 $0x5880;
	s13 =	simm.s32 $0x6080;
	s14 =	simm.s32 $0x6880  }
0x7: {  	s15 =	simm.s32 $0x7080;
	s16 =	simm.s32 $0x7880;
	s17 =	simm.s32 $0x8880  }
0x8: {  	s18 =	simm.s32 $0x9080;
	s19 =	simm.s32 $0x9880;
	s0 =	sand.u32 $0x1, s0  }
0x9: {  	s5 =	sshll.u32 s3, $0x8;
	s3 =	simm.s32 $0x0;
	s7 =	sadd.s32 $0x300, s1  }
0xa: {  	s6 =	sshll.u32 s0, $0x7;
	[smem:$0x7FF] =	sst s3;
	s0 =	ssub.s32 $0x2, s0  }
0xb: {  	s5 =	sor.u32 s6, s5;
	_ =	strace $0x8000004A;
	s23 =	sshrl.u32 s0, $0x1  }
0xc: {  	s6 =	sshrl.u32 s5, $0x3;
	s5 =	sshll.u32 s5, $0x7;
	s0 =	ssub.s32 s0, s23  }
0xd: {  	s23 =	simm.s32 $0x1080;
	s2 =	sadd.s32 s6, s2;
	s22 =	sadd.s32 s4, s5  }
0xe: {  	s5 =	sadd.s32 $0x100, s1;
	s2 =	sadd.s32 $0x100E00, s2;
	[dreg:$0x8] =	wrdreg s22  }
0xf: {  	s6 =	sadd.s32 $0x200, s1;
	s24 =	sadd.s32 $0x1000, s22;
	[dreg:$0x4] =	wrdreg s2  }
0x10: {  	s8 =	smax.u32 s0, $0x1;
	s25 =	sadd.s32 $0x2000, s22;
	[dreg:$0x5] =	wrdreg s24  }
0x11: {  	v2 =	vlaneseq.u32;
	s4 =	simm.s32 $0x4880;
	s26 =	sadd.s32 $0x3000, s22;
	[dreg:$0x6] =	wrdreg s25  }
0x12: {  	vm0 =	vmmov $0xffff;
	v1 =	vshrl.u32 v2, $0x3;
	s22 =	simm.s32 $0x880;
	[dreg:$0x7] =	wrdreg s26;
	s24 =	simm.s32 $0x1880  }
0x13: {  	v0 =	vand.u32 $0x7, v2;
	v2 =	vor.u32 $0x8, v2;
	v1 =	vmul.u32 $0x8, v1;
	s25 =	simm.s32 $0x2080;
	s2 =	simm.s32 $0x4080;
	s26 =	simm.s32 $0x8080  }
.LBB2_1:
0x14: {  	s21 =	rddreg [dreg:$0x4]  }
0x15: {  	[tilespmem:s3], [sflag:$0x3] =	stream.linear.gather [hbm4b:s21+s3], $0x80, $0x38;
	[tilespmem:$0x10080] =	vst v63  }
0x16: {  	_ =	swait.ge [sflag:s9], $0x80  }
0x17: {  	[sflag:s9] =	ssyncset.done $0x0  }
0x18: {  	[sflag:s9] =	ssyncadd.s32 $0xFFFFFF80  }
0x19: {  	v3 =	vld [tilespmem:$0x0];
	_ =	sdelay $0x4  }
0x1a: {  	v4 =	vshll.u32 v3, $0x3  }
0x1b: {  	v3 =	vand.u32 $0x7, v3;
	v4 =	vand.u32 $0xFFFFFFC0, v4  }
0x1c: {  	v3 =	vor.u32 v3, v4  }
0x1d: {  	v4 =	vperm.xlane v3, v0;
	_ =	sdelay $0x1  }
0x1e: {  	v4 =	vadd.s32 v1, v4;
	_ =	sdelay $0x4  }
0x1f: {  	[tilespmem:s28], [sflag:$0x1] =	stream.indirect_vreg.gather [hbm4b:s1+s3], $0x80, v4, vm0, $0xb8;
	[tilespmem:$0x10080] =	vst v63  }
0x20: {  	v3 =	vperm.xlane v3, v2  }
0x21: {  	[tilespmem:s22], [sflag:$0x1] =	stream.indirect_vreg.gather [hbm4b:s5+s3], $0x80, v4, vm0, $0xb8;
	[tilespmem:$0x10080] =	vst v63  }
0x22: {  	v3 =	vadd.s32 v1, v3  }
0x23: {  	[tilespmem:s23], [sflag:$0x1] =	stream.indirect_vreg.gather [hbm4b:s6+s3], $0x80, v4, vm0, $0xb8;
	[tilespmem:$0x10080] =	vst v63  }
0x24: {  	_ = 	snop  }
0x25: {  	[tilespmem:s24], [sflag:$0x1] =	stream.indirect_vreg.gather [hbm4b:s7+s3], $0x80, v4, vm0, $0xb8;
	[tilespmem:$0x10080] =	vst v63  }
0x26: {  	_ = 	snop  }
0x27: {  	[tilespmem:s25], [sflag:$0x1] =	stream.indirect_vreg.gather [hbm4b:s1+s3], $0x80, v3, vm0, $0xb8;
	[tilespmem:$0x10080] =	vst v63  }
0x28: {  	_ = 	snop  }
0x29: {  	[tilespmem:s29], [sflag:$0x1] =	stream.indirect_vreg.gather [hbm4b:s5+s3], $0x80, v3, vm0, $0xb8;
	[tilespmem:$0x10080] =	vst v63  }
0x2a: {  	_ = 	snop  }
0x2b: {  	[tilespmem:s30], [sflag:$0x1] =	stream.indirect_vreg.gather [hbm4b:s6+s3], $0x80, v3, vm0, $0xb8;
	[tilespmem:$0x10080] =	vst v63  }
0x2c: {  	_ = 	snop  }
0x2d: {  	[tilespmem:s31], [sflag:$0x1] =	stream.indirect_vreg.gather [hbm4b:s7+s3], $0x80, v3, vm0, $0xb8;
	[tilespmem:$0x10080] =	vst v63  }
0x2e: {  	v3 =	vld [tilespmem:$0x10];
	_ =	sdelay $0x4  }
0x2f: {  	v57 =	vshll.u32 v3, $0x3  }
0x30: {  	v3 =	vand.u32 $0x7, v3;
	v4 =	vand.u32 $0xFFFFFFC0, v57  }
0x31: {  	v3 =	vor.u32 v3, v4  }
0x32: {  	v4 =	vperm.xlane v3, v0;
	_ =	sdelay $0x1  }
0x33: {  	v4 =	vadd.s32 v1, v4;
	_ =	sdelay $0x4  }
0x34: {  	[tilespmem:s2], [sflag:$0x1] =	stream.indirect_vreg.gather [hbm4b:s1+s3], $0x80, v4, vm0, $0xb8;
	[tilespmem:$0x10080] =	vst v63  }
0x35: {  	v3 =	vperm.xlane v3, v2  }
0x36: {  	[tilespmem:s4], [sflag:$0x1] =	stream.indirect_vreg.gather [hbm4b:s5+s3], $0x80, v4, vm0, $0xb8;
	[tilespmem:$0x10080] =	vst v63  }
0x37: {  	v3 =	vadd.s32 v1, v3  }
0x38: {  	[tilespmem:s11], [sflag:$0x1] =	stream.indirect_vreg.gather [hbm4b:s6+s3], $0x80, v4, vm0, $0xb8;
	[tilespmem:$0x10080] =	vst v63  }
0x39: {  	_ = 	snop  }
0x3a: {  	[tilespmem:s12], [sflag:$0x1] =	stream.indirect_vreg.gather [hbm4b:s7+s3], $0x80, v4, vm0, $0xb8;
	[tilespmem:$0x10080] =	vst v63  }
0x3b: {  	_ = 	snop  }
0x3c: {  	[tilespmem:s13], [sflag:$0x1] =	stream.indirect_vreg.gather [hbm4b:s1+s3], $0x80, v3, vm0, $0xb8;
	[tilespmem:$0x10080] =	vst v63  }
0x3d: {  	_ = 	snop  }
0x3e: {  	[tilespmem:s14], [sflag:$0x1] =	stream.indirect_vreg.gather [hbm4b:s5+s3], $0x80, v3, vm0, $0xb8;
	[tilespmem:$0x10080] =	vst v63  }
0x3f: {  	_ = 	snop  }
0x40: {  	[tilespmem:s15], [sflag:$0x1] =	stream.indirect_vreg.gather [hbm4b:s6+s3], $0x80, v3, vm0, $0xb8;
	[tilespmem:$0x10080] =	vst v63  }
0x41: {  	s0 =	simm.s32 $0x1  }
0x42: {  	[tilespmem:s16], [sflag:$0x1] =	stream.indirect_vreg.gather [hbm4b:s7+s3], $0x80, v3, vm0, $0xb8;
	[tilespmem:$0x10080] =	vst v63  }
0x43: {  	_ =	swait.ge [sflag:s0], $0x8000  }
0x44: {  	[sflag:s0] =	ssyncset.done $0x0  }
0x45: {  	[sflag:s0] =	ssyncadd.s32 $0xFFFF8000  }
0x46: {  	v3 =	vld [tilespmem:$0x20];
	_ =	sdelay $0x4  }
0x47: {  	v58 =	vshll.u32 v3, $0x3  }
0x48: {  	v3 =	vand.u32 $0x7, v3;
	v4 =	vand.u32 $0xFFFFFFC0, v58  }
0x49: {  	v3 =	vor.u32 v3, v4  }
0x4a: {  	v4 =	vperm.xlane v3, v0;
	_ =	sdelay $0x1  }
0x4b: {  	v4 =	vadd.s32 v1, v4;
	_ =	sdelay $0x4  }
0x4c: {  	[tilespmem:s26], [sflag:$0x2] =	stream.indirect_vreg.gather [hbm4b:s1+s3], $0x80, v4, vm0, $0xb8;
	[tilespmem:$0x10080] =	vst v63  }
0x4d: {  	v3 =	vperm.xlane v3, v2  }
0x4e: {  	[tilespmem:s17], [sflag:$0x2] =	stream.indirect_vreg.gather [hbm4b:s5+s3], $0x80, v4, vm0, $0xb8;
	[tilespmem:$0x10080] =	vst v63  }
0x4f: {  	v3 =	vadd.s32 v1, v3  }
0x50: {  	[tilespmem:s18], [sflag:$0x2] =	stream.indirect_vreg.gather [hbm4b:s6+s3], $0x80, v4, vm0, $0xb8;
	[tilespmem:$0x10080] =	vst v63  }
0x51: {  	_ = 	snop  }
0x52: {  	[tilespmem:s19], [sflag:$0x2] =	stream.indirect_vreg.gather [hbm4b:s7+s3], $0x80, v4, vm0, $0xb8;
	[tilespmem:$0x10080] =	vst v63  }
0x53: {  	s10 =	simm.s32 $0xA080  }
0x54: {  	[tilespmem:s10], [sflag:$0x2] =	stream.indirect_vreg.gather [hbm4b:s1+s3], $0x80, v3, vm0, $0xb8;
	[tilespmem:$0x10080] =	vst v63  }
0x55: {  	s10 =	simm.s32 $0xA880  }
0x56: {  	[tilespmem:s10], [sflag:$0x2] =	stream.indirect_vreg.gather [hbm4b:s5+s3], $0x80, v3, vm0, $0xb8;
	[tilespmem:$0x10080] =	vst v63  }
0x57: {  	s21 =	simm.s32 $0xB080  }
0x58: {  	[tilespmem:s21], [sflag:$0x2] =	stream.indirect_vreg.gather [hbm4b:s6+s3], $0x80, v3, vm0, $0xb8;
	[tilespmem:$0x10080] =	vst v63  }
0x59: {  	s21 =	simm.s32 $0xB880  }
0x5a: {  	[tilespmem:s21], [sflag:$0x2] =	stream.indirect_vreg.gather [hbm4b:s7+s3], $0x80, v3, vm0, $0xb8;
	[tilespmem:$0x10080] =	vst v63  }
0x5b: {  	v3 =	vld [tilespmem:$0x30];
	_ =	sdelay $0x4  }
0x5c: {  	v59 =	vshll.u32 v3, $0x3  }
0x5d: {  	v3 =	vand.u32 $0x7, v3;
	v4 =	vand.u32 $0xFFFFFFC0, v59  }
0x5e: {  	v3 =	vor.u32 v3, v4  }
0x5f: {  	v4 =	vperm.xlane v3, v0;
	_ =	sdelay $0x1  }
0x60: {  	v4 =	vadd.s32 v1, v4;
	_ =	sdelay $0x3  }
0x61: {  	s21 =	simm.s32 $0xC080  }
0x62: {  	[tilespmem:s21], [sflag:$0x2] =	stream.indirect_vreg.gather [hbm4b:s1+s3], $0x80, v4, vm0, $0xb8;
	[tilespmem:$0x10080] =	vst v63  }
0x63: {  	v3 =	vperm.xlane v3, v2;
	s21 =	simm.s32 $0xC880  }
0x64: {  	[tilespmem:s21], [sflag:$0x2] =	stream.indirect_vreg.gather [hbm4b:s5+s3], $0x80, v4, vm0, $0xb8;
	[tilespmem:$0x10080] =	vst v63  }
0x65: {  	v3 =	vadd.s32 v1, v3;
	s21 =	simm.s32 $0xD080  }
0x66: {  	[tilespmem:s21], [sflag:$0x2] =	stream.indirect_vreg.gather [hbm4b:s6+s3], $0x80, v4, vm0, $0xb8;
	[tilespmem:$0x10080] =	vst v63  }
0x67: {  	s21 =	simm.s32 $0xD880  }
0x68: {  	[tilespmem:s21], [sflag:$0x2] =	stream.indirect_vreg.gather [hbm4b:s7+s3], $0x80, v4, vm0, $0xb8;
	[tilespmem:$0x10080] =	vst v63  }
0x69: {  	s21 =	simm.s32 $0xE080  }
0x6a: {  	[tilespmem:s21], [sflag:$0x2] =	stream.indirect_vreg.gather [hbm4b:s1+s3], $0x80, v3, vm0, $0xb8;
	[tilespmem:$0x10080] =	vst v63  }
0x6b: {  	s21 =	simm.s32 $0xE880  }
0x6c: {  	[tilespmem:s21], [sflag:$0x2] =	stream.indirect_vreg.gather [hbm4b:s5+s3], $0x80, v3, vm0, $0xb8;
	[tilespmem:$0x10080] =	vst v63  }
0x6d: {  	s21 =	simm.s32 $0xF080  }
0x6e: {  	[tilespmem:s21], [sflag:$0x2] =	stream.indirect_vreg.gather [hbm4b:s6+s3], $0x80, v3, vm0, $0xb8;
	[tilespmem:$0x10080] =	vst v63  }
0x6f: {  	s21 =	simm.s32 $0xF880  }
0x70: {  	[tilespmem:s21], [sflag:$0x2] =	stream.indirect_vreg.gather [hbm4b:s7+s3], $0x80, v3, vm0, $0xb8;
	[tilespmem:$0x10080] =	vst v63  }
0x71: {  	s21 =	rddreg [dreg:$0x8]  }
0x72: {  	[hbm4b:s21+s3] =	stream.linear.scatter [tilespmem:s28], [sflag:$0x3], $0x8000, $0x38;
	[tilespmem:$0x10080] =	vst v63  }
0x73: {  	_ =	swait.ge [sflag:s9], $0x8000  }
0x74: {  	[sflag:s9] =	ssyncset.done $0x0  }
0x75: {  	[sflag:s9] =	ssyncadd.s32 $0xFFFF8000  }
0x76: {  	_ =	swait.ge [sflag:s20], $0x8000  }
0x77: {  	[sflag:s20] =	ssyncset.done $0x0  }
0x78: {  	[sflag:s20] =	ssyncadd.s32 $0xFFFF8000  }
0x79: {  	v3 =	vld [tilespmem:$0x40];
	_ =	sdelay $0x4  }
0x7a: {  	v60 =	vshll.u32 v3, $0x3  }
0x7b: {  	v3 =	vand.u32 $0x7, v3;
	v4 =	vand.u32 $0xFFFFFFC0, v60  }
0x7c: {  	v3 =	vor.u32 v3, v4  }
0x7d: {  	v4 =	vperm.xlane v3, v0;
	_ =	sdelay $0x1  }
0x7e: {  	v4 =	vadd.s32 v1, v4;
	_ =	sdelay $0x4  }
0x7f: {  	[tilespmem:s28], [sflag:$0x1] =	stream.indirect_vreg.gather [hbm4b:s1+s3], $0x80, v4, vm0, $0xb8;
	[tilespmem:$0x10080] =	vst v63  }
0x80: {  	v3 =	vperm.xlane v3, v2  }
0x81: {  	[tilespmem:s22], [sflag:$0x1] =	stream.indirect_vreg.gather [hbm4b:s5+s3], $0x80, v4, vm0, $0xb8;
	[tilespmem:$0x10080] =	vst v63  }
0x82: {  	v3 =	vadd.s32 v1, v3  }
0x83: {  	[tilespmem:s23], [sflag:$0x1] =	stream.indirect_vreg.gather [hbm4b:s6+s3], $0x80, v4, vm0, $0xb8;
	[tilespmem:$0x10080] =	vst v63  }
0x84: {  	_ = 	snop  }
0x85: {  	[tilespmem:s24], [sflag:$0x1] =	stream.indirect_vreg.gather [hbm4b:s7+s3], $0x80, v4, vm0, $0xb8;
	[tilespmem:$0x10080] =	vst v63  }
0x86: {  	_ = 	snop  }
0x87: {  	[tilespmem:s25], [sflag:$0x1] =	stream.indirect_vreg.gather [hbm4b:s1+s3], $0x80, v3, vm0, $0xb8;
	[tilespmem:$0x10080] =	vst v63  }
0x88: {  	_ = 	snop  }
0x89: {  	[tilespmem:s29], [sflag:$0x1] =	stream.indirect_vreg.gather [hbm4b:s5+s3], $0x80, v3, vm0, $0xb8;
	[tilespmem:$0x10080] =	vst v63  }
0x8a: {  	_ = 	snop  }
0x8b: {  	[tilespmem:s30], [sflag:$0x1] =	stream.indirect_vreg.gather [hbm4b:s6+s3], $0x80, v3, vm0, $0xb8;
	[tilespmem:$0x10080] =	vst v63  }
0x8c: {  	_ = 	snop  }
0x8d: {  	[tilespmem:s31], [sflag:$0x1] =	stream.indirect_vreg.gather [hbm4b:s7+s3], $0x80, v3, vm0, $0xb8;
	[tilespmem:$0x10080] =	vst v63  }
0x8e: {  	v3 =	vld [tilespmem:$0x50];
	_ =	sdelay $0x4  }
0x8f: {  	v61 =	vshll.u32 v3, $0x3  }
0x90: {  	v3 =	vand.u32 $0x7, v3;
	v4 =	vand.u32 $0xFFFFFFC0, v61  }
0x91: {  	v3 =	vor.u32 v3, v4  }
0x92: {  	v4 =	vperm.xlane v3, v0;
	_ =	sdelay $0x1  }
0x93: {  	v4 =	vadd.s32 v1, v4;
	_ =	sdelay $0x4  }
0x94: {  	[tilespmem:s2], [sflag:$0x1] =	stream.indirect_vreg.gather [hbm4b:s1+s3], $0x80, v4, vm0, $0xb8;
	[tilespmem:$0x10080] =	vst v63  }
0x95: {  	v3 =	vperm.xlane v3, v2  }
0x96: {  	[tilespmem:s4], [sflag:$0x1] =	stream.indirect_vreg.gather [hbm4b:s5+s3], $0x80, v4, vm0, $0xb8;
	[tilespmem:$0x10080] =	vst v63  }
0x97: {  	v3 =	vadd.s32 v1, v3  }
0x98: {  	[tilespmem:s11], [sflag:$0x1] =	stream.indirect_vreg.gather [hbm4b:s6+s3], $0x80, v4, vm0, $0xb8;
	[tilespmem:$0x10080] =	vst v63  }
0x99: {  	_ = 	snop  }
0x9a: {  	[tilespmem:s12], [sflag:$0x1] =	stream.indirect_vreg.gather [hbm4b:s7+s3], $0x80, v4, vm0, $0xb8;
	[tilespmem:$0x10080] =	vst v63  }
0x9b: {  	_ = 	snop  }
0x9c: {  	[tilespmem:s13], [sflag:$0x1] =	stream.indirect_vreg.gather [hbm4b:s1+s3], $0x80, v3, vm0, $0xb8;
	[tilespmem:$0x10080] =	vst v63  }
0x9d: {  	_ = 	snop  }
0x9e: {  	[tilespmem:s14], [sflag:$0x1] =	stream.indirect_vreg.gather [hbm4b:s5+s3], $0x80, v3, vm0, $0xb8;
	[tilespmem:$0x10080] =	vst v63  }
0x9f: {  	_ = 	snop  }
0xa0: {  	[tilespmem:s15], [sflag:$0x1] =	stream.indirect_vreg.gather [hbm4b:s6+s3], $0x80, v3, vm0, $0xb8;
	[tilespmem:$0x10080] =	vst v63  }
0xa1: {  	_ = 	snop  }
0xa2: {  	[tilespmem:s16], [sflag:$0x1] =	stream.indirect_vreg.gather [hbm4b:s7+s3], $0x80, v3, vm0, $0xb8;
	[tilespmem:$0x10080] =	vst v63  }
0xa3: {  	s21 =	rddreg [dreg:$0x5]  }
0xa4: {  	[hbm4b:s21+s3] =	stream.linear.scatter [tilespmem:s26], [sflag:$0x3], $0x8000, $0x38;
	[tilespmem:$0x10080] =	vst v63  }
0xa5: {  	_ =	swait.ge [sflag:s9], $0x8000  }
0xa6: {  	[sflag:s9] =	ssyncset.done $0x0  }
0xa7: {  	[sflag:s9] =	ssyncadd.s32 $0xFFFF8000  }
0xa8: {  	_ =	swait.ge [sflag:s0], $0x8000  }
0xa9: {  	[sflag:s0] =	ssyncset.done $0x0  }
0xaa: {  	[sflag:s0] =	ssyncadd.s32 $0xFFFF8000  }
0xab: {  	v3 =	vld [tilespmem:$0x60];
	_ =	sdelay $0x4  }
0xac: {  	v62 =	vshll.u32 v3, $0x3  }
0xad: {  	v3 =	vand.u32 $0x7, v3;
	v4 =	vand.u32 $0xFFFFFFC0, v62  }
0xae: {  	v3 =	vor.u32 v3, v4  }
0xaf: {  	v4 =	vperm.xlane v3, v0;
	_ =	sdelay $0x1  }
0xb0: {  	v4 =	vadd.s32 v1, v4;
	_ =	sdelay $0x4  }
0xb1: {  	[tilespmem:s26], [sflag:$0x2] =	stream.indirect_vreg.gather [hbm4b:s1+s3], $0x80, v4, vm0, $0xb8;
	[tilespmem:$0x10080] =	vst v63  }
0xb2: {  	v3 =	vperm.xlane v3, v2  }
0xb3: {  	[tilespmem:s17], [sflag:$0x2] =	stream.indirect_vreg.gather [hbm4b:s5+s3], $0x80, v4, vm0, $0xb8;
	[tilespmem:$0x10080] =	vst v63  }
0xb4: {  	v3 =	vadd.s32 v1, v3  }
0xb5: {  	[tilespmem:s18], [sflag:$0x2] =	stream.indirect_vreg.gather [hbm4b:s6+s3], $0x80, v4, vm0, $0xb8;
	[tilespmem:$0x10080] =	vst v63  }
0xb6: {  	_ = 	snop  }
0xb7: {  	[tilespmem:s19], [sflag:$0x2] =	stream.indirect_vreg.gather [hbm4b:s7+s3], $0x80, v4, vm0, $0xb8;
	[tilespmem:$0x10080] =	vst v63  }
0xb8: {  	s21 =	simm.s32 $0xA080  }
0xb9: {  	[tilespmem:s21], [sflag:$0x2] =	stream.indirect_vreg.gather [hbm4b:s1+s3], $0x80, v3, vm0, $0xb8;
	[tilespmem:$0x10080] =	vst v63  }
0xba: {  	_ = 	snop  }
0xbb: {  	[tilespmem:s10], [sflag:$0x2] =	stream.indirect_vreg.gather [hbm4b:s5+s3], $0x80, v3, vm0, $0xb8;
	[tilespmem:$0x10080] =	vst v63  }
0xbc: {  	s21 =	simm.s32 $0xB080  }
0xbd: {  	[tilespmem:s21], [sflag:$0x2] =	stream.indirect_vreg.gather [hbm4b:s6+s3], $0x80, v3, vm0, $0xb8;
	[tilespmem:$0x10080] =	vst v63  }
0xbe: {  	s10 =	simm.s32 $0xB880  }
0xbf: {  	[tilespmem:s10], [sflag:$0x2] =	stream.indirect_vreg.gather [hbm4b:s7+s3], $0x80, v3, vm0, $0xb8;
	[tilespmem:$0x10080] =	vst v63  }
0xc0: {  	v3 =	vld [tilespmem:$0x70];
	_ =	sdelay $0x4  }
0xc1: {  	v63 =	vshll.u32 v3, $0x3  }
0xc2: {  	v3 =	vand.u32 $0x7, v3;
	v4 =	vand.u32 $0xFFFFFFC0, v63  }
0xc3: {  	v3 =	vor.u32 v3, v4  }
0xc4: {  	v4 =	vperm.xlane v3, v0;
	_ =	sdelay $0x1  }
0xc5: {  	v4 =	vadd.s32 v1, v4;
	_ =	sdelay $0x3  }
0xc6: {  	s21 =	simm.s32 $0xC080  }
0xc7: {  	[tilespmem:s21], [sflag:$0x2] =	stream.indirect_vreg.gather [hbm4b:s1+s3], $0x80, v4, vm0, $0xb8;
	[tilespmem:$0x10080] =	vst v63  }
0xc8: {  	s10 =	simm.s32 $0xC880;
	v3 =	vperm.xlane v3, v2  }
0xc9: {  	[tilespmem:s10], [sflag:$0x2] =	stream.indirect_vreg.gather [hbm4b:s5+s3], $0x80, v4, vm0, $0xb8;
	[tilespmem:$0x10080] =	vst v63  }
0xca: {  	v3 =	vadd.s32 v1, v3;
	s21 =	simm.s32 $0xD080  }
0xcb: {  	[tilespmem:s21], [sflag:$0x2] =	stream.indirect_vreg.gather [hbm4b:s6+s3], $0x80, v4, vm0, $0xb8;
	[tilespmem:$0x10080] =	vst v63  }
0xcc: {  	s10 =	simm.s32 $0xD880  }
0xcd: {  	[tilespmem:s10], [sflag:$0x2] =	stream.indirect_vreg.gather [hbm4b:s7+s3], $0x80, v4, vm0, $0xb8;
	[tilespmem:$0x10080] =	vst v63  }
0xce: {  	s21 =	simm.s32 $0xE080  }
0xcf: {  	[tilespmem:s21], [sflag:$0x2] =	stream.indirect_vreg.gather [hbm4b:s1+s3], $0x80, v3, vm0, $0xb8;
	[tilespmem:$0x10080] =	vst v63  }
0xd0: {  	s10 =	simm.s32 $0xE880  }
0xd1: {  	[tilespmem:s10], [sflag:$0x2] =	stream.indirect_vreg.gather [hbm4b:s5+s3], $0x80, v3, vm0, $0xb8;
	[tilespmem:$0x10080] =	vst v63  }
0xd2: {  	s21 =	simm.s32 $0xF080  }
0xd3: {  	[tilespmem:s21], [sflag:$0x2] =	stream.indirect_vreg.gather [hbm4b:s6+s3], $0x80, v3, vm0, $0xb8;
	[tilespmem:$0x10080] =	vst v63  }
0xd4: {  	s10 =	simm.s32 $0xF880  }
0xd5: {  	[tilespmem:s10], [sflag:$0x2] =	stream.indirect_vreg.gather [hbm4b:s7+s3], $0x80, v3, vm0, $0xb8;
	[tilespmem:$0x10080] =	vst v63  }
0xd6: {  	s21 =	rddreg [dreg:$0x6]  }
0xd7: {  	[hbm4b:s21+s3] =	stream.linear.scatter [tilespmem:s28], [sflag:$0x3], $0x8000, $0x38;
	[tilespmem:$0x10080] =	vst v63  }
0xd8: {  	_ =	swait.ge [sflag:s9], $0x8000  }
0xd9: {  	[sflag:s9] =	ssyncset.done $0x0  }
0xda: {  	[sflag:s9] =	ssyncadd.s32 $0xFFFF8000  }
0xdb: {  	_ =	swait.ge [sflag:s20], $0x8000  }
0xdc: {  	p0 =	sne.s32 s8, $0x1;
	[sflag:s20] =	ssyncset.done $0x0  }
.Ltmp0:
0xdd: {  	s10 =	rddreg [dreg:$0x7];
	[sflag:s20] =	ssyncadd.s32 $0xFFFF8000;
	(pc) =	sbr.rel @p0 .LBB2_1-.Ltmp0, $4  }
0xde: {  	[hbm4b:s10+s3] =	stream.linear.scatter [tilespmem:s26], [sflag:$0x3], $0x8000, $0x38;
	[tilespmem:$0x10080] =	vst v63  }
0xdf: {  	_ =	swait.ge [sflag:s9], $0x8000  }
0xe0: {  	[sflag:s9] =	ssyncset.done $0x0  }
0xe1: {  	s8 =	sadd.s32 $0xFFFFFFFF, s8;
	[sflag:s9] =	ssyncadd.s32 $0xFFFF8000  }
0xe2: {  	_ =	sfence.sel $0x180000  }
0xe3: {  	[bflag:$0x0] =	sbarrier.arrive $0xFFFF  }
0xe4: {  	_ =	strace $0x9000004A  }
0xe5: {  	s0 =	stileid.u32;
	[bflag:$0x2] =	sbarrier.arrive $0xFFFF  }
0xe6: {  	p0 =	sne.s32 s0, $0x0;
	s0 =	rddreg [dreg:$0x3]  }
0xe7: {  	s0 =	sadd.s32 @!p0 $0x100000, s0  }
0xe8: {  	[sflag:s0] =	ssyncadd.tile.s32 @!p0 $0x1;
	_ =	shalt  }
.Lfunc_end2:
_tile_overlayer_lowered:
.L_overlay_start_2:
0xe9: {  	(tag) =	ssettag $0x2  }
0xea: {  	s0 =	rddreg [dreg:$0x0];
	s2 =	stileid.u32  }
0xeb: {  	s1 =	rddreg [dreg:$0x1];
	p0 =	sne.s32 s2, $0x0  }
0xec: {  	s3 =	rddreg [dreg:$0x2];
	[bflag:$0x3] =	sbarrier.arrive $0xFFFF;
	s2 =	simm.s32 @!p0 $0x1C03  }
0xed: {  	[timem:s3], [sflag:s2] =	dma.local @!p0 [hbm:s0], s1  }
0xee: {  	s0 =	simm.s32 @!p0 $0x3  }
0xef: {  	_ =	swait.ge @!p0 [sflag:s0], s1  }
0xf0: {  	s1 =	ssub.s32 @!p0 $0x0, s1;
	[sflag:s0] =	ssyncset.done @!p0 $0x0  }
0xf1: {  	[sflag:s0] =	ssyncadd.s32 @!p0 s1  }
0xf2: {  	[bflag:$0x3] =	sbarrier.arrive $0xFFFF  }
0xf3: {  	_ =	shalt  }

</sc_bundles>
